<compile_context>
chip_gen: v7x
topology: tpu7x:2x2x1
jax: 0.10.2.dev20260603
libtpu: 0.0.44.dev20260713+nightly
codegen_flags: <defaults>
</compile_context>

<pallas_src>
import jax
import jax.numpy as jnp
from jax import lax
from jax.experimental import pallas as pl
from jax.experimental.pallas import tpu as pltpu
from jax.experimental.pallas import tpu_sc as plsc

N = 10000
E = 320000
D_IN = 128
D_H = 64

NC = 2
NS = 16
NW = NC * NS
CHUNK = 128
CH = 80
GRP = 8
DGRP = 16
E_PAD = NW * CH * CHUNK
N_PAD = 10240
RPT = N_PAD // NS

_mesh = plsc.VectorSubcoreMesh(core_axis_name="c", subcore_axis_name="s")
_sc_params = pltpu.CompilerParams(use_tc_tiling_on_sc=False)



def _deg_body(src_hbm, dst_hbm, ones_hbm, z1_hbm, out_hbm,
              src_v, dst_v, ones_v, dego_sh, degi_sh, sem0, sem1):
    c = lax.axis_index("c")
    s = lax.axis_index("s")
    wid = c * NS + s
    pltpu.sync_copy(src_hbm.at[wid], src_v)
    pltpu.sync_copy(dst_hbm.at[wid], dst_v)
    pltpu.sync_copy(ones_hbm, ones_v)
    sl = pl.ds(s * RPT, RPT)
    pltpu.sync_copy(z1_hbm.at[sl], dego_sh.at[sl])
    pltpu.sync_copy(z1_hbm.at[sl], degi_sh.at[sl])
    plsc.subcore_barrier()

    @pl.loop(0, CH // DGRP)
    def _(j):
        pltpu.async_copy(ones_v, dego_sh.at[src_v.at[j]], sem0, add=True)
        pltpu.async_copy(ones_v, degi_sh.at[dst_v.at[j]], sem1, add=True)

    @pl.loop(0, CH // DGRP)
    def _(j):
        pltpu.make_async_copy(ones_v, dego_sh.at[src_v.at[0]], sem0).wait()
        pltpu.make_async_copy(ones_v, degi_sh.at[dst_v.at[0]], sem1).wait()

    plsc.subcore_barrier()
    pltpu.sync_copy(dego_sh.at[sl], out_hbm.at[c, 0, sl])
    pltpu.sync_copy(degi_sh.at[sl], out_hbm.at[c, 1, sl])


_deg_call = pl.kernel(
    _deg_body,
    out_type=jax.ShapeDtypeStruct((NC, 2, N_PAD), jnp.float32),
    mesh=_mesh,
    scratch_types=[
        pltpu.VMEM((CH // DGRP, DGRP * CHUNK), jnp.int32),
        pltpu.VMEM((CH // DGRP, DGRP * CHUNK), jnp.int32),
        pltpu.VMEM((DGRP * CHUNK,), jnp.float32),
        pltpu.VMEM_SHARED((N_PAD,), jnp.float32),
        pltpu.VMEM_SHARED((N_PAD,), jnp.float32),
        pltpu.SemaphoreType.DMA,
        pltpu.SemaphoreType.DMA,
    ],
    compiler_params=_sc_params,
)


def _layer_body(h_hbm, src_hbm, dst_hbm, out_hbm,
                src_v, dst_v, rows0_v, rows1_v, h_sh, agg_sh, sem0, sem1):
    c = lax.axis_index("c")
    s = lax.axis_index("s")
    wid = c * NS + s
    sl = pl.ds(s * RPT, RPT)

    pltpu.async_copy(h_hbm.at[sl], h_sh.at[sl], sem0)
    pltpu.async_copy(src_hbm.at[wid], src_v, sem1)
    pltpu.async_copy(dst_hbm.at[wid], dst_v, sem1)

    zv = jnp.zeros((32,), jnp.bfloat16)

    @pl.loop(0, RPT)
    def _(r):
        for cb in range(D_H // 32):
            rows0_v[r, pl.ds(cb * 32, 32)] = zv

    pltpu.sync_copy(rows0_v.at[pl.ds(0, RPT)], agg_sh.at[sl])
    pltpu.make_async_copy(src_hbm.at[wid], src_v, sem1).wait()
    pltpu.make_async_copy(dst_hbm.at[wid], dst_v, sem1).wait()
    pltpu.make_async_copy(h_hbm.at[sl], h_sh.at[sl], sem0).wait()
    plsc.subcore_barrier()

    pltpu.async_copy(h_sh.at[src_v.at[0]], rows0_v, sem0)
    pltpu.async_copy(h_sh.at[src_v.at[1]], rows1_v, sem1)

    @pl.loop(0, CH // GRP // 2 - 1)
    def _(k):
        j = 2 * k
        pltpu.make_async_copy(h_sh.at[src_v.at[0]], rows0_v, sem0).wait()
        pltpu.sync_copy(rows0_v, agg_sh.at[dst_v.at[j]], add=True)
        pltpu.async_copy(h_sh.at[src_v.at[j + 2]], rows0_v, sem0)
        pltpu.make_async_copy(h_sh.at[src_v.at[1]], rows1_v, sem1).wait()
        pltpu.sync_copy(rows1_v, agg_sh.at[dst_v.at[j + 1]], add=True)
        pltpu.async_copy(h_sh.at[src_v.at[j + 3]], rows1_v, sem1)

    pltpu.make_async_copy(h_sh.at[src_v.at[0]], rows0_v, sem0).wait()
    pltpu.sync_copy(rows0_v, agg_sh.at[dst_v.at[CH // GRP - 2]], add=True)
    pltpu.make_async_copy(h_sh.at[src_v.at[1]], rows1_v, sem1).wait()
    pltpu.sync_copy(rows1_v, agg_sh.at[dst_v.at[CH // GRP - 1]], add=True)

    plsc.subcore_barrier()
    pltpu.sync_copy(agg_sh.at[sl], out_hbm.at[c, sl])


_layer_call = pl.kernel(
    _layer_body,
    out_type=jax.ShapeDtypeStruct((NC, N_PAD, D_H), jnp.bfloat16),
    mesh=_mesh,
    scratch_types=[
        pltpu.VMEM((CH // GRP, GRP * CHUNK), jnp.int32),
        pltpu.VMEM((CH // GRP, GRP * CHUNK), jnp.int32),
        pltpu.VMEM((GRP * CHUNK, D_H), jnp.bfloat16),
        pltpu.VMEM((GRP * CHUNK, D_H), jnp.bfloat16),
        pltpu.VMEM_SHARED((N_PAD, D_H), jnp.bfloat16),
        pltpu.VMEM_SHARED((N_PAD, D_H), jnp.bfloat16),
        pltpu.SemaphoreType.DMA,
        pltpu.SemaphoreType.DMA,
    ],
    compiler_params=_sc_params,
)



def _mm_body(f_ref, w_ref, xw_ref):
    xw_ref[...] = jnp.dot(f_ref[...], w_ref[...],
                          preferred_element_type=jnp.float32,
                          precision=lax.Precision.HIGHEST)


_mm_call = pl.pallas_call(
    _mm_body,
    out_shape=jax.ShapeDtypeStruct((N_PAD, D_H), jnp.float32),
)


def _prep_body(degp_ref, xw_ref, h_ref, ns_ref, nd_ref):
    dego = degp_ref[0, 0:1, :] + degp_ref[1, 0:1, :]
    degi = degp_ref[0, 1:2, :] + degp_ref[1, 1:2, :]
    ns_row = jnp.where(dego > 0.0, lax.rsqrt(jnp.maximum(dego, 1.0)), 0.0)
    nd_row = jnp.where(degi > 0.0, lax.rsqrt(jnp.maximum(degi, 1.0)), 0.0)
    ns_col = jnp.transpose(ns_row, (1, 0))
    nd_col = jnp.transpose(nd_row, (1, 0))
    ns_ref[...] = ns_col
    nd_ref[...] = nd_col
    h_ref[...] = (xw_ref[...] * ns_col).astype(jnp.bfloat16)


_prep_call = pl.pallas_call(
    _prep_body,
    out_shape=(
        jax.ShapeDtypeStruct((N_PAD, D_H), jnp.bfloat16),
        jax.ShapeDtypeStruct((N_PAD, 1), jnp.float32),
        jax.ShapeDtypeStruct((N_PAD, 1), jnp.float32),
    ),
)


def _combine_body(aggp_ref, nd_ref, ns_ref, b_ref, w_ref, h_ref):
    p = aggp_ref[0].astype(jnp.float32) + aggp_ref[1].astype(jnp.float32)
    x = jnp.maximum(p * nd_ref[...] + b_ref[...], 0.0)
    h_ref[...] = (jnp.dot(x, w_ref[...],
                          preferred_element_type=jnp.float32,
                          precision=lax.Precision.HIGHEST)
                  * ns_ref[...]).astype(jnp.bfloat16)


_combine_call = pl.pallas_call(
    _combine_body,
    out_shape=jax.ShapeDtypeStruct((N_PAD, D_H), jnp.bfloat16),
)


def _final_body(aggp_ref, nd_ref, b_ref, out_ref):
    p = aggp_ref[0].astype(jnp.float32) + aggp_ref[1].astype(jnp.float32)
    x = jnp.maximum(p * nd_ref[...] + b_ref[...], 0.0)
    out_ref[...] = jnp.sum(x[:N, :], axis=0, keepdims=True) * (1.0 / N)


_final_call = pl.pallas_call(
    _final_body,
    out_shape=jax.ShapeDtypeStruct((1, D_H), jnp.float32),
)



def kernel(features, edge_index, W1, b1, W2, b2, W3, b3):
    src = edge_index[0]
    dst = edge_index[1]
    padv = jnp.full((E_PAD - E,), N, dtype=jnp.int32)
    srcp = jnp.concatenate([src, padv]).reshape(NW, CH // GRP, GRP * CHUNK)
    dstp = jnp.concatenate([dst, padv]).reshape(NW, CH // GRP, GRP * CHUNK)
    featp = jnp.pad(features, ((0, N_PAD - N), (0, 0)))
    ones = jnp.ones((DGRP * CHUNK,), jnp.float32)
    z1 = jnp.zeros((N_PAD,), jnp.float32)
    srcd = srcp.reshape(NW, CH // DGRP, DGRP * CHUNK)
    dstd = dstp.reshape(NW, CH // DGRP, DGRP * CHUNK)

    degp = _deg_call(srcd, dstd, ones, z1)
    xw1 = _mm_call(featp, W1)
    h, ns_col, nd_col = _prep_call(degp, xw1)

    agg1 = _layer_call(h, srcp, dstp)
    h2 = _combine_call(agg1, nd_col, ns_col, b1.reshape(1, D_H), W2)
    agg2 = _layer_call(h2, srcp, dstp)
    h3 = _combine_call(agg2, nd_col, ns_col, b2.reshape(1, D_H), W3)
    agg3 = _layer_call(h3, srcp, dstp)
    out = _final_call(agg3, nd_col, b3.reshape(1, D_H))
    return out.reshape(D_H)

# --- scband reference (transcript-rebuilt; emitter-appended) ---
"""Pipeline reference for scband-graph-encoder-69441031242027 (READ-ONLY COPY).

The authoritative reference and input builder live on the scoring server;
editing this copy changes nothing except your own understanding.
"""

import jax, jax.numpy as jnp
import numpy as np

N = 10000
E = 320000
D_IN = 128
D_H = 64


def _glorot(key, shape):
    fan_in, fan_out = shape[0], shape[1]
    limit = np.sqrt(6.0 / (fan_in + fan_out))
    return jax.random.uniform(key, shape, dtype=jnp.float32, minval=-limit, maxval=limit)


def setup_inputs(seed: int = 0) -> dict:
    key = jax.random.key(seed)
    ks = jax.random.split(key, 8)
    features = jax.random.normal(ks[0], (N, D_IN), dtype=jnp.float32)
    edge_index = jax.random.randint(ks[1], (2, E), 0, N, dtype=jnp.int32)
    W1 = _glorot(ks[2], (D_IN, D_H))
    b1 = jnp.zeros((D_H,), dtype=jnp.float32)
    W2 = _glorot(ks[3], (D_H, D_H))
    b2 = jnp.zeros((D_H,), dtype=jnp.float32)
    W3 = _glorot(ks[4], (D_H, D_H))
    b3 = jnp.zeros((D_H,), dtype=jnp.float32)
    return {"features": features, "edge_index": edge_index, "W1": W1, "b1": b1, "W2": W2, "b2": b2, "W3": W3, "b3": b3}


def _graph_conv(x, src, dst, W, b):
    # DGL GraphConv with norm='both':
    #   h = D_out^{-1/2} applied to src feats, scatter-add to dst, then D_in^{-1/2}, linear W, + bias
    h = x @ W  # weight application commutes with the (linear) normalized aggregation
    out_deg = jnp.zeros((x.shape[0],), dtype=jnp.float32).at[src].add(1.0)
    in_deg = jnp.zeros((x.shape[0],), dtype=jnp.float32).at[dst].add(1.0)
    norm_src = jnp.where(out_deg > 0, 1.0 / jnp.sqrt(jnp.maximum(out_deg, 1.0)), 0.0)
    norm_dst = jnp.where(in_deg > 0, 1.0 / jnp.sqrt(jnp.maximum(in_deg, 1.0)), 0.0)
    h = h * norm_src[:, None]
    msgs = jnp.take(h, src, axis=0)  # gather src features per edge
    agg = jnp.zeros((x.shape[0], h.shape[1]), dtype=jnp.float32).at[dst].add(msgs)  # scatter-add
    agg = agg * norm_dst[:, None]
    return agg + b


def reference(features, edge_index, W1, b1, W2, b2, W3, b3):
    src = edge_index[0]
    dst = edge_index[1]
    x = jax.nn.relu(_graph_conv(features, src, dst, W1, b1))
    x = jax.nn.relu(_graph_conv(x, src, dst, W2, b2))
    x = jax.nn.relu(_graph_conv(x, src, dst, W3, b3))
    graph_embedding = jnp.mean(x, axis=0)
    return graph_embedding

if __name__ == "__main__":
    import jax
    _d = setup_inputs()
    print(jax.jit(kernel)(*tuple(_d.values())))

</pallas_src>

<mosaic_0001>
#map = affine_map<(d0, d1) -> (0, 0)>
#map1 = affine_map<(d0, d1) -> (0, 0, 0)>
module attributes {stable_mosaic.version = 14 : i64} {
  func.func @_layer_body(%arg0: i32, %arg1: i32, %arg2: memref<10240x64xbf16, #tpu.memory_space<hbm>>, %arg3: memref<32x10x1024xi32, #tpu.memory_space<hbm>>, %arg4: memref<32x10x1024xi32, #tpu.memory_space<hbm>>, %arg5: memref<2x10240x64xbf16, #tpu.memory_space<hbm>>, %arg6: memref<10x1024xi32, #tpu.memory_space<vmem>>, %arg7: memref<10x1024xi32, #tpu.memory_space<vmem>>, %arg8: memref<1024x64xbf16, #tpu.memory_space<vmem>>, %arg9: memref<1024x64xbf16, #tpu.memory_space<vmem>>, %arg10: memref<10240x64xbf16, #tpu.memory_space<vmem_shared>>, %arg11: memref<10240x64xbf16, #tpu.memory_space<vmem_shared>>, %arg12: memref<!tpu.dma_semaphore, #tpu.memory_space<semaphore_mem>>, %arg13: memref<!tpu.dma_semaphore, #tpu.memory_space<semaphore_mem>>) attributes {dimension_semantics = [#tpu.dimension_semantics<core_parallel>, #tpu.dimension_semantics<subcore_parallel>], iteration_bounds = array<i64: 2, 16>, scalar_prefetch = 0 : i64, scratch_operands = 8 : i64, tpu.core_type = #tpu.core_type<sc_vector_subcore>, window_params = [{transform_indices = #map}, {transform_indices = #map1}, {transform_indices = #map1}, {transform_indices = #map1}]} {
    %mul3A = arith.constant 16 : i32
    %mul3A_0 = arith.muli %arg0, %mul3A : i32
    %add3A = arith.addi %mul3A_0, %arg1 : i32
    %mul3A_1 = arith.constant 640 : i32
    %mul3A_2 = arith.muli %arg1, %mul3A_1 : i32
    %dma_start3A = arith.constant 0 : i32
    %dma_start3A_3 = tpu.memref_slice %arg10[%mul3A_2, %dma_start3A] : memref<10240x64xbf16, #tpu.memory_space<vmem_shared>> -> memref<640x64xbf16, #tpu.memory_space<vmem_shared>>
    %dma_start3A_4 = arith.constant 0 : i32
    %dma_start3A_5 = tpu.memref_slice %arg2[%mul3A_2, %dma_start3A_4] : memref<10240x64xbf16, #tpu.memory_space<hbm>> -> memref<640x64xbf16, #tpu.memory_space<hbm>>
    tpu.enqueue_dma source(%dma_start3A_5 : memref<640x64xbf16, #tpu.memory_space<hbm>>) target(%dma_start3A_3 : memref<640x64xbf16, #tpu.memory_space<vmem_shared>>) target_semaphore(%arg12 : memref<!tpu.dma_semaphore, #tpu.memory_space<semaphore_mem>>)
    %dma_start3A_6 = arith.constant 0 : i32
    %dma_start3A_7 = arith.constant 0 : i32
    %dma_start3A_8 = tpu.memref_slice %arg3[%add3A, %dma_start3A_6, %dma_start3A_7] : memref<32x10x1024xi32, #tpu.memory_space<hbm>> -> memref<1x10x1024xi32, #tpu.memory_space<hbm>>
    %dma_start3A_9 = tpu.memref_squeeze %dma_start3A_8 : memref<1x10x1024xi32, #tpu.memory_space<hbm>> -> memref<10x1024xi32, #tpu.memory_space<hbm>>
    %dma_start3A_10 = arith.constant 0 : i32
    %dma_start3A_11 = arith.constant 0 : i32
    %dma_start3A_12 = tpu.memref_slice %arg3[%add3A, %dma_start3A_10, %dma_start3A_11] : memref<32x10x1024xi32, #tpu.memory_space<hbm>> -> memref<1x10x1024xi32, #tpu.memory_space<hbm>>
    %dma_start3A_13 = tpu.memref_squeeze %dma_start3A_12 : memref<1x10x1024xi32, #tpu.memory_space<hbm>> -> memref<10x1024xi32, #tpu.memory_space<hbm>>
    tpu.enqueue_dma source(%dma_start3A_13 : memref<10x1024xi32, #tpu.memory_space<hbm>>) target(%arg6 : memref<10x1024xi32, #tpu.memory_space<vmem>>) target_semaphore(%arg13 : memref<!tpu.dma_semaphore, #tpu.memory_space<semaphore_mem>>)
    %dma_start3A_14 = arith.constant 0 : i32
    %dma_start3A_15 = arith.constant 0 : i32
    %dma_start3A_16 = tpu.memref_slice %arg4[%add3A, %dma_start3A_14, %dma_start3A_15] : memref<32x10x1024xi32, #tpu.memory_space<hbm>> -> memref<1x10x1024xi32, #tpu.memory_space<hbm>>
    %dma_start3A_17 = tpu.memref_squeeze %dma_start3A_16 : memref<1x10x1024xi32, #tpu.memory_space<hbm>> -> memref<10x1024xi32, #tpu.memory_space<hbm>>
    %dma_start3A_18 = arith.constant 0 : i32
    %dma_start3A_19 = arith.constant 0 : i32
    %dma_start3A_20 = tpu.memref_slice %arg4[%add3A, %dma_start3A_18, %dma_start3A_19] : memref<32x10x1024xi32, #tpu.memory_space<hbm>> -> memref<1x10x1024xi32, #tpu.memory_space<hbm>>
    %dma_start3A_21 = tpu.memref_squeeze %dma_start3A_20 : memref<1x10x1024xi32, #tpu.memory_space<hbm>> -> memref<10x1024xi32, #tpu.memory_space<hbm>>
    tpu.enqueue_dma source(%dma_start3A_21 : memref<10x1024xi32, #tpu.memory_space<hbm>>) target(%arg7 : memref<10x1024xi32, #tpu.memory_space<vmem>>) target_semaphore(%arg13 : memref<!tpu.dma_semaphore, #tpu.memory_space<semaphore_mem>>)
    %broadcast_in_dim3A = arith.constant 0.000000e+00 : bf16
    %broadcast_in_dim3A_22 = vector.broadcast %broadcast_in_dim3A : bf16 to vector<32xbf16>
    %scan3A = arith.constant 0 : i32
    %scan3A_23 = arith.constant 640 : i32
    %scan3A_24 = arith.addi %scan3A, %scan3A_23 : i32
    %scan3A_25 = arith.constant 1 : i32
    scf.for %scan3A_81 = %scan3A to %scan3A_24 step %scan3A_25  : i32 {
      %mul3A_82 = arith.constant 1 : i32
      %mul3A_83 = arith.muli %scan3A_81, %mul3A_82 : i32
      %add3A_84 = arith.constant 0 : i32
      %add3A_85 = arith.addi %add3A_84, %mul3A_83 : i32
      %swap3A = arith.index_cast %add3A_85 : i32 to index
      %swap3A_86 = arith.constant 0 : index
      %swap3A_87 = tpu.vector_load %arg8[%swap3A, %swap3A_86] {strides = array<i32>} : memref<1024x64xbf16, #tpu.memory_space<vmem>>, vector<1x32xbf16>,
      %swap3A_88 = vector.shape_cast %swap3A_87 : vector<1x32xbf16> to vector<32xbf16>
      %swap3A_89 = vector.shape_cast %broadcast_in_dim3A_22 : vector<32xbf16> to vector<1x32xbf16>
      tpu.vector_store %arg8[%swap3A, %swap3A_86], %swap3A_89 {strides = array<i32>} : memref<1024x64xbf16, #tpu.memory_space<vmem>>, vector<1x32xbf16>,
      %swap3A_90 = arith.index_cast %add3A_85 : i32 to index
      %swap3A_91 = arith.constant 32 : index
      %swap3A_92 = tpu.vector_load %arg8[%swap3A_90, %swap3A_91] {strides = array<i32>} : memref<1024x64xbf16, #tpu.memory_space<vmem>>, vector<1x32xbf16>,
      %swap3A_93 = vector.shape_cast %swap3A_92 : vector<1x32xbf16> to vector<32xbf16>
      %swap3A_94 = vector.shape_cast %broadcast_in_dim3A_22 : vector<32xbf16> to vector<1x32xbf16>
      tpu.vector_store %arg8[%swap3A_90, %swap3A_91], %swap3A_94 {strides = array<i32>} : memref<1024x64xbf16, #tpu.memory_space<vmem>>, vector<1x32xbf16>,
    }
    %scan3A_26 = arith.constant 640 : i32
    "tpu.region"() ({
      %run_scoped3A_81 = tpu.sem_alloc : memref<!tpu.dma_semaphore, #tpu.memory_space<semaphore_mem>>
      %dma_start3A_82 = arith.constant 0 : i32
      %dma_start3A_83 = arith.constant 0 : i32
      %dma_start3A_84 = tpu.memref_slice %arg8[%dma_start3A_82, %dma_start3A_83] : memref<1024x64xbf16, #tpu.memory_space<vmem>> -> memref<640x64xbf16, #tpu.memory_space<vmem>>
      %dma_start3A_85 = arith.constant 0 : i32
      %dma_start3A_86 = tpu.memref_slice %arg11[%mul3A_2, %dma_start3A_85] : memref<10240x64xbf16, #tpu.memory_space<vmem_shared>> -> memref<640x64xbf16, #tpu.memory_space<vmem_shared>>
      %dma_start3A_87 = arith.constant 0 : i32
      %dma_start3A_88 = tpu.memref_slice %arg11[%mul3A_2, %dma_start3A_87] : memref<10240x64xbf16, #tpu.memory_space<vmem_shared>> -> memref<640x64xbf16, #tpu.memory_space<vmem_shared>>
      %dma_start3A_89 = arith.constant 0 : i32
      %dma_start3A_90 = arith.constant 0 : i32
      %dma_start3A_91 = tpu.memref_slice %arg8[%dma_start3A_89, %dma_start3A_90] : memref<1024x64xbf16, #tpu.memory_space<vmem>> -> memref<640x64xbf16, #tpu.memory_space<vmem>>
      tpu.enqueue_dma source(%dma_start3A_91 : memref<640x64xbf16, #tpu.memory_space<vmem>>) target(%dma_start3A_88 : memref<640x64xbf16, #tpu.memory_space<vmem_shared>>) target_semaphore(%run_scoped3A_81 : memref<!tpu.dma_semaphore, #tpu.memory_space<semaphore_mem>>)
      %dma_wait3A_92 = arith.constant 0 : i32
      %dma_wait3A_93 = arith.constant 0 : i32
      %dma_wait3A_94 = tpu.memref_slice %arg8[%dma_wait3A_92, %dma_wait3A_93] : memref<1024x64xbf16, #tpu.memory_space<vmem>> -> memref<640x64xbf16, #tpu.memory_space<vmem>>
      %dma_wait3A_95 = arith.constant 0 : i32
      %dma_wait3A_96 = tpu.memref_slice %arg11[%mul3A_2, %dma_wait3A_95] : memref<10240x64xbf16, #tpu.memory_space<vmem_shared>> -> memref<640x64xbf16, #tpu.memory_space<vmem_shared>>
      %dma_wait3A_97 = arith.constant 0 : i32
      %dma_wait3A_98 = tpu.memref_slice %arg11[%mul3A_2, %dma_wait3A_97] : memref<10240x64xbf16, #tpu.memory_space<vmem_shared>> -> memref<640x64xbf16, #tpu.memory_space<vmem_shared>>
      %dma_wait3A_99 = arith.constant 0 : i32
      %dma_wait3A_100 = arith.constant 0 : i32
      %dma_wait3A_101 = tpu.memref_slice %arg8[%dma_wait3A_99, %dma_wait3A_100] : memref<1024x64xbf16, #tpu.memory_space<vmem>> -> memref<640x64xbf16, #tpu.memory_space<vmem>>
      tpu.wait_dma2 semaphore(%run_scoped3A_81 : memref<!tpu.dma_semaphore, #tpu.memory_space<semaphore_mem>>) src(%dma_wait3A_101 : memref<640x64xbf16, #tpu.memory_space<vmem>>) dst(%dma_wait3A_98 : memref<640x64xbf16, #tpu.memory_space<vmem_shared>>)
      tpu.yield
    }) : () -> ()
    %dma_wait3A = arith.constant 0 : i32
    %dma_wait3A_27 = arith.constant 0 : i32
    %dma_wait3A_28 = tpu.memref_slice %arg3[%add3A, %dma_wait3A, %dma_wait3A_27] : memref<32x10x1024xi32, #tpu.memory_space<hbm>> -> memref<1x10x1024xi32, #tpu.memory_space<hbm>>
    %dma_wait3A_29 = tpu.memref_squeeze %dma_wait3A_28 : memref<1x10x1024xi32, #tpu.memory_space<hbm>> -> memref<10x1024xi32, #tpu.memory_space<hbm>>
    %dma_wait3A_30 = arith.constant 0 : i32
    %dma_wait3A_31 = arith.constant 0 : i32
    %dma_wait3A_32 = tpu.memref_slice %arg3[%add3A, %dma_wait3A_30, %dma_wait3A_31] : memref<32x10x1024xi32, #tpu.memory_space<hbm>> -> memref<1x10x1024xi32, #tpu.memory_space<hbm>>
    %dma_wait3A_33 = tpu.memref_squeeze %dma_wait3A_32 : memref<1x10x1024xi32, #tpu.memory_space<hbm>> -> memref<10x1024xi32, #tpu.memory_space<hbm>>
    tpu.wait_dma2 semaphore(%arg13 : memref<!tpu.dma_semaphore, #tpu.memory_space<semaphore_mem>>) src(%dma_wait3A_33 : memref<10x1024xi32, #tpu.memory_space<hbm>>) dst(%arg6 : memref<10x1024xi32, #tpu.memory_space<vmem>>)
    %dma_wait3A_34 = arith.constant 0 : i32
    %dma_wait3A_35 = arith.constant 0 : i32
    %dma_wait3A_36 = tpu.memref_slice %arg4[%add3A, %dma_wait3A_34, %dma_wait3A_35] : memref<32x10x1024xi32, #tpu.memory_space<hbm>> -> memref<1x10x1024xi32, #tpu.memory_space<hbm>>
    %dma_wait3A_37 = tpu.memref_squeeze %dma_wait3A_36 : memref<1x10x1024xi32, #tpu.memory_space<hbm>> -> memref<10x1024xi32, #tpu.memory_space<hbm>>
    %dma_wait3A_38 = arith.constant 0 : i32
    %dma_wait3A_39 = arith.constant 0 : i32
    %dma_wait3A_40 = tpu.memref_slice %arg4[%add3A, %dma_wait3A_38, %dma_wait3A_39] : memref<32x10x1024xi32, #tpu.memory_space<hbm>> -> memref<1x10x1024xi32, #tpu.memory_space<hbm>>
    %dma_wait3A_41 = tpu.memref_squeeze %dma_wait3A_40 : memref<1x10x1024xi32, #tpu.memory_space<hbm>> -> memref<10x1024xi32, #tpu.memory_space<hbm>>
    tpu.wait_dma2 semaphore(%arg13 : memref<!tpu.dma_semaphore, #tpu.memory_space<semaphore_mem>>) src(%dma_wait3A_41 : memref<10x1024xi32, #tpu.memory_space<hbm>>) dst(%arg7 : memref<10x1024xi32, #tpu.memory_space<vmem>>)
    %dma_wait3A_42 = arith.constant 0 : i32
    %dma_wait3A_43 = tpu.memref_slice %arg10[%mul3A_2, %dma_wait3A_42] : memref<10240x64xbf16, #tpu.memory_space<vmem_shared>> -> memref<640x64xbf16, #tpu.memory_space<vmem_shared>>
    %dma_wait3A_44 = arith.constant 0 : i32
    %dma_wait3A_45 = tpu.memref_slice %arg2[%mul3A_2, %dma_wait3A_44] : memref<10240x64xbf16, #tpu.memory_space<hbm>> -> memref<640x64xbf16, #tpu.memory_space<hbm>>
    tpu.wait_dma2 semaphore(%arg12 : memref<!tpu.dma_semaphore, #tpu.memory_space<semaphore_mem>>) src(%dma_wait3A_45 : memref<640x64xbf16, #tpu.memory_space<hbm>>) dst(%dma_wait3A_43 : memref<640x64xbf16, #tpu.memory_space<vmem_shared>>)
    %barrier3A = arith.constant 0 : index
    tpu.barrier barrier_id(%barrier3A)
    %dma_start3A_46 = arith.constant 0 : i32
    %dma_start3A_47 = arith.constant 0 : i32
    %dma_start3A_48 = tpu.memref_slice %arg6[%dma_start3A_46, %dma_start3A_47] : memref<10x1024xi32, #tpu.memory_space<vmem>> -> memref<1x1024xi32, #tpu.memory_space<vmem>>
    %dma_start3A_49 = tpu.memref_squeeze %dma_start3A_48 : memref<1x1024xi32, #tpu.memory_space<vmem>> -> memref<1024xi32, #tpu.memory_space<vmem>>
    %dma_start3A_50 = arith.constant 0 : i32
    %dma_start3A_51 = arith.constant 0 : i32
    %dma_start3A_52 = tpu.memref_slice %arg10[%dma_start3A_50, %dma_start3A_51] : memref<10240x64xbf16, #tpu.memory_space<vmem_shared>> -> memref<10240x64xbf16, #tpu.memory_space<vmem_shared>>
    tpu.enqueue_indirect_dma source(%dma_start3A_52 : memref<10240x64xbf16, #tpu.memory_space<vmem_shared>>) target(%arg8 : memref<1024x64xbf16, #tpu.memory_space<vmem>>) offsets(%dma_start3A_49 : memref<1024xi32, #tpu.memory_space<vmem>>) semaphore(%arg12 : memref<!tpu.dma_semaphore, #tpu.memory_space<semaphore_mem>>)
    %dma_start3A_53 = arith.constant 1 : i32
    %dma_start3A_54 = arith.constant 0 : i32
    %dma_start3A_55 = tpu.memref_slice %arg6[%dma_start3A_53, %dma_start3A_54] : memref<10x1024xi32, #tpu.memory_space<vmem>> -> memref<1x1024xi32, #tpu.memory_space<vmem>>
    %dma_start3A_56 = tpu.memref_squeeze %dma_start3A_55 : memref<1x1024xi32, #tpu.memory_space<vmem>> -> memref<1024xi32, #tpu.memory_space<vmem>>
    %dma_start3A_57 = arith.constant 0 : i32
    %dma_start3A_58 = arith.constant 0 : i32
    %dma_start3A_59 = tpu.memref_slice %arg10[%dma_start3A_57, %dma_start3A_58] : memref<10240x64xbf16, #tpu.memory_space<vmem_shared>> -> memref<10240x64xbf16, #tpu.memory_space<vmem_shared>>
    tpu.enqueue_indirect_dma source(%dma_start3A_59 : memref<10240x64xbf16, #tpu.memory_space<vmem_shared>>) target(%arg9 : memref<1024x64xbf16, #tpu.memory_space<vmem>>) offsets(%dma_start3A_56 : memref<1024xi32, #tpu.memory_space<vmem>>) semaphore(%arg13 : memref<!tpu.dma_semaphore, #tpu.memory_space<semaphore_mem>>)
    %scan3A_60 = arith.constant 0 : i32
    %scan3A_61 = arith.constant 4 : i32
    %scan3A_62 = arith.addi %scan3A_60, %scan3A_61 : i32
    %scan3A_63 = arith.constant 1 : i32
    scf.for %scan3A_81 = %scan3A_60 to %scan3A_62 step %scan3A_63  : i32 {
      %mul3A_82 = arith.constant 1 : i32
      %mul3A_83 = arith.muli %scan3A_81, %mul3A_82 : i32
      %add3A_84 = arith.constant 0 : i32
      %add3A_85 = arith.addi %add3A_84, %mul3A_83 : i32
      %mul3A_86 = arith.constant 2 : i32
      %mul3A_87 = arith.muli %mul3A_86, %add3A_85 : i32
      %dma_wait3A_88 = arith.constant 0 : i32
      %dma_wait3A_89 = arith.constant 0 : i32
      %dma_wait3A_90 = tpu.memref_slice %arg6[%dma_wait3A_88, %dma_wait3A_89] : memref<10x1024xi32, #tpu.memory_space<vmem>> -> memref<1x1024xi32, #tpu.memory_space<vmem>>
      %dma_wait3A_91 = tpu.memref_squeeze %dma_wait3A_90 : memref<1x1024xi32, #tpu.memory_space<vmem>> -> memref<1024xi32, #tpu.memory_space<vmem>>
      %dma_wait3A_92 = arith.constant 0 : i32
      %dma_wait3A_93 = arith.constant 0 : i32
      %dma_wait3A_94 = tpu.memref_slice %arg10[%dma_wait3A_92, %dma_wait3A_93] : memref<10240x64xbf16, #tpu.memory_space<vmem_shared>> -> memref<10240x64xbf16, #tpu.memory_space<vmem_shared>>
      tpu.wait_indirect_dma semaphore(%arg12 : memref<!tpu.dma_semaphore, #tpu.memory_space<semaphore_mem>>) src(%dma_wait3A_94 : memref<10240x64xbf16, #tpu.memory_space<vmem_shared>>) dst(%arg8 : memref<1024x64xbf16, #tpu.memory_space<vmem>>)
      "tpu.region"() ({
        %run_scoped3A_120 = tpu.sem_alloc : memref<!tpu.dma_semaphore, #tpu.memory_space<semaphore_mem>>
        %dma_start3A_121 = arith.constant 0 : i32
        %dma_start3A_122 = tpu.memref_slice %arg7[%mul3A_87, %dma_start3A_121] : memref<10x1024xi32, #tpu.memory_space<vmem>> -> memref<1x1024xi32, #tpu.memory_space<vmem>>
        %dma_start3A_123 = tpu.memref_squeeze %dma_start3A_122 : memref<1x1024xi32, #tpu.memory_space<vmem>> -> memref<1024xi32, #tpu.memory_space<vmem>>
        %dma_start3A_124 = arith.constant 0 : i32
        %dma_start3A_125 = arith.constant 0 : i32
        %dma_start3A_126 = tpu.memref_slice %arg11[%dma_start3A_124, %dma_start3A_125] : memref<10240x64xbf16, #tpu.memory_space<vmem_shared>> -> memref<10240x64xbf16, #tpu.memory_space<vmem_shared>>
        tpu.enqueue_indirect_dma source(%arg8 : memref<1024x64xbf16, #tpu.memory_space<vmem>>) target(%dma_start3A_126 : memref<10240x64xbf16, #tpu.memory_space<vmem_shared>>) offsets(%dma_start3A_123 : memref<1024xi32, #tpu.memory_space<vmem>>) semaphore(%run_scoped3A_120 : memref<!tpu.dma_semaphore, #tpu.memory_space<semaphore_mem>>) {add = true}
        %dma_wait3A_127 = arith.constant 0 : i32
        %dma_wait3A_128 = tpu.memref_slice %arg7[%mul3A_87, %dma_wait3A_127] : memref<10x1024xi32, #tpu.memory_space<vmem>> -> memref<1x1024xi32, #tpu.memory_space<vmem>>
        %dma_wait3A_129 = tpu.memref_squeeze %dma_wait3A_128 : memref<1x1024xi32, #tpu.memory_space<vmem>> -> memref<1024xi32, #tpu.memory_space<vmem>>
        %dma_wait3A_130 = arith.constant 0 : i32
        %dma_wait3A_131 = arith.constant 0 : i32
        %dma_wait3A_132 = tpu.memref_slice %arg11[%dma_wait3A_130, %dma_wait3A_131] : memref<10240x64xbf16, #tpu.memory_space<vmem_shared>> -> memref<10240x64xbf16, #tpu.memory_space<vmem_shared>>
        tpu.wait_indirect_dma semaphore(%run_scoped3A_120 : memref<!tpu.dma_semaphore, #tpu.memory_space<semaphore_mem>>) src(%arg8 : memref<1024x64xbf16, #tpu.memory_space<vmem>>) dst(%dma_wait3A_132 : memref<10240x64xbf16, #tpu.memory_space<vmem_shared>>)
        tpu.yield
      }) : () -> ()
      %add3A_95 = arith.constant 2 : i32
      %add3A_96 = arith.addi %mul3A_87, %add3A_95 : i32
      %dma_start3A_97 = arith.constant 0 : i32
      %dma_start3A_98 = tpu.memref_slice %arg6[%add3A_96, %dma_start3A_97] : memref<10x1024xi32, #tpu.memory_space<vmem>> -> memref<1x1024xi32, #tpu.memory_space<vmem>>
      %dma_start3A_99 = tpu.memref_squeeze %dma_start3A_98 : memref<1x1024xi32, #tpu.memory_space<vmem>> -> memref<1024xi32, #tpu.memory_space<vmem>>
      %dma_start3A_100 = arith.constant 0 : i32
      %dma_start3A_101 = arith.constant 0 : i32
      %dma_start3A_102 = tpu.memref_slice %arg10[%dma_start3A_100, %dma_start3A_101] : memref<10240x64xbf16, #tpu.memory_space<vmem_shared>> -> memref<10240x64xbf16, #tpu.memory_space<vmem_shared>>
      tpu.enqueue_indirect_dma source(%dma_start3A_102 : memref<10240x64xbf16, #tpu.memory_space<vmem_shared>>) target(%arg8 : memref<1024x64xbf16, #tpu.memory_space<vmem>>) offsets(%dma_start3A_99 : memref<1024xi32, #tpu.memory_space<vmem>>) semaphore(%arg12 : memref<!tpu.dma_semaphore, #tpu.memory_space<semaphore_mem>>)
      %dma_wait3A_103 = arith.constant 1 : i32
      %dma_wait3A_104 = arith.constant 0 : i32
      %dma_wait3A_105 = tpu.memref_slice %arg6[%dma_wait3A_103, %dma_wait3A_104] : memref<10x1024xi32, #tpu.memory_space<vmem>> -> memref<1x1024xi32, #tpu.memory_space<vmem>>
      %dma_wait3A_106 = tpu.memref_squeeze %dma_wait3A_105 : memref<1x1024xi32, #tpu.memory_space<vmem>> -> memref<1024xi32, #tpu.memory_space<vmem>>
      %dma_wait3A_107 = arith.constant 0 : i32
      %dma_wait3A_108 = arith.constant 0 : i32
      %dma_wait3A_109 = tpu.memref_slice %arg10[%dma_wait3A_107, %dma_wait3A_108] : memref<10240x64xbf16, #tpu.memory_space<vmem_shared>> -> memref<10240x64xbf16, #tpu.memory_space<vmem_shared>>
      tpu.wait_indirect_dma semaphore(%arg13 : memref<!tpu.dma_semaphore, #tpu.memory_space<semaphore_mem>>) src(%dma_wait3A_109 : memref<10240x64xbf16, #tpu.memory_space<vmem_shared>>) dst(%arg9 : memref<1024x64xbf16, #tpu.memory_space<vmem>>)
      %add3A_110 = arith.constant 1 : i32
      %add3A_111 = arith.addi %mul3A_87, %add3A_110 : i32
      "tpu.region"() ({
        %run_scoped3A_120 = tpu.sem_alloc : memref<!tpu.dma_semaphore, #tpu.memory_space<semaphore_mem>>
        %dma_start3A_121 = arith.constant 0 : i32
        %dma_start3A_122 = tpu.memref_slice %arg7[%add3A_111, %dma_start3A_121] : memref<10x1024xi32, #tpu.memory_space<vmem>> -> memref<1x1024xi32, #tpu.memory_space<vmem>>
        %dma_start3A_123 = tpu.memref_squeeze %dma_start3A_122 : memref<1x1024xi32, #tpu.memory_space<vmem>> -> memref<1024xi32, #tpu.memory_space<vmem>>
        %dma_start3A_124 = arith.constant 0 : i32
        %dma_start3A_125 = arith.constant 0 : i32
        %dma_start3A_126 = tpu.memref_slice %arg11[%dma_start3A_124, %dma_start3A_125] : memref<10240x64xbf16, #tpu.memory_space<vmem_shared>> -> memref<10240x64xbf16, #tpu.memory_space<vmem_shared>>
        tpu.enqueue_indirect_dma source(%arg9 : memref<1024x64xbf16, #tpu.memory_space<vmem>>) target(%dma_start3A_126 : memref<10240x64xbf16, #tpu.memory_space<vmem_shared>>) offsets(%dma_start3A_123 : memref<1024xi32, #tpu.memory_space<vmem>>) semaphore(%run_scoped3A_120 : memref<!tpu.dma_semaphore, #tpu.memory_space<semaphore_mem>>) {add = true}
        %dma_wait3A_127 = arith.constant 0 : i32
        %dma_wait3A_128 = tpu.memref_slice %arg7[%add3A_111, %dma_wait3A_127] : memref<10x1024xi32, #tpu.memory_space<vmem>> -> memref<1x1024xi32, #tpu.memory_space<vmem>>
        %dma_wait3A_129 = tpu.memref_squeeze %dma_wait3A_128 : memref<1x1024xi32, #tpu.memory_space<vmem>> -> memref<1024xi32, #tpu.memory_space<vmem>>
        %dma_wait3A_130 = arith.constant 0 : i32
        %dma_wait3A_131 = arith.constant 0 : i32
        %dma_wait3A_132 = tpu.memref_slice %arg11[%dma_wait3A_130, %dma_wait3A_131] : memref<10240x64xbf16, #tpu.memory_space<vmem_shared>> -> memref<10240x64xbf16, #tpu.memory_space<vmem_shared>>
        tpu.wait_indirect_dma semaphore(%run_scoped3A_120 : memref<!tpu.dma_semaphore, #tpu.memory_space<semaphore_mem>>) src(%arg9 : memref<1024x64xbf16, #tpu.memory_space<vmem>>) dst(%dma_wait3A_132 : memref<10240x64xbf16, #tpu.memory_space<vmem_shared>>)
        tpu.yield
      }) : () -> ()
      %add3A_112 = arith.constant 3 : i32
      %add3A_113 = arith.addi %mul3A_87, %add3A_112 : i32
      %dma_start3A_114 = arith.constant 0 : i32
      %dma_start3A_115 = tpu.memref_slice %arg6[%add3A_113, %dma_start3A_114] : memref<10x1024xi32, #tpu.memory_space<vmem>> -> memref<1x1024xi32, #tpu.memory_space<vmem>>
      %dma_start3A_116 = tpu.memref_squeeze %dma_start3A_115 : memref<1x1024xi32, #tpu.memory_space<vmem>> -> memref<1024xi32, #tpu.memory_space<vmem>>
      %dma_start3A_117 = arith.constant 0 : i32
      %dma_start3A_118 = arith.constant 0 : i32
      %dma_start3A_119 = tpu.memref_slice %arg10[%dma_start3A_117, %dma_start3A_118] : memref<10240x64xbf16, #tpu.memory_space<vmem_shared>> -> memref<10240x64xbf16, #tpu.memory_space<vmem_shared>>
      tpu.enqueue_indirect_dma source(%dma_start3A_119 : memref<10240x64xbf16, #tpu.memory_space<vmem_shared>>) target(%arg9 : memref<1024x64xbf16, #tpu.memory_space<vmem>>) offsets(%dma_start3A_116 : memref<1024xi32, #tpu.memory_space<vmem>>) semaphore(%arg13 : memref<!tpu.dma_semaphore, #tpu.memory_space<semaphore_mem>>)
    }
    %scan3A_64 = arith.constant 4 : i32
    %dma_wait3A_65 = arith.constant 0 : i32
    %dma_wait3A_66 = arith.constant 0 : i32
    %dma_wait3A_67 = tpu.memref_slice %arg6[%dma_wait3A_65, %dma_wait3A_66] : memref<10x1024xi32, #tpu.memory_space<vmem>> -> memref<1x1024xi32, #tpu.memory_space<vmem>>
    %dma_wait3A_68 = tpu.memref_squeeze %dma_wait3A_67 : memref<1x1024xi32, #tpu.memory_space<vmem>> -> memref<1024xi32, #tpu.memory_space<vmem>>
    %dma_wait3A_69 = arith.constant 0 : i32
    %dma_wait3A_70 = arith.constant 0 : i32
    %dma_wait3A_71 = tpu.memref_slice %arg10[%dma_wait3A_69, %dma_wait3A_70] : memref<10240x64xbf16, #tpu.memory_space<vmem_shared>> -> memref<10240x64xbf16, #tpu.memory_space<vmem_shared>>
    tpu.wait_indirect_dma semaphore(%arg12 : memref<!tpu.dma_semaphore, #tpu.memory_space<semaphore_mem>>) src(%dma_wait3A_71 : memref<10240x64xbf16, #tpu.memory_space<vmem_shared>>) dst(%arg8 : memref<1024x64xbf16, #tpu.memory_space<vmem>>)
    %run_scoped3A = arith.constant 8 : i32
    "tpu.region"() ({
      %run_scoped3A_81 = tpu.sem_alloc : memref<!tpu.dma_semaphore, #tpu.memory_space<semaphore_mem>>
      %dma_start3A_82 = arith.constant 0 : i32
      %dma_start3A_83 = tpu.memref_slice %arg7[%run_scoped3A, %dma_start3A_82] : memref<10x1024xi32, #tpu.memory_space<vmem>> -> memref<1x1024xi32, #tpu.memory_space<vmem>>
      %dma_start3A_84 = tpu.memref_squeeze %dma_start3A_83 : memref<1x1024xi32, #tpu.memory_space<vmem>> -> memref<1024xi32, #tpu.memory_space<vmem>>
      %dma_start3A_85 = arith.constant 0 : i32
      %dma_start3A_86 = arith.constant 0 : i32
      %dma_start3A_87 = tpu.memref_slice %arg11[%dma_start3A_85, %dma_start3A_86] : memref<10240x64xbf16, #tpu.memory_space<vmem_shared>> -> memref<10240x64xbf16, #tpu.memory_space<vmem_shared>>
      tpu.enqueue_indirect_dma source(%arg8 : memref<1024x64xbf16, #tpu.memory_space<vmem>>) target(%dma_start3A_87 : memref<10240x64xbf16, #tpu.memory_space<vmem_shared>>) offsets(%dma_start3A_84 : memref<1024xi32, #tpu.memory_space<vmem>>) semaphore(%run_scoped3A_81 : memref<!tpu.dma_semaphore, #tpu.memory_space<semaphore_mem>>) {add = true}
      %dma_wait3A_88 = arith.constant 0 : i32
      %dma_wait3A_89 = tpu.memref_slice %arg7[%run_scoped3A, %dma_wait3A_88] : memref<10x1024xi32, #tpu.memory_space<vmem>> -> memref<1x1024xi32, #tpu.memory_space<vmem>>
      %dma_wait3A_90 = tpu.memref_squeeze %dma_wait3A_89 : memref<1x1024xi32, #tpu.memory_space<vmem>> -> memref<1024xi32, #tpu.memory_space<vmem>>
      %dma_wait3A_91 = arith.constant 0 : i32
      %dma_wait3A_92 = arith.constant 0 : i32
      %dma_wait3A_93 = tpu.memref_slice %arg11[%dma_wait3A_91, %dma_wait3A_92] : memref<10240x64xbf16, #tpu.memory_space<vmem_shared>> -> memref<10240x64xbf16, #tpu.memory_space<vmem_shared>>
      tpu.wait_indirect_dma semaphore(%run_scoped3A_81 : memref<!tpu.dma_semaphore, #tpu.memory_space<semaphore_mem>>) src(%arg8 : memref<1024x64xbf16, #tpu.memory_space<vmem>>) dst(%dma_wait3A_93 : memref<10240x64xbf16, #tpu.memory_space<vmem_shared>>)
      tpu.yield
    }) : () -> ()
    %dma_wait3A_72 = arith.constant 1 : i32
    %dma_wait3A_73 = arith.constant 0 : i32
    %dma_wait3A_74 = tpu.memref_slice %arg6[%dma_wait3A_72, %dma_wait3A_73] : memref<10x1024xi32, #tpu.memory_space<vmem>> -> memref<1x1024xi32, #tpu.memory_space<vmem>>
    %dma_wait3A_75 = tpu.memref_squeeze %dma_wait3A_74 : memref<1x1024xi32, #tpu.memory_space<vmem>> -> memref<1024xi32, #tpu.memory_space<vmem>>
    %dma_wait3A_76 = arith.constant 0 : i32
    %dma_wait3A_77 = arith.constant 0 : i32
    %dma_wait3A_78 = tpu.memref_slice %arg10[%dma_wait3A_76, %dma_wait3A_77] : memref<10240x64xbf16, #tpu.memory_space<vmem_shared>> -> memref<10240x64xbf16, #tpu.memory_space<vmem_shared>>
    tpu.wait_indirect_dma semaphore(%arg13 : memref<!tpu.dma_semaphore, #tpu.memory_space<semaphore_mem>>) src(%dma_wait3A_78 : memref<10240x64xbf16, #tpu.memory_space<vmem_shared>>) dst(%arg9 : memref<1024x64xbf16, #tpu.memory_space<vmem>>)
    %run_scoped3A_79 = arith.constant 9 : i32
    "tpu.region"() ({
      %run_scoped3A_81 = tpu.sem_alloc : memref<!tpu.dma_semaphore, #tpu.memory_space<semaphore_mem>>
      %dma_start3A_82 = arith.constant 0 : i32
      %dma_start3A_83 = tpu.memref_slice %arg7[%run_scoped3A_79, %dma_start3A_82] : memref<10x1024xi32, #tpu.memory_space<vmem>> -> memref<1x1024xi32, #tpu.memory_space<vmem>>
      %dma_start3A_84 = tpu.memref_squeeze %dma_start3A_83 : memref<1x1024xi32, #tpu.memory_space<vmem>> -> memref<1024xi32, #tpu.memory_space<vmem>>
      %dma_start3A_85 = arith.constant 0 : i32
      %dma_start3A_86 = arith.constant 0 : i32
      %dma_start3A_87 = tpu.memref_slice %arg11[%dma_start3A_85, %dma_start3A_86] : memref<10240x64xbf16, #tpu.memory_space<vmem_shared>> -> memref<10240x64xbf16, #tpu.memory_space<vmem_shared>>
      tpu.enqueue_indirect_dma source(%arg9 : memref<1024x64xbf16, #tpu.memory_space<vmem>>) target(%dma_start3A_87 : memref<10240x64xbf16, #tpu.memory_space<vmem_shared>>) offsets(%dma_start3A_84 : memref<1024xi32, #tpu.memory_space<vmem>>) semaphore(%run_scoped3A_81 : memref<!tpu.dma_semaphore, #tpu.memory_space<semaphore_mem>>) {add = true}
      %dma_wait3A_88 = arith.constant 0 : i32
      %dma_wait3A_89 = tpu.memref_slice %arg7[%run_scoped3A_79, %dma_wait3A_88] : memref<10x1024xi32, #tpu.memory_space<vmem>> -> memref<1x1024xi32, #tpu.memory_space<vmem>>
      %dma_wait3A_90 = tpu.memref_squeeze %dma_wait3A_89 : memref<1x1024xi32, #tpu.memory_space<vmem>> -> memref<1024xi32, #tpu.memory_space<vmem>>
      %dma_wait3A_91 = arith.constant 0 : i32
      %dma_wait3A_92 = arith.constant 0 : i32
      %dma_wait3A_93 = tpu.memref_slice %arg11[%dma_wait3A_91, %dma_wait3A_92] : memref<10240x64xbf16, #tpu.memory_space<vmem_shared>> -> memref<10240x64xbf16, #tpu.memory_space<vmem_shared>>
      tpu.wait_indirect_dma semaphore(%run_scoped3A_81 : memref<!tpu.dma_semaphore, #tpu.memory_space<semaphore_mem>>) src(%arg9 : memref<1024x64xbf16, #tpu.memory_space<vmem>>) dst(%dma_wait3A_93 : memref<10240x64xbf16, #tpu.memory_space<vmem_shared>>)
      tpu.yield
    }) : () -> ()
    %barrier3A_80 = arith.constant 0 : index
    tpu.barrier barrier_id(%barrier3A_80)
    "tpu.region"() ({
      %run_scoped3A_81 = tpu.sem_alloc : memref<!tpu.dma_semaphore, #tpu.memory_space<semaphore_mem>>
      %dma_start3A_82 = arith.constant 0 : i32
      %dma_start3A_83 = tpu.memref_slice %arg5[%arg0, %mul3A_2, %dma_start3A_82] : memref<2x10240x64xbf16, #tpu.memory_space<hbm>> -> memref<1x640x64xbf16, #tpu.memory_space<hbm>>
      %dma_start3A_84 = tpu.memref_squeeze %dma_start3A_83 : memref<1x640x64xbf16, #tpu.memory_space<hbm>> -> memref<640x64xbf16, #tpu.memory_space<hbm>>
      %dma_start3A_85 = arith.constant 0 : i32
      %dma_start3A_86 = tpu.memref_slice %arg11[%mul3A_2, %dma_start3A_85] : memref<10240x64xbf16, #tpu.memory_space<vmem_shared>> -> memref<640x64xbf16, #tpu.memory_space<vmem_shared>>
      tpu.enqueue_dma source(%dma_start3A_86 : memref<640x64xbf16, #tpu.memory_space<vmem_shared>>) target(%dma_start3A_84 : memref<640x64xbf16, #tpu.memory_space<hbm>>) target_semaphore(%run_scoped3A_81 : memref<!tpu.dma_semaphore, #tpu.memory_space<semaphore_mem>>)
      %dma_wait3A_87 = arith.constant 0 : i32
      %dma_wait3A_88 = tpu.memref_slice %arg5[%arg0, %mul3A_2, %dma_wait3A_87] : memref<2x10240x64xbf16, #tpu.memory_space<hbm>> -> memref<1x640x64xbf16, #tpu.memory_space<hbm>>
      %dma_wait3A_89 = tpu.memref_squeeze %dma_wait3A_88 : memref<1x640x64xbf16, #tpu.memory_space<hbm>> -> memref<640x64xbf16, #tpu.memory_space<hbm>>
      %dma_wait3A_90 = arith.constant 0 : i32
      %dma_wait3A_91 = tpu.memref_slice %arg11[%mul3A_2, %dma_wait3A_90] : memref<10240x64xbf16, #tpu.memory_space<vmem_shared>> -> memref<640x64xbf16, #tpu.memory_space<vmem_shared>>
      tpu.wait_dma2 semaphore(%run_scoped3A_81 : memref<!tpu.dma_semaphore, #tpu.memory_space<semaphore_mem>>) src(%dma_wait3A_91 : memref<640x64xbf16, #tpu.memory_space<vmem_shared>>) dst(%dma_wait3A_89 : memref<640x64xbf16, #tpu.memory_space<hbm>>)
      tpu.yield
    }) : () -> ()
    return
  }
}

#map = affine_map<(d0, d1) -> (0, 0, 0)>
#map1 = affine_map<(d0, d1) -> (0)>
module attributes {stable_mosaic.version = 14 : i64} {
  func.func @_deg_body(%arg0: i32, %arg1: i32, %arg2: memref<32x5x2048xi32, #tpu.memory_space<hbm>>, %arg3: memref<32x5x2048xi32, #tpu.memory_space<hbm>>, %arg4: memref<2048xf32, #tpu.memory_space<hbm>>, %arg5: memref<10240xf32, #tpu.memory_space<hbm>>, %arg6: memref<2x2x10240xf32, #tpu.memory_space<hbm>>, %arg7: memref<5x2048xi32, #tpu.memory_space<vmem>>, %arg8: memref<5x2048xi32, #tpu.memory_space<vmem>>, %arg9: memref<2048xf32, #tpu.memory_space<vmem>>, %arg10: memref<10240xf32, #tpu.memory_space<vmem_shared>>, %arg11: memref<10240xf32, #tpu.memory_space<vmem_shared>>, %arg12: memref<!tpu.dma_semaphore, #tpu.memory_space<semaphore_mem>>, %arg13: memref<!tpu.dma_semaphore, #tpu.memory_space<semaphore_mem>>) attributes {dimension_semantics = [#tpu.dimension_semantics<core_parallel>, #tpu.dimension_semantics<subcore_parallel>], iteration_bounds = array<i64: 2, 16>, scalar_prefetch = 0 : i64, scratch_operands = 7 : i64, tpu.core_type = #tpu.core_type<sc_vector_subcore>, window_params = [{transform_indices = #map}, {transform_indices = #map}, {transform_indices = #map1}, {transform_indices = #map1}, {transform_indices = #map}]} {
    %mul3A = arith.constant 16 : i32
    %mul3A_0 = arith.muli %arg0, %mul3A : i32
    %add3A = arith.addi %mul3A_0, %arg1 : i32
    "tpu.region"() ({
      %run_scoped3A_14 = tpu.sem_alloc : memref<!tpu.dma_semaphore, #tpu.memory_space<semaphore_mem>>
      %dma_start3A = arith.constant 0 : i32
      %dma_start3A_15 = arith.constant 0 : i32
      %dma_start3A_16 = tpu.memref_slice %arg2[%add3A, %dma_start3A, %dma_start3A_15] : memref<32x5x2048xi32, #tpu.memory_space<hbm>> -> memref<1x5x2048xi32, #tpu.memory_space<hbm>>
      %dma_start3A_17 = tpu.memref_squeeze %dma_start3A_16 : memref<1x5x2048xi32, #tpu.memory_space<hbm>> -> memref<5x2048xi32, #tpu.memory_space<hbm>>
      %dma_start3A_18 = arith.constant 0 : i32
      %dma_start3A_19 = arith.constant 0 : i32
      %dma_start3A_20 = tpu.memref_slice %arg2[%add3A, %dma_start3A_18, %dma_start3A_19] : memref<32x5x2048xi32, #tpu.memory_space<hbm>> -> memref<1x5x2048xi32, #tpu.memory_space<hbm>>
      %dma_start3A_21 = tpu.memref_squeeze %dma_start3A_20 : memref<1x5x2048xi32, #tpu.memory_space<hbm>> -> memref<5x2048xi32, #tpu.memory_space<hbm>>
      tpu.enqueue_dma source(%dma_start3A_21 : memref<5x2048xi32, #tpu.memory_space<hbm>>) target(%arg7 : memref<5x2048xi32, #tpu.memory_space<vmem>>) target_semaphore(%run_scoped3A_14 : memref<!tpu.dma_semaphore, #tpu.memory_space<semaphore_mem>>)
      %dma_wait3A = arith.constant 0 : i32
      %dma_wait3A_22 = arith.constant 0 : i32
      %dma_wait3A_23 = tpu.memref_slice %arg2[%add3A, %dma_wait3A, %dma_wait3A_22] : memref<32x5x2048xi32, #tpu.memory_space<hbm>> -> memref<1x5x2048xi32, #tpu.memory_space<hbm>>
      %dma_wait3A_24 = tpu.memref_squeeze %dma_wait3A_23 : memref<1x5x2048xi32, #tpu.memory_space<hbm>> -> memref<5x2048xi32, #tpu.memory_space<hbm>>
      %dma_wait3A_25 = arith.constant 0 : i32
      %dma_wait3A_26 = arith.constant 0 : i32
      %dma_wait3A_27 = tpu.memref_slice %arg2[%add3A, %dma_wait3A_25, %dma_wait3A_26] : memref<32x5x2048xi32, #tpu.memory_space<hbm>> -> memref<1x5x2048xi32, #tpu.memory_space<hbm>>
      %dma_wait3A_28 = tpu.memref_squeeze %dma_wait3A_27 : memref<1x5x2048xi32, #tpu.memory_space<hbm>> -> memref<5x2048xi32, #tpu.memory_space<hbm>>
      tpu.wait_dma2 semaphore(%run_scoped3A_14 : memref<!tpu.dma_semaphore, #tpu.memory_space<semaphore_mem>>) src(%dma_wait3A_28 : memref<5x2048xi32, #tpu.memory_space<hbm>>) dst(%arg7 : memref<5x2048xi32, #tpu.memory_space<vmem>>)
      tpu.yield
    }) : () -> ()
    "tpu.region"() ({
      %run_scoped3A_14 = tpu.sem_alloc : memref<!tpu.dma_semaphore, #tpu.memory_space<semaphore_mem>>
      %dma_start3A = arith.constant 0 : i32
      %dma_start3A_15 = arith.constant 0 : i32
      %dma_start3A_16 = tpu.memref_slice %arg3[%add3A, %dma_start3A, %dma_start3A_15] : memref<32x5x2048xi32, #tpu.memory_space<hbm>> -> memref<1x5x2048xi32, #tpu.memory_space<hbm>>
      %dma_start3A_17 = tpu.memref_squeeze %dma_start3A_16 : memref<1x5x2048xi32, #tpu.memory_space<hbm>> -> memref<5x2048xi32, #tpu.memory_space<hbm>>
      %dma_start3A_18 = arith.constant 0 : i32
      %dma_start3A_19 = arith.constant 0 : i32
      %dma_start3A_20 = tpu.memref_slice %arg3[%add3A, %dma_start3A_18, %dma_start3A_19] : memref<32x5x2048xi32, #tpu.memory_space<hbm>> -> memref<1x5x2048xi32, #tpu.memory_space<hbm>>
      %dma_start3A_21 = tpu.memref_squeeze %dma_start3A_20 : memref<1x5x2048xi32, #tpu.memory_space<hbm>> -> memref<5x2048xi32, #tpu.memory_space<hbm>>
      tpu.enqueue_dma source(%dma_start3A_21 : memref<5x2048xi32, #tpu.memory_space<hbm>>) target(%arg8 : memref<5x2048xi32, #tpu.memory_space<vmem>>) target_semaphore(%run_scoped3A_14 : memref<!tpu.dma_semaphore, #tpu.memory_space<semaphore_mem>>)
      %dma_wait3A = arith.constant 0 : i32
      %dma_wait3A_22 = arith.constant 0 : i32
      %dma_wait3A_23 = tpu.memref_slice %arg3[%add3A, %dma_wait3A, %dma_wait3A_22] : memref<32x5x2048xi32, #tpu.memory_space<hbm>> -> memref<1x5x2048xi32, #tpu.memory_space<hbm>>
      %dma_wait3A_24 = tpu.memref_squeeze %dma_wait3A_23 : memref<1x5x2048xi32, #tpu.memory_space<hbm>> -> memref<5x2048xi32, #tpu.memory_space<hbm>>
      %dma_wait3A_25 = arith.constant 0 : i32
      %dma_wait3A_26 = arith.constant 0 : i32
      %dma_wait3A_27 = tpu.memref_slice %arg3[%add3A, %dma_wait3A_25, %dma_wait3A_26] : memref<32x5x2048xi32, #tpu.memory_space<hbm>> -> memref<1x5x2048xi32, #tpu.memory_space<hbm>>
      %dma_wait3A_28 = tpu.memref_squeeze %dma_wait3A_27 : memref<1x5x2048xi32, #tpu.memory_space<hbm>> -> memref<5x2048xi32, #tpu.memory_space<hbm>>
      tpu.wait_dma2 semaphore(%run_scoped3A_14 : memref<!tpu.dma_semaphore, #tpu.memory_space<semaphore_mem>>) src(%dma_wait3A_28 : memref<5x2048xi32, #tpu.memory_space<hbm>>) dst(%arg8 : memref<5x2048xi32, #tpu.memory_space<vmem>>)
      tpu.yield
    }) : () -> ()
    "tpu.region"() ({
      %run_scoped3A_14 = tpu.sem_alloc : memref<!tpu.dma_semaphore, #tpu.memory_space<semaphore_mem>>
      tpu.enqueue_dma source(%arg4 : memref<2048xf32, #tpu.memory_space<hbm>>) target(%arg9 : memref<2048xf32, #tpu.memory_space<vmem>>) target_semaphore(%run_scoped3A_14 : memref<!tpu.dma_semaphore, #tpu.memory_space<semaphore_mem>>)
      tpu.wait_dma2 semaphore(%run_scoped3A_14 : memref<!tpu.dma_semaphore, #tpu.memory_space<semaphore_mem>>) src(%arg4 : memref<2048xf32, #tpu.memory_space<hbm>>) dst(%arg9 : memref<2048xf32, #tpu.memory_space<vmem>>)
      tpu.yield
    }) : () -> ()
    %mul3A_1 = arith.constant 640 : i32
    %mul3A_2 = arith.muli %arg1, %mul3A_1 : i32
    "tpu.region"() ({
      %run_scoped3A_14 = tpu.sem_alloc : memref<!tpu.dma_semaphore, #tpu.memory_space<semaphore_mem>>
      %dma_start3A = tpu.memref_slice %arg10[%mul3A_2] : memref<10240xf32, #tpu.memory_space<vmem_shared>> -> memref<640xf32, #tpu.memory_space<vmem_shared>>
      %dma_start3A_15 = tpu.memref_slice %arg5[%mul3A_2] : memref<10240xf32, #tpu.memory_space<hbm>> -> memref<640xf32, #tpu.memory_space<hbm>>
      tpu.enqueue_dma source(%dma_start3A_15 : memref<640xf32, #tpu.memory_space<hbm>>) target(%dma_start3A : memref<640xf32, #tpu.memory_space<vmem_shared>>) target_semaphore(%run_scoped3A_14 : memref<!tpu.dma_semaphore, #tpu.memory_space<semaphore_mem>>)
      %dma_wait3A = tpu.memref_slice %arg10[%mul3A_2] : memref<10240xf32, #tpu.memory_space<vmem_shared>> -> memref<640xf32, #tpu.memory_space<vmem_shared>>
      %dma_wait3A_16 = tpu.memref_slice %arg5[%mul3A_2] : memref<10240xf32, #tpu.memory_space<hbm>> -> memref<640xf32, #tpu.memory_space<hbm>>
      tpu.wait_dma2 semaphore(%run_scoped3A_14 : memref<!tpu.dma_semaphore, #tpu.memory_space<semaphore_mem>>) src(%dma_wait3A_16 : memref<640xf32, #tpu.memory_space<hbm>>) dst(%dma_wait3A : memref<640xf32, #tpu.memory_space<vmem_shared>>)
      tpu.yield
    }) : () -> ()
    "tpu.region"() ({
      %run_scoped3A_14 = tpu.sem_alloc : memref<!tpu.dma_semaphore, #tpu.memory_space<semaphore_mem>>
      %dma_start3A = tpu.memref_slice %arg11[%mul3A_2] : memref<10240xf32, #tpu.memory_space<vmem_shared>> -> memref<640xf32, #tpu.memory_space<vmem_shared>>
      %dma_start3A_15 = tpu.memref_slice %arg5[%mul3A_2] : memref<10240xf32, #tpu.memory_space<hbm>> -> memref<640xf32, #tpu.memory_space<hbm>>
      tpu.enqueue_dma source(%dma_start3A_15 : memref<640xf32, #tpu.memory_space<hbm>>) target(%dma_start3A : memref<640xf32, #tpu.memory_space<vmem_shared>>) target_semaphore(%run_scoped3A_14 : memref<!tpu.dma_semaphore, #tpu.memory_space<semaphore_mem>>)
      %dma_wait3A = tpu.memref_slice %arg11[%mul3A_2] : memref<10240xf32, #tpu.memory_space<vmem_shared>> -> memref<640xf32, #tpu.memory_space<vmem_shared>>
      %dma_wait3A_16 = tpu.memref_slice %arg5[%mul3A_2] : memref<10240xf32, #tpu.memory_space<hbm>> -> memref<640xf32, #tpu.memory_space<hbm>>
      tpu.wait_dma2 semaphore(%run_scoped3A_14 : memref<!tpu.dma_semaphore, #tpu.memory_space<semaphore_mem>>) src(%dma_wait3A_16 : memref<640xf32, #tpu.memory_space<hbm>>) dst(%dma_wait3A : memref<640xf32, #tpu.memory_space<vmem_shared>>)
      tpu.yield
    }) : () -> ()
    %barrier3A = arith.constant 0 : index
    tpu.barrier barrier_id(%barrier3A)
    %scan3A = arith.constant 0 : i32
    %scan3A_3 = arith.constant 5 : i32
    %scan3A_4 = arith.addi %scan3A, %scan3A_3 : i32
    %scan3A_5 = arith.constant 1 : i32
    scf.for %scan3A_14 = %scan3A to %scan3A_4 step %scan3A_5  : i32 {
      %mul3A_15 = arith.constant 1 : i32
      %mul3A_16 = arith.muli %scan3A_14, %mul3A_15 : i32
      %add3A_17 = arith.constant 0 : i32
      %add3A_18 = arith.addi %add3A_17, %mul3A_16 : i32
      %dma_start3A = arith.constant 0 : i32
      %dma_start3A_19 = tpu.memref_slice %arg7[%add3A_18, %dma_start3A] : memref<5x2048xi32, #tpu.memory_space<vmem>> -> memref<1x2048xi32, #tpu.memory_space<vmem>>
      %dma_start3A_20 = tpu.memref_squeeze %dma_start3A_19 : memref<1x2048xi32, #tpu.memory_space<vmem>> -> memref<2048xi32, #tpu.memory_space<vmem>>
      %dma_start3A_21 = arith.constant 0 : i32
      %dma_start3A_22 = tpu.memref_slice %arg10[%dma_start3A_21] : memref<10240xf32, #tpu.memory_space<vmem_shared>> -> memref<10240xf32, #tpu.memory_space<vmem_shared>>
      tpu.enqueue_indirect_dma source(%arg9 : memref<2048xf32, #tpu.memory_space<vmem>>) target(%dma_start3A_22 : memref<10240xf32, #tpu.memory_space<vmem_shared>>) offsets(%dma_start3A_20 : memref<2048xi32, #tpu.memory_space<vmem>>) semaphore(%arg12 : memref<!tpu.dma_semaphore, #tpu.memory_space<semaphore_mem>>) {add = true}
      %dma_start3A_23 = arith.constant 0 : i32
      %dma_start3A_24 = tpu.memref_slice %arg8[%add3A_18, %dma_start3A_23] : memref<5x2048xi32, #tpu.memory_space<vmem>> -> memref<1x2048xi32, #tpu.memory_space<vmem>>
      %dma_start3A_25 = tpu.memref_squeeze %dma_start3A_24 : memref<1x2048xi32, #tpu.memory_space<vmem>> -> memref<2048xi32, #tpu.memory_space<vmem>>
      %dma_start3A_26 = arith.constant 0 : i32
      %dma_start3A_27 = tpu.memref_slice %arg11[%dma_start3A_26] : memref<10240xf32, #tpu.memory_space<vmem_shared>> -> memref<10240xf32, #tpu.memory_space<vmem_shared>>
      tpu.enqueue_indirect_dma source(%arg9 : memref<2048xf32, #tpu.memory_space<vmem>>) target(%dma_start3A_27 : memref<10240xf32, #tpu.memory_space<vmem_shared>>) offsets(%dma_start3A_25 : memref<2048xi32, #tpu.memory_space<vmem>>) semaphore(%arg13 : memref<!tpu.dma_semaphore, #tpu.memory_space<semaphore_mem>>) {add = true}
    }
    %scan3A_6 = arith.constant 5 : i32
    %scan3A_7 = arith.constant 0 : i32
    %scan3A_8 = arith.constant 5 : i32
    %scan3A_9 = arith.addi %scan3A_7, %scan3A_8 : i32
    %scan3A_10 = arith.constant 1 : i32
    scf.for %scan3A_14 = %scan3A_7 to %scan3A_9 step %scan3A_10  : i32 {
      %mul3A_15 = arith.constant 1 : i32
      %mul3A_16 = arith.muli %scan3A_14, %mul3A_15 : i32
      %add3A_17 = arith.constant 0 : i32
      %add3A_18 = arith.addi %add3A_17, %mul3A_16 : i32
      %dma_wait3A = arith.constant 0 : i32
      %dma_wait3A_19 = arith.constant 0 : i32
      %dma_wait3A_20 = tpu.memref_slice %arg7[%dma_wait3A, %dma_wait3A_19] : memref<5x2048xi32, #tpu.memory_space<vmem>> -> memref<1x2048xi32, #tpu.memory_space<vmem>>
      %dma_wait3A_21 = tpu.memref_squeeze %dma_wait3A_20 : memref<1x2048xi32, #tpu.memory_space<vmem>> -> memref<2048xi32, #tpu.memory_space<vmem>>
      %dma_wait3A_22 = arith.constant 0 : i32
      %dma_wait3A_23 = tpu.memref_slice %arg10[%dma_wait3A_22] : memref<10240xf32, #tpu.memory_space<vmem_shared>> -> memref<10240xf32, #tpu.memory_space<vmem_shared>>
      tpu.wait_indirect_dma semaphore(%arg12 : memref<!tpu.dma_semaphore, #tpu.memory_space<semaphore_mem>>) src(%arg9 : memref<2048xf32, #tpu.memory_space<vmem>>) dst(%dma_wait3A_23 : memref<10240xf32, #tpu.memory_space<vmem_shared>>)
      %dma_wait3A_24 = arith.constant 0 : i32
      %dma_wait3A_25 = arith.constant 0 : i32
      %dma_wait3A_26 = tpu.memref_slice %arg8[%dma_wait3A_24, %dma_wait3A_25] : memref<5x2048xi32, #tpu.memory_space<vmem>> -> memref<1x2048xi32, #tpu.memory_space<vmem>>
      %dma_wait3A_27 = tpu.memref_squeeze %dma_wait3A_26 : memref<1x2048xi32, #tpu.memory_space<vmem>> -> memref<2048xi32, #tpu.memory_space<vmem>>
      %dma_wait3A_28 = arith.constant 0 : i32
      %dma_wait3A_29 = tpu.memref_slice %arg11[%dma_wait3A_28] : memref<10240xf32, #tpu.memory_space<vmem_shared>> -> memref<10240xf32, #tpu.memory_space<vmem_shared>>
      tpu.wait_indirect_dma semaphore(%arg13 : memref<!tpu.dma_semaphore, #tpu.memory_space<semaphore_mem>>) src(%arg9 : memref<2048xf32, #tpu.memory_space<vmem>>) dst(%dma_wait3A_29 : memref<10240xf32, #tpu.memory_space<vmem_shared>>)
    }
    %scan3A_11 = arith.constant 5 : i32
    %barrier3A_12 = arith.constant 0 : index
    tpu.barrier barrier_id(%barrier3A_12)
    %run_scoped3A = arith.constant 0 : i32
    "tpu.region"() ({
      %run_scoped3A_14 = tpu.sem_alloc : memref<!tpu.dma_semaphore, #tpu.memory_space<semaphore_mem>>
      %dma_start3A = tpu.memref_slice %arg6[%arg0, %run_scoped3A, %mul3A_2] : memref<2x2x10240xf32, #tpu.memory_space<hbm>> -> memref<1x1x640xf32, #tpu.memory_space<hbm>>
      %dma_start3A_15 = tpu.memref_squeeze %dma_start3A : memref<1x1x640xf32, #tpu.memory_space<hbm>> -> memref<640xf32, #tpu.memory_space<hbm>>
      %dma_start3A_16 = tpu.memref_slice %arg10[%mul3A_2] : memref<10240xf32, #tpu.memory_space<vmem_shared>> -> memref<640xf32, #tpu.memory_space<vmem_shared>>
      tpu.enqueue_dma source(%dma_start3A_16 : memref<640xf32, #tpu.memory_space<vmem_shared>>) target(%dma_start3A_15 : memref<640xf32, #tpu.memory_space<hbm>>) target_semaphore(%run_scoped3A_14 : memref<!tpu.dma_semaphore, #tpu.memory_space<semaphore_mem>>)
      %dma_wait3A = tpu.memref_slice %arg6[%arg0, %run_scoped3A, %mul3A_2] : memref<2x2x10240xf32, #tpu.memory_space<hbm>> -> memref<1x1x640xf32, #tpu.memory_space<hbm>>
      %dma_wait3A_17 = tpu.memref_squeeze %dma_wait3A : memref<1x1x640xf32, #tpu.memory_space<hbm>> -> memref<640xf32, #tpu.memory_space<hbm>>
      %dma_wait3A_18 = tpu.memref_slice %arg10[%mul3A_2] : memref<10240xf32, #tpu.memory_space<vmem_shared>> -> memref<640xf32, #tpu.memory_space<vmem_shared>>
      tpu.wait_dma2 semaphore(%run_scoped3A_14 : memref<!tpu.dma_semaphore, #tpu.memory_space<semaphore_mem>>) src(%dma_wait3A_18 : memref<640xf32, #tpu.memory_space<vmem_shared>>) dst(%dma_wait3A_17 : memref<640xf32, #tpu.memory_space<hbm>>)
      tpu.yield
    }) : () -> ()
    %run_scoped3A_13 = arith.constant 1 : i32
    "tpu.region"() ({
      %run_scoped3A_14 = tpu.sem_alloc : memref<!tpu.dma_semaphore, #tpu.memory_space<semaphore_mem>>
      %dma_start3A = tpu.memref_slice %arg6[%arg0, %run_scoped3A_13, %mul3A_2] : memref<2x2x10240xf32, #tpu.memory_space<hbm>> -> memref<1x1x640xf32, #tpu.memory_space<hbm>>
      %dma_start3A_15 = tpu.memref_squeeze %dma_start3A : memref<1x1x640xf32, #tpu.memory_space<hbm>> -> memref<640xf32, #tpu.memory_space<hbm>>
      %dma_start3A_16 = tpu.memref_slice %arg11[%mul3A_2] : memref<10240xf32, #tpu.memory_space<vmem_shared>> -> memref<640xf32, #tpu.memory_space<vmem_shared>>
      tpu.enqueue_dma source(%dma_start3A_16 : memref<640xf32, #tpu.memory_space<vmem_shared>>) target(%dma_start3A_15 : memref<640xf32, #tpu.memory_space<hbm>>) target_semaphore(%run_scoped3A_14 : memref<!tpu.dma_semaphore, #tpu.memory_space<semaphore_mem>>)
      %dma_wait3A = tpu.memref_slice %arg6[%arg0, %run_scoped3A_13, %mul3A_2] : memref<2x2x10240xf32, #tpu.memory_space<hbm>> -> memref<1x1x640xf32, #tpu.memory_space<hbm>>
      %dma_wait3A_17 = tpu.memref_squeeze %dma_wait3A : memref<1x1x640xf32, #tpu.memory_space<hbm>> -> memref<640xf32, #tpu.memory_space<hbm>>
      %dma_wait3A_18 = tpu.memref_slice %arg11[%mul3A_2] : memref<10240xf32, #tpu.memory_space<vmem_shared>> -> memref<640xf32, #tpu.memory_space<vmem_shared>>
      tpu.wait_dma2 semaphore(%run_scoped3A_14 : memref<!tpu.dma_semaphore, #tpu.memory_space<semaphore_mem>>) src(%dma_wait3A_18 : memref<640xf32, #tpu.memory_space<vmem_shared>>) dst(%dma_wait3A_17 : memref<640xf32, #tpu.memory_space<hbm>>)
      tpu.yield
    }) : () -> ()
    return
  }
}

#map = affine_map<(d0, d1) -> (0, 0)>
#map1 = affine_map<(d0, d1) -> (0, 0, 0)>
module attributes {stable_mosaic.version = 14 : i64} {
  func.func @_layer_body(%arg0: i32, %arg1: i32, %arg2: memref<10240x64xbf16, #tpu.memory_space<hbm>>, %arg3: memref<32x10x1024xi32, #tpu.memory_space<hbm>>, %arg4: memref<32x10x1024xi32, #tpu.memory_space<hbm>>, %arg5: memref<2x10240x64xbf16, #tpu.memory_space<hbm>>, %arg6: memref<10x1024xi32, #tpu.memory_space<vmem>>, %arg7: memref<10x1024xi32, #tpu.memory_space<vmem>>, %arg8: memref<1024x64xbf16, #tpu.memory_space<vmem>>, %arg9: memref<1024x64xbf16, #tpu.memory_space<vmem>>, %arg10: memref<10240x64xbf16, #tpu.memory_space<vmem_shared>>, %arg11: memref<10240x64xbf16, #tpu.memory_space<vmem_shared>>, %arg12: memref<!tpu.dma_semaphore, #tpu.memory_space<semaphore_mem>>, %arg13: memref<!tpu.dma_semaphore, #tpu.memory_space<semaphore_mem>>) attributes {dimension_semantics = [#tpu.dimension_semantics<core_parallel>, #tpu.dimension_semantics<subcore_parallel>], iteration_bounds = array<i64: 2, 16>, scalar_prefetch = 0 : i64, scratch_operands = 8 : i64, tpu.core_type = #tpu.core_type<sc_vector_subcore>, window_params = [{transform_indices = #map}, {transform_indices = #map1}, {transform_indices = #map1}, {transform_indices = #map1}]} {
    %mul3A = arith.constant 16 : i32
    %mul3A_0 = arith.muli %arg0, %mul3A : i32
    %add3A = arith.addi %mul3A_0, %arg1 : i32
    %mul3A_1 = arith.constant 640 : i32
    %mul3A_2 = arith.muli %arg1, %mul3A_1 : i32
    %dma_start3A = arith.constant 0 : i32
    %dma_start3A_3 = tpu.memref_slice %arg10[%mul3A_2, %dma_start3A] : memref<10240x64xbf16, #tpu.memory_space<vmem_shared>> -> memref<640x64xbf16, #tpu.memory_space<vmem_shared>>
    %dma_start3A_4 = arith.constant 0 : i32
    %dma_start3A_5 = tpu.memref_slice %arg2[%mul3A_2, %dma_start3A_4] : memref<10240x64xbf16, #tpu.memory_space<hbm>> -> memref<640x64xbf16, #tpu.memory_space<hbm>>
    tpu.enqueue_dma source(%dma_start3A_5 : memref<640x64xbf16, #tpu.memory_space<hbm>>) target(%dma_start3A_3 : memref<640x64xbf16, #tpu.memory_space<vmem_shared>>) target_semaphore(%arg12 : memref<!tpu.dma_semaphore, #tpu.memory_space<semaphore_mem>>)
    %dma_start3A_6 = arith.constant 0 : i32
    %dma_start3A_7 = arith.constant 0 : i32
    %dma_start3A_8 = tpu.memref_slice %arg3[%add3A, %dma_start3A_6, %dma_start3A_7] : memref<32x10x1024xi32, #tpu.memory_space<hbm>> -> memref<1x10x1024xi32, #tpu.memory_space<hbm>>
    %dma_start3A_9 = tpu.memref_squeeze %dma_start3A_8 : memref<1x10x1024xi32, #tpu.memory_space<hbm>> -> memref<10x1024xi32, #tpu.memory_space<hbm>>
    %dma_start3A_10 = arith.constant 0 : i32
    %dma_start3A_11 = arith.constant 0 : i32
    %dma_start3A_12 = tpu.memref_slice %arg3[%add3A, %dma_start3A_10, %dma_start3A_11] : memref<32x10x1024xi32, #tpu.memory_space<hbm>> -> memref<1x10x1024xi32, #tpu.memory_space<hbm>>
    %dma_start3A_13 = tpu.memref_squeeze %dma_start3A_12 : memref<1x10x1024xi32, #tpu.memory_space<hbm>> -> memref<10x1024xi32, #tpu.memory_space<hbm>>
    tpu.enqueue_dma source(%dma_start3A_13 : memref<10x1024xi32, #tpu.memory_space<hbm>>) target(%arg6 : memref<10x1024xi32, #tpu.memory_space<vmem>>) target_semaphore(%arg13 : memref<!tpu.dma_semaphore, #tpu.memory_space<semaphore_mem>>)
    %dma_start3A_14 = arith.constant 0 : i32
    %dma_start3A_15 = arith.constant 0 : i32
    %dma_start3A_16 = tpu.memref_slice %arg4[%add3A, %dma_start3A_14, %dma_start3A_15] : memref<32x10x1024xi32, #tpu.memory_space<hbm>> -> memref<1x10x1024xi32, #tpu.memory_space<hbm>>
    %dma_start3A_17 = tpu.memref_squeeze %dma_start3A_16 : memref<1x10x1024xi32, #tpu.memory_space<hbm>> -> memref<10x1024xi32, #tpu.memory_space<hbm>>
    %dma_start3A_18 = arith.constant 0 : i32
    %dma_start3A_19 = arith.constant 0 : i32
    %dma_start3A_20 = tpu.memref_slice %arg4[%add3A, %dma_start3A_18, %dma_start3A_19] : memref<32x10x1024xi32, #tpu.memory_space<hbm>> -> memref<1x10x1024xi32, #tpu.memory_space<hbm>>
    %dma_start3A_21 = tpu.memref_squeeze %dma_start3A_20 : memref<1x10x1024xi32, #tpu.memory_space<hbm>> -> memref<10x1024xi32, #tpu.memory_space<hbm>>
    tpu.enqueue_dma source(%dma_start3A_21 : memref<10x1024xi32, #tpu.memory_space<hbm>>) target(%arg7 : memref<10x1024xi32, #tpu.memory_space<vmem>>) target_semaphore(%arg13 : memref<!tpu.dma_semaphore, #tpu.memory_space<semaphore_mem>>)
    %broadcast_in_dim3A = arith.constant 0.000000e+00 : bf16
    %broadcast_in_dim3A_22 = vector.broadcast %broadcast_in_dim3A : bf16 to vector<32xbf16>
    %scan3A = arith.constant 0 : i32
    %scan3A_23 = arith.constant 640 : i32
    %scan3A_24 = arith.addi %scan3A, %scan3A_23 : i32
    %scan3A_25 = arith.constant 1 : i32
    scf.for %scan3A_81 = %scan3A to %scan3A_24 step %scan3A_25  : i32 {
      %mul3A_82 = arith.constant 1 : i32
      %mul3A_83 = arith.muli %scan3A_81, %mul3A_82 : i32
      %add3A_84 = arith.constant 0 : i32
      %add3A_85 = arith.addi %add3A_84, %mul3A_83 : i32
      %swap3A = arith.index_cast %add3A_85 : i32 to index
      %swap3A_86 = arith.constant 0 : index
      %swap3A_87 = tpu.vector_load %arg8[%swap3A, %swap3A_86] {strides = array<i32>} : memref<1024x64xbf16, #tpu.memory_space<vmem>>, vector<1x32xbf16>,
      %swap3A_88 = vector.shape_cast %swap3A_87 : vector<1x32xbf16> to vector<32xbf16>
      %swap3A_89 = vector.shape_cast %broadcast_in_dim3A_22 : vector<32xbf16> to vector<1x32xbf16>
      tpu.vector_store %arg8[%swap3A, %swap3A_86], %swap3A_89 {strides = array<i32>} : memref<1024x64xbf16, #tpu.memory_space<vmem>>, vector<1x32xbf16>,
      %swap3A_90 = arith.index_cast %add3A_85 : i32 to index
      %swap3A_91 = arith.constant 32 : index
      %swap3A_92 = tpu.vector_load %arg8[%swap3A_90, %swap3A_91] {strides = array<i32>} : memref<1024x64xbf16, #tpu.memory_space<vmem>>, vector<1x32xbf16>,
      %swap3A_93 = vector.shape_cast %swap3A_92 : vector<1x32xbf16> to vector<32xbf16>
      %swap3A_94 = vector.shape_cast %broadcast_in_dim3A_22 : vector<32xbf16> to vector<1x32xbf16>
      tpu.vector_store %arg8[%swap3A_90, %swap3A_91], %swap3A_94 {strides = array<i32>} : memref<1024x64xbf16, #tpu.memory_space<vmem>>, vector<1x32xbf16>,
    }
    %scan3A_26 = arith.constant 640 : i32
    "tpu.region"() ({
      %run_scoped3A_81 = tpu.sem_alloc : memref<!tpu.dma_semaphore, #tpu.memory_space<semaphore_mem>>
      %dma_start3A_82 = arith.constant 0 : i32
      %dma_start3A_83 = arith.constant 0 : i32
      %dma_start3A_84 = tpu.memref_slice %arg8[%dma_start3A_82, %dma_start3A_83] : memref<1024x64xbf16, #tpu.memory_space<vmem>> -> memref<640x64xbf16, #tpu.memory_space<vmem>>
      %dma_start3A_85 = arith.constant 0 : i32
      %dma_start3A_86 = tpu.memref_slice %arg11[%mul3A_2, %dma_start3A_85] : memref<10240x64xbf16, #tpu.memory_space<vmem_shared>> -> memref<640x64xbf16, #tpu.memory_space<vmem_shared>>
      %dma_start3A_87 = arith.constant 0 : i32
      %dma_start3A_88 = tpu.memref_slice %arg11[%mul3A_2, %dma_start3A_87] : memref<10240x64xbf16, #tpu.memory_space<vmem_shared>> -> memref<640x64xbf16, #tpu.memory_space<vmem_shared>>
      %dma_start3A_89 = arith.constant 0 : i32
      %dma_start3A_90 = arith.constant 0 : i32
      %dma_start3A_91 = tpu.memref_slice %arg8[%dma_start3A_89, %dma_start3A_90] : memref<1024x64xbf16, #tpu.memory_space<vmem>> -> memref<640x64xbf16, #tpu.memory_space<vmem>>
      tpu.enqueue_dma source(%dma_start3A_91 : memref<640x64xbf16, #tpu.memory_space<vmem>>) target(%dma_start3A_88 : memref<640x64xbf16, #tpu.memory_space<vmem_shared>>) target_semaphore(%run_scoped3A_81 : memref<!tpu.dma_semaphore, #tpu.memory_space<semaphore_mem>>)
      %dma_wait3A_92 = arith.constant 0 : i32
      %dma_wait3A_93 = arith.constant 0 : i32
      %dma_wait3A_94 = tpu.memref_slice %arg8[%dma_wait3A_92, %dma_wait3A_93] : memref<1024x64xbf16, #tpu.memory_space<vmem>> -> memref<640x64xbf16, #tpu.memory_space<vmem>>
      %dma_wait3A_95 = arith.constant 0 : i32
      %dma_wait3A_96 = tpu.memref_slice %arg11[%mul3A_2, %dma_wait3A_95] : memref<10240x64xbf16, #tpu.memory_space<vmem_shared>> -> memref<640x64xbf16, #tpu.memory_space<vmem_shared>>
      %dma_wait3A_97 = arith.constant 0 : i32
      %dma_wait3A_98 = tpu.memref_slice %arg11[%mul3A_2, %dma_wait3A_97] : memref<10240x64xbf16, #tpu.memory_space<vmem_shared>> -> memref<640x64xbf16, #tpu.memory_space<vmem_shared>>
      %dma_wait3A_99 = arith.constant 0 : i32
      %dma_wait3A_100 = arith.constant 0 : i32
      %dma_wait3A_101 = tpu.memref_slice %arg8[%dma_wait3A_99, %dma_wait3A_100] : memref<1024x64xbf16, #tpu.memory_space<vmem>> -> memref<640x64xbf16, #tpu.memory_space<vmem>>
      tpu.wait_dma2 semaphore(%run_scoped3A_81 : memref<!tpu.dma_semaphore, #tpu.memory_space<semaphore_mem>>) src(%dma_wait3A_101 : memref<640x64xbf16, #tpu.memory_space<vmem>>) dst(%dma_wait3A_98 : memref<640x64xbf16, #tpu.memory_space<vmem_shared>>)
      tpu.yield
    }) : () -> ()
    %dma_wait3A = arith.constant 0 : i32
    %dma_wait3A_27 = arith.constant 0 : i32
    %dma_wait3A_28 = tpu.memref_slice %arg3[%add3A, %dma_wait3A, %dma_wait3A_27] : memref<32x10x1024xi32, #tpu.memory_space<hbm>> -> memref<1x10x1024xi32, #tpu.memory_space<hbm>>
    %dma_wait3A_29 = tpu.memref_squeeze %dma_wait3A_28 : memref<1x10x1024xi32, #tpu.memory_space<hbm>> -> memref<10x1024xi32, #tpu.memory_space<hbm>>
    %dma_wait3A_30 = arith.constant 0 : i32
    %dma_wait3A_31 = arith.constant 0 : i32
    %dma_wait3A_32 = tpu.memref_slice %arg3[%add3A, %dma_wait3A_30, %dma_wait3A_31] : memref<32x10x1024xi32, #tpu.memory_space<hbm>> -> memref<1x10x1024xi32, #tpu.memory_space<hbm>>
    %dma_wait3A_33 = tpu.memref_squeeze %dma_wait3A_32 : memref<1x10x1024xi32, #tpu.memory_space<hbm>> -> memref<10x1024xi32, #tpu.memory_space<hbm>>
    tpu.wait_dma2 semaphore(%arg13 : memref<!tpu.dma_semaphore, #tpu.memory_space<semaphore_mem>>) src(%dma_wait3A_33 : memref<10x1024xi32, #tpu.memory_space<hbm>>) dst(%arg6 : memref<10x1024xi32, #tpu.memory_space<vmem>>)
    %dma_wait3A_34 = arith.constant 0 : i32
    %dma_wait3A_35 = arith.constant 0 : i32
    %dma_wait3A_36 = tpu.memref_slice %arg4[%add3A, %dma_wait3A_34, %dma_wait3A_35] : memref<32x10x1024xi32, #tpu.memory_space<hbm>> -> memref<1x10x1024xi32, #tpu.memory_space<hbm>>
    %dma_wait3A_37 = tpu.memref_squeeze %dma_wait3A_36 : memref<1x10x1024xi32, #tpu.memory_space<hbm>> -> memref<10x1024xi32, #tpu.memory_space<hbm>>
    %dma_wait3A_38 = arith.constant 0 : i32
    %dma_wait3A_39 = arith.constant 0 : i32
    %dma_wait3A_40 = tpu.memref_slice %arg4[%add3A, %dma_wait3A_38, %dma_wait3A_39] : memref<32x10x1024xi32, #tpu.memory_space<hbm>> -> memref<1x10x1024xi32, #tpu.memory_space<hbm>>
    %dma_wait3A_41 = tpu.memref_squeeze %dma_wait3A_40 : memref<1x10x1024xi32, #tpu.memory_space<hbm>> -> memref<10x1024xi32, #tpu.memory_space<hbm>>
    tpu.wait_dma2 semaphore(%arg13 : memref<!tpu.dma_semaphore, #tpu.memory_space<semaphore_mem>>) src(%dma_wait3A_41 : memref<10x1024xi32, #tpu.memory_space<hbm>>) dst(%arg7 : memref<10x1024xi32, #tpu.memory_space<vmem>>)
    %dma_wait3A_42 = arith.constant 0 : i32
    %dma_wait3A_43 = tpu.memref_slice %arg10[%mul3A_2, %dma_wait3A_42] : memref<10240x64xbf16, #tpu.memory_space<vmem_shared>> -> memref<640x64xbf16, #tpu.memory_space<vmem_shared>>
    %dma_wait3A_44 = arith.constant 0 : i32
    %dma_wait3A_45 = tpu.memref_slice %arg2[%mul3A_2, %dma_wait3A_44] : memref<10240x64xbf16, #tpu.memory_space<hbm>> -> memref<640x64xbf16, #tpu.memory_space<hbm>>
    tpu.wait_dma2 semaphore(%arg12 : memref<!tpu.dma_semaphore, #tpu.memory_space<semaphore_mem>>) src(%dma_wait3A_45 : memref<640x64xbf16, #tpu.memory_space<hbm>>) dst(%dma_wait3A_43 : memref<640x64xbf16, #tpu.memory_space<vmem_shared>>)
    %barrier3A = arith.constant 0 : index
    tpu.barrier barrier_id(%barrier3A)
    %dma_start3A_46 = arith.constant 0 : i32
    %dma_start3A_47 = arith.constant 0 : i32
    %dma_start3A_48 = tpu.memref_slice %arg6[%dma_start3A_46, %dma_start3A_47] : memref<10x1024xi32, #tpu.memory_space<vmem>> -> memref<1x1024xi32, #tpu.memory_space<vmem>>
    %dma_start3A_49 = tpu.memref_squeeze %dma_start3A_48 : memref<1x1024xi32, #tpu.memory_space<vmem>> -> memref<1024xi32, #tpu.memory_space<vmem>>
    %dma_start3A_50 = arith.constant 0 : i32
    %dma_start3A_51 = arith.constant 0 : i32
    %dma_start3A_52 = tpu.memref_slice %arg10[%dma_start3A_50, %dma_start3A_51] : memref<10240x64xbf16, #tpu.memory_space<vmem_shared>> -> memref<10240x64xbf16, #tpu.memory_space<vmem_shared>>
    tpu.enqueue_indirect_dma source(%dma_start3A_52 : memref<10240x64xbf16, #tpu.memory_space<vmem_shared>>) target(%arg8 : memref<1024x64xbf16, #tpu.memory_space<vmem>>) offsets(%dma_start3A_49 : memref<1024xi32, #tpu.memory_space<vmem>>) semaphore(%arg12 : memref<!tpu.dma_semaphore, #tpu.memory_space<semaphore_mem>>)
    %dma_start3A_53 = arith.constant 1 : i32
    %dma_start3A_54 = arith.constant 0 : i32
    %dma_start3A_55 = tpu.memref_slice %arg6[%dma_start3A_53, %dma_start3A_54] : memref<10x1024xi32, #tpu.memory_space<vmem>> -> memref<1x1024xi32, #tpu.memory_space<vmem>>
    %dma_start3A_56 = tpu.memref_squeeze %dma_start3A_55 : memref<1x1024xi32, #tpu.memory_space<vmem>> -> memref<1024xi32, #tpu.memory_space<vmem>>
    %dma_start3A_57 = arith.constant 0 : i32
    %dma_start3A_58 = arith.constant 0 : i32
    %dma_start3A_59 = tpu.memref_slice %arg10[%dma_start3A_57, %dma_start3A_58] : memref<10240x64xbf16, #tpu.memory_space<vmem_shared>> -> memref<10240x64xbf16, #tpu.memory_space<vmem_shared>>
    tpu.enqueue_indirect_dma source(%dma_start3A_59 : memref<10240x64xbf16, #tpu.memory_space<vmem_shared>>) target(%arg9 : memref<1024x64xbf16, #tpu.memory_space<vmem>>) offsets(%dma_start3A_56 : memref<1024xi32, #tpu.memory_space<vmem>>) semaphore(%arg13 : memref<!tpu.dma_semaphore, #tpu.memory_space<semaphore_mem>>)
    %scan3A_60 = arith.constant 0 : i32
    %scan3A_61 = arith.constant 4 : i32
    %scan3A_62 = arith.addi %scan3A_60, %scan3A_61 : i32
    %scan3A_63 = arith.constant 1 : i32
    scf.for %scan3A_81 = %scan3A_60 to %scan3A_62 step %scan3A_63  : i32 {
      %mul3A_82 = arith.constant 1 : i32
      %mul3A_83 = arith.muli %scan3A_81, %mul3A_82 : i32
      %add3A_84 = arith.constant 0 : i32
      %add3A_85 = arith.addi %add3A_84, %mul3A_83 : i32
      %mul3A_86 = arith.constant 2 : i32
      %mul3A_87 = arith.muli %mul3A_86, %add3A_85 : i32
      %dma_wait3A_88 = arith.constant 0 : i32
      %dma_wait3A_89 = arith.constant 0 : i32
      %dma_wait3A_90 = tpu.memref_slice %arg6[%dma_wait3A_88, %dma_wait3A_89] : memref<10x1024xi32, #tpu.memory_space<vmem>> -> memref<1x1024xi32, #tpu.memory_space<vmem>>
      %dma_wait3A_91 = tpu.memref_squeeze %dma_wait3A_90 : memref<1x1024xi32, #tpu.memory_space<vmem>> -> memref<1024xi32, #tpu.memory_space<vmem>>
      %dma_wait3A_92 = arith.constant 0 : i32
      %dma_wait3A_93 = arith.constant 0 : i32
      %dma_wait3A_94 = tpu.memref_slice %arg10[%dma_wait3A_92, %dma_wait3A_93] : memref<10240x64xbf16, #tpu.memory_space<vmem_shared>> -> memref<10240x64xbf16, #tpu.memory_space<vmem_shared>>
      tpu.wait_indirect_dma semaphore(%arg12 : memref<!tpu.dma_semaphore, #tpu.memory_space<semaphore_mem>>) src(%dma_wait3A_94 : memref<10240x64xbf16, #tpu.memory_space<vmem_shared>>) dst(%arg8 : memref<1024x64xbf16, #tpu.memory_space<vmem>>)
      "tpu.region"() ({
        %run_scoped3A_120 = tpu.sem_alloc : memref<!tpu.dma_semaphore, #tpu.memory_space<semaphore_mem>>
        %dma_start3A_121 = arith.constant 0 : i32
        %dma_start3A_122 = tpu.memref_slice %arg7[%mul3A_87, %dma_start3A_121] : memref<10x1024xi32, #tpu.memory_space<vmem>> -> memref<1x1024xi32, #tpu.memory_space<vmem>>
        %dma_start3A_123 = tpu.memref_squeeze %dma_start3A_122 : memref<1x1024xi32, #tpu.memory_space<vmem>> -> memref<1024xi32, #tpu.memory_space<vmem>>
        %dma_start3A_124 = arith.constant 0 : i32
        %dma_start3A_125 = arith.constant 0 : i32
        %dma_start3A_126 = tpu.memref_slice %arg11[%dma_start3A_124, %dma_start3A_125] : memref<10240x64xbf16, #tpu.memory_space<vmem_shared>> -> memref<10240x64xbf16, #tpu.memory_space<vmem_shared>>
        tpu.enqueue_indirect_dma source(%arg8 : memref<1024x64xbf16, #tpu.memory_space<vmem>>) target(%dma_start3A_126 : memref<10240x64xbf16, #tpu.memory_space<vmem_shared>>) offsets(%dma_start3A_123 : memref<1024xi32, #tpu.memory_space<vmem>>) semaphore(%run_scoped3A_120 : memref<!tpu.dma_semaphore, #tpu.memory_space<semaphore_mem>>) {add = true}
        %dma_wait3A_127 = arith.constant 0 : i32
        %dma_wait3A_128 = tpu.memref_slice %arg7[%mul3A_87, %dma_wait3A_127] : memref<10x1024xi32, #tpu.memory_space<vmem>> -> memref<1x1024xi32, #tpu.memory_space<vmem>>
        %dma_wait3A_129 = tpu.memref_squeeze %dma_wait3A_128 : memref<1x1024xi32, #tpu.memory_space<vmem>> -> memref<1024xi32, #tpu.memory_space<vmem>>
        %dma_wait3A_130 = arith.constant 0 : i32
        %dma_wait3A_131 = arith.constant 0 : i32
        %dma_wait3A_132 = tpu.memref_slice %arg11[%dma_wait3A_130, %dma_wait3A_131] : memref<10240x64xbf16, #tpu.memory_space<vmem_shared>> -> memref<10240x64xbf16, #tpu.memory_space<vmem_shared>>
        tpu.wait_indirect_dma semaphore(%run_scoped3A_120 : memref<!tpu.dma_semaphore, #tpu.memory_space<semaphore_mem>>) src(%arg8 : memref<1024x64xbf16, #tpu.memory_space<vmem>>) dst(%dma_wait3A_132 : memref<10240x64xbf16, #tpu.memory_space<vmem_shared>>)
        tpu.yield
      }) : () -> ()
      %add3A_95 = arith.constant 2 : i32
      %add3A_96 = arith.addi %mul3A_87, %add3A_95 : i32
      %dma_start3A_97 = arith.constant 0 : i32
      %dma_start3A_98 = tpu.memref_slice %arg6[%add3A_96, %dma_start3A_97] : memref<10x1024xi32, #tpu.memory_space<vmem>> -> memref<1x1024xi32, #tpu.memory_space<vmem>>
      %dma_start3A_99 = tpu.memref_squeeze %dma_start3A_98 : memref<1x1024xi32, #tpu.memory_space<vmem>> -> memref<1024xi32, #tpu.memory_space<vmem>>
      %dma_start3A_100 = arith.constant 0 : i32
      %dma_start3A_101 = arith.constant 0 : i32
      %dma_start3A_102 = tpu.memref_slice %arg10[%dma_start3A_100, %dma_start3A_101] : memref<10240x64xbf16, #tpu.memory_space<vmem_shared>> -> memref<10240x64xbf16, #tpu.memory_space<vmem_shared>>
      tpu.enqueue_indirect_dma source(%dma_start3A_102 : memref<10240x64xbf16, #tpu.memory_space<vmem_shared>>) target(%arg8 : memref<1024x64xbf16, #tpu.memory_space<vmem>>) offsets(%dma_start3A_99 : memref<1024xi32, #tpu.memory_space<vmem>>) semaphore(%arg12 : memref<!tpu.dma_semaphore, #tpu.memory_space<semaphore_mem>>)
      %dma_wait3A_103 = arith.constant 1 : i32
      %dma_wait3A_104 = arith.constant 0 : i32
      %dma_wait3A_105 = tpu.memref_slice %arg6[%dma_wait3A_103, %dma_wait3A_104] : memref<10x1024xi32, #tpu.memory_space<vmem>> -> memref<1x1024xi32, #tpu.memory_space<vmem>>
      %dma_wait3A_106 = tpu.memref_squeeze %dma_wait3A_105 : memref<1x1024xi32, #tpu.memory_space<vmem>> -> memref<1024xi32, #tpu.memory_space<vmem>>
      %dma_wait3A_107 = arith.constant 0 : i32
      %dma_wait3A_108 = arith.constant 0 : i32
      %dma_wait3A_109 = tpu.memref_slice %arg10[%dma_wait3A_107, %dma_wait3A_108] : memref<10240x64xbf16, #tpu.memory_space<vmem_shared>> -> memref<10240x64xbf16, #tpu.memory_space<vmem_shared>>
      tpu.wait_indirect_dma semaphore(%arg13 : memref<!tpu.dma_semaphore, #tpu.memory_space<semaphore_mem>>) src(%dma_wait3A_109 : memref<10240x64xbf16, #tpu.memory_space<vmem_shared>>) dst(%arg9 : memref<1024x64xbf16, #tpu.memory_space<vmem>>)
      %add3A_110 = arith.constant 1 : i32
      %add3A_111 = arith.addi %mul3A_87, %add3A_110 : i32
      "tpu.region"() ({
        %run_scoped3A_120 = tpu.sem_alloc : memref<!tpu.dma_semaphore, #tpu.memory_space<semaphore_mem>>
        %dma_start3A_121 = arith.constant 0 : i32
        %dma_start3A_122 = tpu.memref_slice %arg7[%add3A_111, %dma_start3A_121] : memref<10x1024xi32, #tpu.memory_space<vmem>> -> memref<1x1024xi32, #tpu.memory_space<vmem>>
        %dma_start3A_123 = tpu.memref_squeeze %dma_start3A_122 : memref<1x1024xi32, #tpu.memory_space<vmem>> -> memref<1024xi32, #tpu.memory_space<vmem>>
        %dma_start3A_124 = arith.constant 0 : i32
        %dma_start3A_125 = arith.constant 0 : i32
        %dma_start3A_126 = tpu.memref_slice %arg11[%dma_start3A_124, %dma_start3A_125] : memref<10240x64xbf16, #tpu.memory_space<vmem_shared>> -> memref<10240x64xbf16, #tpu.memory_space<vmem_shared>>
        tpu.enqueue_indirect_dma source(%arg9 : memref<1024x64xbf16, #tpu.memory_space<vmem>>) target(%dma_start3A_126 : memref<10240x64xbf16, #tpu.memory_space<vmem_shared>>) offsets(%dma_start3A_123 : memref<1024xi32, #tpu.memory_space<vmem>>) semaphore(%run_scoped3A_120 : memref<!tpu.dma_semaphore, #tpu.memory_space<semaphore_mem>>) {add = true}
        %dma_wait3A_127 = arith.constant 0 : i32
        %dma_wait3A_128 = tpu.memref_slice %arg7[%add3A_111, %dma_wait3A_127] : memref<10x1024xi32, #tpu.memory_space<vmem>> -> memref<1x1024xi32, #tpu.memory_space<vmem>>
        %dma_wait3A_129 = tpu.memref_squeeze %dma_wait3A_128 : memref<1x1024xi32, #tpu.memory_space<vmem>> -> memref<1024xi32, #tpu.memory_space<vmem>>
        %dma_wait3A_130 = arith.constant 0 : i32
        %dma_wait3A_131 = arith.constant 0 : i32
        %dma_wait3A_132 = tpu.memref_slice %arg11[%dma_wait3A_130, %dma_wait3A_131] : memref<10240x64xbf16, #tpu.memory_space<vmem_shared>> -> memref<10240x64xbf16, #tpu.memory_space<vmem_shared>>
        tpu.wait_indirect_dma semaphore(%run_scoped3A_120 : memref<!tpu.dma_semaphore, #tpu.memory_space<semaphore_mem>>) src(%arg9 : memref<1024x64xbf16, #tpu.memory_space<vmem>>) dst(%dma_wait3A_132 : memref<10240x64xbf16, #tpu.memory_space<vmem_shared>>)
        tpu.yield
      }) : () -> ()
      %add3A_112 = arith.constant 3 : i32
      %add3A_113 = arith.addi %mul3A_87, %add3A_112 : i32
      %dma_start3A_114 = arith.constant 0 : i32
      %dma_start3A_115 = tpu.memref_slice %arg6[%add3A_113, %dma_start3A_114] : memref<10x1024xi32, #tpu.memory_space<vmem>> -> memref<1x1024xi32, #tpu.memory_space<vmem>>
      %dma_start3A_116 = tpu.memref_squeeze %dma_start3A_115 : memref<1x1024xi32, #tpu.memory_space<vmem>> -> memref<1024xi32, #tpu.memory_space<vmem>>
      %dma_start3A_117 = arith.constant 0 : i32
      %dma_start3A_118 = arith.constant 0 : i32
      %dma_start3A_119 = tpu.memref_slice %arg10[%dma_start3A_117, %dma_start3A_118] : memref<10240x64xbf16, #tpu.memory_space<vmem_shared>> -> memref<10240x64xbf16, #tpu.memory_space<vmem_shared>>
      tpu.enqueue_indirect_dma source(%dma_start3A_119 : memref<10240x64xbf16, #tpu.memory_space<vmem_shared>>) target(%arg9 : memref<1024x64xbf16, #tpu.memory_space<vmem>>) offsets(%dma_start3A_116 : memref<1024xi32, #tpu.memory_space<vmem>>) semaphore(%arg13 : memref<!tpu.dma_semaphore, #tpu.memory_space<semaphore_mem>>)
    }
    %scan3A_64 = arith.constant 4 : i32
    %dma_wait3A_65 = arith.constant 0 : i32
    %dma_wait3A_66 = arith.constant 0 : i32
    %dma_wait3A_67 = tpu.memref_slice %arg6[%dma_wait3A_65, %dma_wait3A_66] : memref<10x1024xi32, #tpu.memory_space<vmem>> -> memref<1x1024xi32, #tpu.memory_space<vmem>>
    %dma_wait3A_68 = tpu.memref_squeeze %dma_wait3A_67 : memref<1x1024xi32, #tpu.memory_space<vmem>> -> memref<1024xi32, #tpu.memory_space<vmem>>
    %dma_wait3A_69 = arith.constant 0 : i32
    %dma_wait3A_70 = arith.constant 0 : i32
    %dma_wait3A_71 = tpu.memref_slice %arg10[%dma_wait3A_69, %dma_wait3A_70] : memref<10240x64xbf16, #tpu.memory_space<vmem_shared>> -> memref<10240x64xbf16, #tpu.memory_space<vmem_shared>>
    tpu.wait_indirect_dma semaphore(%arg12 : memref<!tpu.dma_semaphore, #tpu.memory_space<semaphore_mem>>) src(%dma_wait3A_71 : memref<10240x64xbf16, #tpu.memory_space<vmem_shared>>) dst(%arg8 : memref<1024x64xbf16, #tpu.memory_space<vmem>>)
    %run_scoped3A = arith.constant 8 : i32
    "tpu.region"() ({
      %run_scoped3A_81 = tpu.sem_alloc : memref<!tpu.dma_semaphore, #tpu.memory_space<semaphore_mem>>
      %dma_start3A_82 = arith.constant 0 : i32
      %dma_start3A_83 = tpu.memref_slice %arg7[%run_scoped3A, %dma_start3A_82] : memref<10x1024xi32, #tpu.memory_space<vmem>> -> memref<1x1024xi32, #tpu.memory_space<vmem>>
      %dma_start3A_84 = tpu.memref_squeeze %dma_start3A_83 : memref<1x1024xi32, #tpu.memory_space<vmem>> -> memref<1024xi32, #tpu.memory_space<vmem>>
      %dma_start3A_85 = arith.constant 0 : i32
      %dma_start3A_86 = arith.constant 0 : i32
      %dma_start3A_87 = tpu.memref_slice %arg11[%dma_start3A_85, %dma_start3A_86] : memref<10240x64xbf16, #tpu.memory_space<vmem_shared>> -> memref<10240x64xbf16, #tpu.memory_space<vmem_shared>>
      tpu.enqueue_indirect_dma source(%arg8 : memref<1024x64xbf16, #tpu.memory_space<vmem>>) target(%dma_start3A_87 : memref<10240x64xbf16, #tpu.memory_space<vmem_shared>>) offsets(%dma_start3A_84 : memref<1024xi32, #tpu.memory_space<vmem>>) semaphore(%run_scoped3A_81 : memref<!tpu.dma_semaphore, #tpu.memory_space<semaphore_mem>>) {add = true}
      %dma_wait3A_88 = arith.constant 0 : i32
      %dma_wait3A_89 = tpu.memref_slice %arg7[%run_scoped3A, %dma_wait3A_88] : memref<10x1024xi32, #tpu.memory_space<vmem>> -> memref<1x1024xi32, #tpu.memory_space<vmem>>
      %dma_wait3A_90 = tpu.memref_squeeze %dma_wait3A_89 : memref<1x1024xi32, #tpu.memory_space<vmem>> -> memref<1024xi32, #tpu.memory_space<vmem>>
      %dma_wait3A_91 = arith.constant 0 : i32
      %dma_wait3A_92 = arith.constant 0 : i32
      %dma_wait3A_93 = tpu.memref_slice %arg11[%dma_wait3A_91, %dma_wait3A_92] : memref<10240x64xbf16, #tpu.memory_space<vmem_shared>> -> memref<10240x64xbf16, #tpu.memory_space<vmem_shared>>
      tpu.wait_indirect_dma semaphore(%run_scoped3A_81 : memref<!tpu.dma_semaphore, #tpu.memory_space<semaphore_mem>>) src(%arg8 : memref<1024x64xbf16, #tpu.memory_space<vmem>>) dst(%dma_wait3A_93 : memref<10240x64xbf16, #tpu.memory_space<vmem_shared>>)
      tpu.yield
    }) : () -> ()
    %dma_wait3A_72 = arith.constant 1 : i32
    %dma_wait3A_73 = arith.constant 0 : i32
    %dma_wait3A_74 = tpu.memref_slice %arg6[%dma_wait3A_72, %dma_wait3A_73] : memref<10x1024xi32, #tpu.memory_space<vmem>> -> memref<1x1024xi32, #tpu.memory_space<vmem>>
    %dma_wait3A_75 = tpu.memref_squeeze %dma_wait3A_74 : memref<1x1024xi32, #tpu.memory_space<vmem>> -> memref<1024xi32, #tpu.memory_space<vmem>>
    %dma_wait3A_76 = arith.constant 0 : i32
    %dma_wait3A_77 = arith.constant 0 : i32
    %dma_wait3A_78 = tpu.memref_slice %arg10[%dma_wait3A_76, %dma_wait3A_77] : memref<10240x64xbf16, #tpu.memory_space<vmem_shared>> -> memref<10240x64xbf16, #tpu.memory_space<vmem_shared>>
    tpu.wait_indirect_dma semaphore(%arg13 : memref<!tpu.dma_semaphore, #tpu.memory_space<semaphore_mem>>) src(%dma_wait3A_78 : memref<10240x64xbf16, #tpu.memory_space<vmem_shared>>) dst(%arg9 : memref<1024x64xbf16, #tpu.memory_space<vmem>>)
    %run_scoped3A_79 = arith.constant 9 : i32
    "tpu.region"() ({
      %run_scoped3A_81 = tpu.sem_alloc : memref<!tpu.dma_semaphore, #tpu.memory_space<semaphore_mem>>
      %dma_start3A_82 = arith.constant 0 : i32
      %dma_start3A_83 = tpu.memref_slice %arg7[%run_scoped3A_79, %dma_start3A_82] : memref<10x1024xi32, #tpu.memory_space<vmem>> -> memref<1x1024xi32, #tpu.memory_space<vmem>>
      %dma_start3A_84 = tpu.memref_squeeze %dma_start3A_83 : memref<1x1024xi32, #tpu.memory_space<vmem>> -> memref<1024xi32, #tpu.memory_space<vmem>>
      %dma_start3A_85 = arith.constant 0 : i32
      %dma_start3A_86 = arith.constant 0 : i32
      %dma_start3A_87 = tpu.memref_slice %arg11[%dma_start3A_85, %dma_start3A_86] : memref<10240x64xbf16, #tpu.memory_space<vmem_shared>> -> memref<10240x64xbf16, #tpu.memory_space<vmem_shared>>
      tpu.enqueue_indirect_dma source(%arg9 : memref<1024x64xbf16, #tpu.memory_space<vmem>>) target(%dma_start3A_87 : memref<10240x64xbf16, #tpu.memory_space<vmem_shared>>) offsets(%dma_start3A_84 : memref<1024xi32, #tpu.memory_space<vmem>>) semaphore(%run_scoped3A_81 : memref<!tpu.dma_semaphore, #tpu.memory_space<semaphore_mem>>) {add = true}
      %dma_wait3A_88 = arith.constant 0 : i32
      %dma_wait3A_89 = tpu.memref_slice %arg7[%run_scoped3A_79, %dma_wait3A_88] : memref<10x1024xi32, #tpu.memory_space<vmem>> -> memref<1x1024xi32, #tpu.memory_space<vmem>>
      %dma_wait3A_90 = tpu.memref_squeeze %dma_wait3A_89 : memref<1x1024xi32, #tpu.memory_space<vmem>> -> memref<1024xi32, #tpu.memory_space<vmem>>
      %dma_wait3A_91 = arith.constant 0 : i32
      %dma_wait3A_92 = arith.constant 0 : i32
      %dma_wait3A_93 = tpu.memref_slice %arg11[%dma_wait3A_91, %dma_wait3A_92] : memref<10240x64xbf16, #tpu.memory_space<vmem_shared>> -> memref<10240x64xbf16, #tpu.memory_space<vmem_shared>>
      tpu.wait_indirect_dma semaphore(%run_scoped3A_81 : memref<!tpu.dma_semaphore, #tpu.memory_space<semaphore_mem>>) src(%arg9 : memref<1024x64xbf16, #tpu.memory_space<vmem>>) dst(%dma_wait3A_93 : memref<10240x64xbf16, #tpu.memory_space<vmem_shared>>)
      tpu.yield
    }) : () -> ()
    %barrier3A_80 = arith.constant 0 : index
    tpu.barrier barrier_id(%barrier3A_80)
    "tpu.region"() ({
      %run_scoped3A_81 = tpu.sem_alloc : memref<!tpu.dma_semaphore, #tpu.memory_space<semaphore_mem>>
      %dma_start3A_82 = arith.constant 0 : i32
      %dma_start3A_83 = tpu.memref_slice %arg5[%arg0, %mul3A_2, %dma_start3A_82] : memref<2x10240x64xbf16, #tpu.memory_space<hbm>> -> memref<1x640x64xbf16, #tpu.memory_space<hbm>>
      %dma_start3A_84 = tpu.memref_squeeze %dma_start3A_83 : memref<1x640x64xbf16, #tpu.memory_space<hbm>> -> memref<640x64xbf16, #tpu.memory_space<hbm>>
      %dma_start3A_85 = arith.constant 0 : i32
      %dma_start3A_86 = tpu.memref_slice %arg11[%mul3A_2, %dma_start3A_85] : memref<10240x64xbf16, #tpu.memory_space<vmem_shared>> -> memref<640x64xbf16, #tpu.memory_space<vmem_shared>>
      tpu.enqueue_dma source(%dma_start3A_86 : memref<640x64xbf16, #tpu.memory_space<vmem_shared>>) target(%dma_start3A_84 : memref<640x64xbf16, #tpu.memory_space<hbm>>) target_semaphore(%run_scoped3A_81 : memref<!tpu.dma_semaphore, #tpu.memory_space<semaphore_mem>>)
      %dma_wait3A_87 = arith.constant 0 : i32
      %dma_wait3A_88 = tpu.memref_slice %arg5[%arg0, %mul3A_2, %dma_wait3A_87] : memref<2x10240x64xbf16, #tpu.memory_space<hbm>> -> memref<1x640x64xbf16, #tpu.memory_space<hbm>>
      %dma_wait3A_89 = tpu.memref_squeeze %dma_wait3A_88 : memref<1x640x64xbf16, #tpu.memory_space<hbm>> -> memref<640x64xbf16, #tpu.memory_space<hbm>>
      %dma_wait3A_90 = arith.constant 0 : i32
      %dma_wait3A_91 = tpu.memref_slice %arg11[%mul3A_2, %dma_wait3A_90] : memref<10240x64xbf16, #tpu.memory_space<vmem_shared>> -> memref<640x64xbf16, #tpu.memory_space<vmem_shared>>
      tpu.wait_dma2 semaphore(%run_scoped3A_81 : memref<!tpu.dma_semaphore, #tpu.memory_space<semaphore_mem>>) src(%dma_wait3A_91 : memref<640x64xbf16, #tpu.memory_space<vmem_shared>>) dst(%dma_wait3A_89 : memref<640x64xbf16, #tpu.memory_space<hbm>>)
      tpu.yield
    }) : () -> ()
    return
  }
}

#map = affine_map<(d0, d1) -> (0, 0)>
#map1 = affine_map<(d0, d1) -> (0, 0, 0)>
module attributes {stable_mosaic.version = 14 : i64} {
  func.func @_layer_body(%arg0: i32, %arg1: i32, %arg2: memref<10240x64xbf16, #tpu.memory_space<hbm>>, %arg3: memref<32x10x1024xi32, #tpu.memory_space<hbm>>, %arg4: memref<32x10x1024xi32, #tpu.memory_space<hbm>>, %arg5: memref<2x10240x64xbf16, #tpu.memory_space<hbm>>, %arg6: memref<10x1024xi32, #tpu.memory_space<vmem>>, %arg7: memref<10x1024xi32, #tpu.memory_space<vmem>>, %arg8: memref<1024x64xbf16, #tpu.memory_space<vmem>>, %arg9: memref<1024x64xbf16, #tpu.memory_space<vmem>>, %arg10: memref<10240x64xbf16, #tpu.memory_space<vmem_shared>>, %arg11: memref<10240x64xbf16, #tpu.memory_space<vmem_shared>>, %arg12: memref<!tpu.dma_semaphore, #tpu.memory_space<semaphore_mem>>, %arg13: memref<!tpu.dma_semaphore, #tpu.memory_space<semaphore_mem>>) attributes {dimension_semantics = [#tpu.dimension_semantics<core_parallel>, #tpu.dimension_semantics<subcore_parallel>], iteration_bounds = array<i64: 2, 16>, scalar_prefetch = 0 : i64, scratch_operands = 8 : i64, tpu.core_type = #tpu.core_type<sc_vector_subcore>, window_params = [{transform_indices = #map}, {transform_indices = #map1}, {transform_indices = #map1}, {transform_indices = #map1}]} {
    %mul3A = arith.constant 16 : i32
    %mul3A_0 = arith.muli %arg0, %mul3A : i32
    %add3A = arith.addi %mul3A_0, %arg1 : i32
    %mul3A_1 = arith.constant 640 : i32
    %mul3A_2 = arith.muli %arg1, %mul3A_1 : i32
    %dma_start3A = arith.constant 0 : i32
    %dma_start3A_3 = tpu.memref_slice %arg10[%mul3A_2, %dma_start3A] : memref<10240x64xbf16, #tpu.memory_space<vmem_shared>> -> memref<640x64xbf16, #tpu.memory_space<vmem_shared>>
    %dma_start3A_4 = arith.constant 0 : i32
    %dma_start3A_5 = tpu.memref_slice %arg2[%mul3A_2, %dma_start3A_4] : memref<10240x64xbf16, #tpu.memory_space<hbm>> -> memref<640x64xbf16, #tpu.memory_space<hbm>>
    tpu.enqueue_dma source(%dma_start3A_5 : memref<640x64xbf16, #tpu.memory_space<hbm>>) target(%dma_start3A_3 : memref<640x64xbf16, #tpu.memory_space<vmem_shared>>) target_semaphore(%arg12 : memref<!tpu.dma_semaphore, #tpu.memory_space<semaphore_mem>>)
    %dma_start3A_6 = arith.constant 0 : i32
    %dma_start3A_7 = arith.constant 0 : i32
    %dma_start3A_8 = tpu.memref_slice %arg3[%add3A, %dma_start3A_6, %dma_start3A_7] : memref<32x10x1024xi32, #tpu.memory_space<hbm>> -> memref<1x10x1024xi32, #tpu.memory_space<hbm>>
    %dma_start3A_9 = tpu.memref_squeeze %dma_start3A_8 : memref<1x10x1024xi32, #tpu.memory_space<hbm>> -> memref<10x1024xi32, #tpu.memory_space<hbm>>
    %dma_start3A_10 = arith.constant 0 : i32
    %dma_start3A_11 = arith.constant 0 : i32
    %dma_start3A_12 = tpu.memref_slice %arg3[%add3A, %dma_start3A_10, %dma_start3A_11] : memref<32x10x1024xi32, #tpu.memory_space<hbm>> -> memref<1x10x1024xi32, #tpu.memory_space<hbm>>
    %dma_start3A_13 = tpu.memref_squeeze %dma_start3A_12 : memref<1x10x1024xi32, #tpu.memory_space<hbm>> -> memref<10x1024xi32, #tpu.memory_space<hbm>>
    tpu.enqueue_dma source(%dma_start3A_13 : memref<10x1024xi32, #tpu.memory_space<hbm>>) target(%arg6 : memref<10x1024xi32, #tpu.memory_space<vmem>>) target_semaphore(%arg13 : memref<!tpu.dma_semaphore, #tpu.memory_space<semaphore_mem>>)
    %dma_start3A_14 = arith.constant 0 : i32
    %dma_start3A_15 = arith.constant 0 : i32
    %dma_start3A_16 = tpu.memref_slice %arg4[%add3A, %dma_start3A_14, %dma_start3A_15] : memref<32x10x1024xi32, #tpu.memory_space<hbm>> -> memref<1x10x1024xi32, #tpu.memory_space<hbm>>
    %dma_start3A_17 = tpu.memref_squeeze %dma_start3A_16 : memref<1x10x1024xi32, #tpu.memory_space<hbm>> -> memref<10x1024xi32, #tpu.memory_space<hbm>>
    %dma_start3A_18 = arith.constant 0 : i32
    %dma_start3A_19 = arith.constant 0 : i32
    %dma_start3A_20 = tpu.memref_slice %arg4[%add3A, %dma_start3A_18, %dma_start3A_19] : memref<32x10x1024xi32, #tpu.memory_space<hbm>> -> memref<1x10x1024xi32, #tpu.memory_space<hbm>>
    %dma_start3A_21 = tpu.memref_squeeze %dma_start3A_20 : memref<1x10x1024xi32, #tpu.memory_space<hbm>> -> memref<10x1024xi32, #tpu.memory_space<hbm>>
    tpu.enqueue_dma source(%dma_start3A_21 : memref<10x1024xi32, #tpu.memory_space<hbm>>) target(%arg7 : memref<10x1024xi32, #tpu.memory_space<vmem>>) target_semaphore(%arg13 : memref<!tpu.dma_semaphore, #tpu.memory_space<semaphore_mem>>)
    %broadcast_in_dim3A = arith.constant 0.000000e+00 : bf16
    %broadcast_in_dim3A_22 = vector.broadcast %broadcast_in_dim3A : bf16 to vector<32xbf16>
    %scan3A = arith.constant 0 : i32
    %scan3A_23 = arith.constant 640 : i32
    %scan3A_24 = arith.addi %scan3A, %scan3A_23 : i32
    %scan3A_25 = arith.constant 1 : i32
    scf.for %scan3A_81 = %scan3A to %scan3A_24 step %scan3A_25  : i32 {
      %mul3A_82 = arith.constant 1 : i32
      %mul3A_83 = arith.muli %scan3A_81, %mul3A_82 : i32
      %add3A_84 = arith.constant 0 : i32
      %add3A_85 = arith.addi %add3A_84, %mul3A_83 : i32
      %swap3A = arith.index_cast %add3A_85 : i32 to index
      %swap3A_86 = arith.constant 0 : index
      %swap3A_87 = tpu.vector_load %arg8[%swap3A, %swap3A_86] {strides = array<i32>} : memref<1024x64xbf16, #tpu.memory_space<vmem>>, vector<1x32xbf16>,
      %swap3A_88 = vector.shape_cast %swap3A_87 : vector<1x32xbf16> to vector<32xbf16>
      %swap3A_89 = vector.shape_cast %broadcast_in_dim3A_22 : vector<32xbf16> to vector<1x32xbf16>
      tpu.vector_store %arg8[%swap3A, %swap3A_86], %swap3A_89 {strides = array<i32>} : memref<1024x64xbf16, #tpu.memory_space<vmem>>, vector<1x32xbf16>,
      %swap3A_90 = arith.index_cast %add3A_85 : i32 to index
      %swap3A_91 = arith.constant 32 : index
      %swap3A_92 = tpu.vector_load %arg8[%swap3A_90, %swap3A_91] {strides = array<i32>} : memref<1024x64xbf16, #tpu.memory_space<vmem>>, vector<1x32xbf16>,
      %swap3A_93 = vector.shape_cast %swap3A_92 : vector<1x32xbf16> to vector<32xbf16>
      %swap3A_94 = vector.shape_cast %broadcast_in_dim3A_22 : vector<32xbf16> to vector<1x32xbf16>
      tpu.vector_store %arg8[%swap3A_90, %swap3A_91], %swap3A_94 {strides = array<i32>} : memref<1024x64xbf16, #tpu.memory_space<vmem>>, vector<1x32xbf16>,
    }
    %scan3A_26 = arith.constant 640 : i32
    "tpu.region"() ({
      %run_scoped3A_81 = tpu.sem_alloc : memref<!tpu.dma_semaphore, #tpu.memory_space<semaphore_mem>>
      %dma_start3A_82 = arith.constant 0 : i32
      %dma_start3A_83 = arith.constant 0 : i32
      %dma_start3A_84 = tpu.memref_slice %arg8[%dma_start3A_82, %dma_start3A_83] : memref<1024x64xbf16, #tpu.memory_space<vmem>> -> memref<640x64xbf16, #tpu.memory_space<vmem>>
      %dma_start3A_85 = arith.constant 0 : i32
      %dma_start3A_86 = tpu.memref_slice %arg11[%mul3A_2, %dma_start3A_85] : memref<10240x64xbf16, #tpu.memory_space<vmem_shared>> -> memref<640x64xbf16, #tpu.memory_space<vmem_shared>>
      %dma_start3A_87 = arith.constant 0 : i32
      %dma_start3A_88 = tpu.memref_slice %arg11[%mul3A_2, %dma_start3A_87] : memref<10240x64xbf16, #tpu.memory_space<vmem_shared>> -> memref<640x64xbf16, #tpu.memory_space<vmem_shared>>
      %dma_start3A_89 = arith.constant 0 : i32
      %dma_start3A_90 = arith.constant 0 : i32
      %dma_start3A_91 = tpu.memref_slice %arg8[%dma_start3A_89, %dma_start3A_90] : memref<1024x64xbf16, #tpu.memory_space<vmem>> -> memref<640x64xbf16, #tpu.memory_space<vmem>>
      tpu.enqueue_dma source(%dma_start3A_91 : memref<640x64xbf16, #tpu.memory_space<vmem>>) target(%dma_start3A_88 : memref<640x64xbf16, #tpu.memory_space<vmem_shared>>) target_semaphore(%run_scoped3A_81 : memref<!tpu.dma_semaphore, #tpu.memory_space<semaphore_mem>>)
      %dma_wait3A_92 = arith.constant 0 : i32
      %dma_wait3A_93 = arith.constant 0 : i32
      %dma_wait3A_94 = tpu.memref_slice %arg8[%dma_wait3A_92, %dma_wait3A_93] : memref<1024x64xbf16, #tpu.memory_space<vmem>> -> memref<640x64xbf16, #tpu.memory_space<vmem>>
      %dma_wait3A_95 = arith.constant 0 : i32
      %dma_wait3A_96 = tpu.memref_slice %arg11[%mul3A_2, %dma_wait3A_95] : memref<10240x64xbf16, #tpu.memory_space<vmem_shared>> -> memref<640x64xbf16, #tpu.memory_space<vmem_shared>>
      %dma_wait3A_97 = arith.constant 0 : i32
      %dma_wait3A_98 = tpu.memref_slice %arg11[%mul3A_2, %dma_wait3A_97] : memref<10240x64xbf16, #tpu.memory_space<vmem_shared>> -> memref<640x64xbf16, #tpu.memory_space<vmem_shared>>
      %dma_wait3A_99 = arith.constant 0 : i32
      %dma_wait3A_100 = arith.constant 0 : i32
      %dma_wait3A_101 = tpu.memref_slice %arg8[%dma_wait3A_99, %dma_wait3A_100] : memref<1024x64xbf16, #tpu.memory_space<vmem>> -> memref<640x64xbf16, #tpu.memory_space<vmem>>
      tpu.wait_dma2 semaphore(%run_scoped3A_81 : memref<!tpu.dma_semaphore, #tpu.memory_space<semaphore_mem>>) src(%dma_wait3A_101 : memref<640x64xbf16, #tpu.memory_space<vmem>>) dst(%dma_wait3A_98 : memref<640x64xbf16, #tpu.memory_space<vmem_shared>>)
      tpu.yield
    }) : () -> ()
    %dma_wait3A = arith.constant 0 : i32
    %dma_wait3A_27 = arith.constant 0 : i32
    %dma_wait3A_28 = tpu.memref_slice %arg3[%add3A, %dma_wait3A, %dma_wait3A_27] : memref<32x10x1024xi32, #tpu.memory_space<hbm>> -> memref<1x10x1024xi32, #tpu.memory_space<hbm>>
    %dma_wait3A_29 = tpu.memref_squeeze %dma_wait3A_28 : memref<1x10x1024xi32, #tpu.memory_space<hbm>> -> memref<10x1024xi32, #tpu.memory_space<hbm>>
    %dma_wait3A_30 = arith.constant 0 : i32
    %dma_wait3A_31 = arith.constant 0 : i32
    %dma_wait3A_32 = tpu.memref_slice %arg3[%add3A, %dma_wait3A_30, %dma_wait3A_31] : memref<32x10x1024xi32, #tpu.memory_space<hbm>> -> memref<1x10x1024xi32, #tpu.memory_space<hbm>>
    %dma_wait3A_33 = tpu.memref_squeeze %dma_wait3A_32 : memref<1x10x1024xi32, #tpu.memory_space<hbm>> -> memref<10x1024xi32, #tpu.memory_space<hbm>>
    tpu.wait_dma2 semaphore(%arg13 : memref<!tpu.dma_semaphore, #tpu.memory_space<semaphore_mem>>) src(%dma_wait3A_33 : memref<10x1024xi32, #tpu.memory_space<hbm>>) dst(%arg6 : memref<10x1024xi32, #tpu.memory_space<vmem>>)
    %dma_wait3A_34 = arith.constant 0 : i32
    %dma_wait3A_35 = arith.constant 0 : i32
    %dma_wait3A_36 = tpu.memref_slice %arg4[%add3A, %dma_wait3A_34, %dma_wait3A_35] : memref<32x10x1024xi32, #tpu.memory_space<hbm>> -> memref<1x10x1024xi32, #tpu.memory_space<hbm>>
    %dma_wait3A_37 = tpu.memref_squeeze %dma_wait3A_36 : memref<1x10x1024xi32, #tpu.memory_space<hbm>> -> memref<10x1024xi32, #tpu.memory_space<hbm>>
    %dma_wait3A_38 = arith.constant 0 : i32
    %dma_wait3A_39 = arith.constant 0 : i32
    %dma_wait3A_40 = tpu.memref_slice %arg4[%add3A, %dma_wait3A_38, %dma_wait3A_39] : memref<32x10x1024xi32, #tpu.memory_space<hbm>> -> memref<1x10x1024xi32, #tpu.memory_space<hbm>>
    %dma_wait3A_41 = tpu.memref_squeeze %dma_wait3A_40 : memref<1x10x1024xi32, #tpu.memory_space<hbm>> -> memref<10x1024xi32, #tpu.memory_space<hbm>>
    tpu.wait_dma2 semaphore(%arg13 : memref<!tpu.dma_semaphore, #tpu.memory_space<semaphore_mem>>) src(%dma_wait3A_41 : memref<10x1024xi32, #tpu.memory_space<hbm>>) dst(%arg7 : memref<10x1024xi32, #tpu.memory_space<vmem>>)
    %dma_wait3A_42 = arith.constant 0 : i32
    %dma_wait3A_43 = tpu.memref_slice %arg10[%mul3A_2, %dma_wait3A_42] : memref<10240x64xbf16, #tpu.memory_space<vmem_shared>> -> memref<640x64xbf16, #tpu.memory_space<vmem_shared>>
    %dma_wait3A_44 = arith.constant 0 : i32
    %dma_wait3A_45 = tpu.memref_slice %arg2[%mul3A_2, %dma_wait3A_44] : memref<10240x64xbf16, #tpu.memory_space<hbm>> -> memref<640x64xbf16, #tpu.memory_space<hbm>>
    tpu.wait_dma2 semaphore(%arg12 : memref<!tpu.dma_semaphore, #tpu.memory_space<semaphore_mem>>) src(%dma_wait3A_45 : memref<640x64xbf16, #tpu.memory_space<hbm>>) dst(%dma_wait3A_43 : memref<640x64xbf16, #tpu.memory_space<vmem_shared>>)
    %barrier3A = arith.constant 0 : index
    tpu.barrier barrier_id(%barrier3A)
    %dma_start3A_46 = arith.constant 0 : i32
    %dma_start3A_47 = arith.constant 0 : i32
    %dma_start3A_48 = tpu.memref_slice %arg6[%dma_start3A_46, %dma_start3A_47] : memref<10x1024xi32, #tpu.memory_space<vmem>> -> memref<1x1024xi32, #tpu.memory_space<vmem>>
    %dma_start3A_49 = tpu.memref_squeeze %dma_start3A_48 : memref<1x1024xi32, #tpu.memory_space<vmem>> -> memref<1024xi32, #tpu.memory_space<vmem>>
    %dma_start3A_50 = arith.constant 0 : i32
    %dma_start3A_51 = arith.constant 0 : i32
    %dma_start3A_52 = tpu.memref_slice %arg10[%dma_start3A_50, %dma_start3A_51] : memref<10240x64xbf16, #tpu.memory_space<vmem_shared>> -> memref<10240x64xbf16, #tpu.memory_space<vmem_shared>>
    tpu.enqueue_indirect_dma source(%dma_start3A_52 : memref<10240x64xbf16, #tpu.memory_space<vmem_shared>>) target(%arg8 : memref<1024x64xbf16, #tpu.memory_space<vmem>>) offsets(%dma_start3A_49 : memref<1024xi32, #tpu.memory_space<vmem>>) semaphore(%arg12 : memref<!tpu.dma_semaphore, #tpu.memory_space<semaphore_mem>>)
    %dma_start3A_53 = arith.constant 1 : i32
    %dma_start3A_54 = arith.constant 0 : i32
    %dma_start3A_55 = tpu.memref_slice %arg6[%dma_start3A_53, %dma_start3A_54] : memref<10x1024xi32, #tpu.memory_space<vmem>> -> memref<1x1024xi32, #tpu.memory_space<vmem>>
    %dma_start3A_56 = tpu.memref_squeeze %dma_start3A_55 : memref<1x1024xi32, #tpu.memory_space<vmem>> -> memref<1024xi32, #tpu.memory_space<vmem>>
    %dma_start3A_57 = arith.constant 0 : i32
    %dma_start3A_58 = arith.constant 0 : i32
    %dma_start3A_59 = tpu.memref_slice %arg10[%dma_start3A_57, %dma_start3A_58] : memref<10240x64xbf16, #tpu.memory_space<vmem_shared>> -> memref<10240x64xbf16, #tpu.memory_space<vmem_shared>>
    tpu.enqueue_indirect_dma source(%dma_start3A_59 : memref<10240x64xbf16, #tpu.memory_space<vmem_shared>>) target(%arg9 : memref<1024x64xbf16, #tpu.memory_space<vmem>>) offsets(%dma_start3A_56 : memref<1024xi32, #tpu.memory_space<vmem>>) semaphore(%arg13 : memref<!tpu.dma_semaphore, #tpu.memory_space<semaphore_mem>>)
    %scan3A_60 = arith.constant 0 : i32
    %scan3A_61 = arith.constant 4 : i32
    %scan3A_62 = arith.addi %scan3A_60, %scan3A_61 : i32
    %scan3A_63 = arith.constant 1 : i32
    scf.for %scan3A_81 = %scan3A_60 to %scan3A_62 step %scan3A_63  : i32 {
      %mul3A_82 = arith.constant 1 : i32
      %mul3A_83 = arith.muli %scan3A_81, %mul3A_82 : i32
      %add3A_84 = arith.constant 0 : i32
      %add3A_85 = arith.addi %add3A_84, %mul3A_83 : i32
      %mul3A_86 = arith.constant 2 : i32
      %mul3A_87 = arith.muli %mul3A_86, %add3A_85 : i32
      %dma_wait3A_88 = arith.constant 0 : i32
      %dma_wait3A_89 = arith.constant 0 : i32
      %dma_wait3A_90 = tpu.memref_slice %arg6[%dma_wait3A_88, %dma_wait3A_89] : memref<10x1024xi32, #tpu.memory_space<vmem>> -> memref<1x1024xi32, #tpu.memory_space<vmem>>
      %dma_wait3A_91 = tpu.memref_squeeze %dma_wait3A_90 : memref<1x1024xi32, #tpu.memory_space<vmem>> -> memref<1024xi32, #tpu.memory_space<vmem>>
      %dma_wait3A_92 = arith.constant 0 : i32
      %dma_wait3A_93 = arith.constant 0 : i32
      %dma_wait3A_94 = tpu.memref_slice %arg10[%dma_wait3A_92, %dma_wait3A_93] : memref<10240x64xbf16, #tpu.memory_space<vmem_shared>> -> memref<10240x64xbf16, #tpu.memory_space<vmem_shared>>
      tpu.wait_indirect_dma semaphore(%arg12 : memref<!tpu.dma_semaphore, #tpu.memory_space<semaphore_mem>>) src(%dma_wait3A_94 : memref<10240x64xbf16, #tpu.memory_space<vmem_shared>>) dst(%arg8 : memref<1024x64xbf16, #tpu.memory_space<vmem>>)
      "tpu.region"() ({
        %run_scoped3A_120 = tpu.sem_alloc : memref<!tpu.dma_semaphore, #tpu.memory_space<semaphore_mem>>
        %dma_start3A_121 = arith.constant 0 : i32
        %dma_start3A_122 = tpu.memref_slice %arg7[%mul3A_87, %dma_start3A_121] : memref<10x1024xi32, #tpu.memory_space<vmem>> -> memref<1x1024xi32, #tpu.memory_space<vmem>>
        %dma_start3A_123 = tpu.memref_squeeze %dma_start3A_122 : memref<1x1024xi32, #tpu.memory_space<vmem>> -> memref<1024xi32, #tpu.memory_space<vmem>>
        %dma_start3A_124 = arith.constant 0 : i32
        %dma_start3A_125 = arith.constant 0 : i32
        %dma_start3A_126 = tpu.memref_slice %arg11[%dma_start3A_124, %dma_start3A_125] : memref<10240x64xbf16, #tpu.memory_space<vmem_shared>> -> memref<10240x64xbf16, #tpu.memory_space<vmem_shared>>
        tpu.enqueue_indirect_dma source(%arg8 : memref<1024x64xbf16, #tpu.memory_space<vmem>>) target(%dma_start3A_126 : memref<10240x64xbf16, #tpu.memory_space<vmem_shared>>) offsets(%dma_start3A_123 : memref<1024xi32, #tpu.memory_space<vmem>>) semaphore(%run_scoped3A_120 : memref<!tpu.dma_semaphore, #tpu.memory_space<semaphore_mem>>) {add = true}
        %dma_wait3A_127 = arith.constant 0 : i32
        %dma_wait3A_128 = tpu.memref_slice %arg7[%mul3A_87, %dma_wait3A_127] : memref<10x1024xi32, #tpu.memory_space<vmem>> -> memref<1x1024xi32, #tpu.memory_space<vmem>>
        %dma_wait3A_129 = tpu.memref_squeeze %dma_wait3A_128 : memref<1x1024xi32, #tpu.memory_space<vmem>> -> memref<1024xi32, #tpu.memory_space<vmem>>
        %dma_wait3A_130 = arith.constant 0 : i32
        %dma_wait3A_131 = arith.constant 0 : i32
        %dma_wait3A_132 = tpu.memref_slice %arg11[%dma_wait3A_130, %dma_wait3A_131] : memref<10240x64xbf16, #tpu.memory_space<vmem_shared>> -> memref<10240x64xbf16, #tpu.memory_space<vmem_shared>>
        tpu.wait_indirect_dma semaphore(%run_scoped3A_120 : memref<!tpu.dma_semaphore, #tpu.memory_space<semaphore_mem>>) src(%arg8 : memref<1024x64xbf16, #tpu.memory_space<vmem>>) dst(%dma_wait3A_132 : memref<10240x64xbf16, #tpu.memory_space<vmem_shared>>)
        tpu.yield
      }) : () -> ()
      %add3A_95 = arith.constant 2 : i32
      %add3A_96 = arith.addi %mul3A_87, %add3A_95 : i32
      %dma_start3A_97 = arith.constant 0 : i32
      %dma_start3A_98 = tpu.memref_slice %arg6[%add3A_96, %dma_start3A_97] : memref<10x1024xi32, #tpu.memory_space<vmem>> -> memref<1x1024xi32, #tpu.memory_space<vmem>>
      %dma_start3A_99 = tpu.memref_squeeze %dma_start3A_98 : memref<1x1024xi32, #tpu.memory_space<vmem>> -> memref<1024xi32, #tpu.memory_space<vmem>>
      %dma_start3A_100 = arith.constant 0 : i32
      %dma_start3A_101 = arith.constant 0 : i32
      %dma_start3A_102 = tpu.memref_slice %arg10[%dma_start3A_100, %dma_start3A_101] : memref<10240x64xbf16, #tpu.memory_space<vmem_shared>> -> memref<10240x64xbf16, #tpu.memory_space<vmem_shared>>
      tpu.enqueue_indirect_dma source(%dma_start3A_102 : memref<10240x64xbf16, #tpu.memory_space<vmem_shared>>) target(%arg8 : memref<1024x64xbf16, #tpu.memory_space<vmem>>) offsets(%dma_start3A_99 : memref<1024xi32, #tpu.memory_space<vmem>>) semaphore(%arg12 : memref<!tpu.dma_semaphore, #tpu.memory_space<semaphore_mem>>)
      %dma_wait3A_103 = arith.constant 1 : i32
      %dma_wait3A_104 = arith.constant 0 : i32
      %dma_wait3A_105 = tpu.memref_slice %arg6[%dma_wait3A_103, %dma_wait3A_104] : memref<10x1024xi32, #tpu.memory_space<vmem>> -> memref<1x1024xi32, #tpu.memory_space<vmem>>
      %dma_wait3A_106 = tpu.memref_squeeze %dma_wait3A_105 : memref<1x1024xi32, #tpu.memory_space<vmem>> -> memref<1024xi32, #tpu.memory_space<vmem>>
      %dma_wait3A_107 = arith.constant 0 : i32
      %dma_wait3A_108 = arith.constant 0 : i32
      %dma_wait3A_109 = tpu.memref_slice %arg10[%dma_wait3A_107, %dma_wait3A_108] : memref<10240x64xbf16, #tpu.memory_space<vmem_shared>> -> memref<10240x64xbf16, #tpu.memory_space<vmem_shared>>
      tpu.wait_indirect_dma semaphore(%arg13 : memref<!tpu.dma_semaphore, #tpu.memory_space<semaphore_mem>>) src(%dma_wait3A_109 : memref<10240x64xbf16, #tpu.memory_space<vmem_shared>>) dst(%arg9 : memref<1024x64xbf16, #tpu.memory_space<vmem>>)
      %add3A_110 = arith.constant 1 : i32
      %add3A_111 = arith.addi %mul3A_87, %add3A_110 : i32
      "tpu.region"() ({
        %run_scoped3A_120 = tpu.sem_alloc : memref<!tpu.dma_semaphore, #tpu.memory_space<semaphore_mem>>
        %dma_start3A_121 = arith.constant 0 : i32
        %dma_start3A_122 = tpu.memref_slice %arg7[%add3A_111, %dma_start3A_121] : memref<10x1024xi32, #tpu.memory_space<vmem>> -> memref<1x1024xi32, #tpu.memory_space<vmem>>
        %dma_start3A_123 = tpu.memref_squeeze %dma_start3A_122 : memref<1x1024xi32, #tpu.memory_space<vmem>> -> memref<1024xi32, #tpu.memory_space<vmem>>
        %dma_start3A_124 = arith.constant 0 : i32
        %dma_start3A_125 = arith.constant 0 : i32
        %dma_start3A_126 = tpu.memref_slice %arg11[%dma_start3A_124, %dma_start3A_125] : memref<10240x64xbf16, #tpu.memory_space<vmem_shared>> -> memref<10240x64xbf16, #tpu.memory_space<vmem_shared>>
        tpu.enqueue_indirect_dma source(%arg9 : memref<1024x64xbf16, #tpu.memory_space<vmem>>) target(%dma_start3A_126 : memref<10240x64xbf16, #tpu.memory_space<vmem_shared>>) offsets(%dma_start3A_123 : memref<1024xi32, #tpu.memory_space<vmem>>) semaphore(%run_scoped3A_120 : memref<!tpu.dma_semaphore, #tpu.memory_space<semaphore_mem>>) {add = true}
        %dma_wait3A_127 = arith.constant 0 : i32
        %dma_wait3A_128 = tpu.memref_slice %arg7[%add3A_111, %dma_wait3A_127] : memref<10x1024xi32, #tpu.memory_space<vmem>> -> memref<1x1024xi32, #tpu.memory_space<vmem>>
        %dma_wait3A_129 = tpu.memref_squeeze %dma_wait3A_128 : memref<1x1024xi32, #tpu.memory_space<vmem>> -> memref<1024xi32, #tpu.memory_space<vmem>>
        %dma_wait3A_130 = arith.constant 0 : i32
        %dma_wait3A_131 = arith.constant 0 : i32
        %dma_wait3A_132 = tpu.memref_slice %arg11[%dma_wait3A_130, %dma_wait3A_131] : memref<10240x64xbf16, #tpu.memory_space<vmem_shared>> -> memref<10240x64xbf16, #tpu.memory_space<vmem_shared>>
        tpu.wait_indirect_dma semaphore(%run_scoped3A_120 : memref<!tpu.dma_semaphore, #tpu.memory_space<semaphore_mem>>) src(%arg9 : memref<1024x64xbf16, #tpu.memory_space<vmem>>) dst(%dma_wait3A_132 : memref<10240x64xbf16, #tpu.memory_space<vmem_shared>>)
        tpu.yield
      }) : () -> ()
      %add3A_112 = arith.constant 3 : i32
      %add3A_113 = arith.addi %mul3A_87, %add3A_112 : i32
      %dma_start3A_114 = arith.constant 0 : i32
      %dma_start3A_115 = tpu.memref_slice %arg6[%add3A_113, %dma_start3A_114] : memref<10x1024xi32, #tpu.memory_space<vmem>> -> memref<1x1024xi32, #tpu.memory_space<vmem>>
      %dma_start3A_116 = tpu.memref_squeeze %dma_start3A_115 : memref<1x1024xi32, #tpu.memory_space<vmem>> -> memref<1024xi32, #tpu.memory_space<vmem>>
      %dma_start3A_117 = arith.constant 0 : i32
      %dma_start3A_118 = arith.constant 0 : i32
      %dma_start3A_119 = tpu.memref_slice %arg10[%dma_start3A_117, %dma_start3A_118] : memref<10240x64xbf16, #tpu.memory_space<vmem_shared>> -> memref<10240x64xbf16, #tpu.memory_space<vmem_shared>>
      tpu.enqueue_indirect_dma source(%dma_start3A_119 : memref<10240x64xbf16, #tpu.memory_space<vmem_shared>>) target(%arg9 : memref<1024x64xbf16, #tpu.memory_space<vmem>>) offsets(%dma_start3A_116 : memref<1024xi32, #tpu.memory_space<vmem>>) semaphore(%arg13 : memref<!tpu.dma_semaphore, #tpu.memory_space<semaphore_mem>>)
    }
    %scan3A_64 = arith.constant 4 : i32
    %dma_wait3A_65 = arith.constant 0 : i32
    %dma_wait3A_66 = arith.constant 0 : i32
    %dma_wait3A_67 = tpu.memref_slice %arg6[%dma_wait3A_65, %dma_wait3A_66] : memref<10x1024xi32, #tpu.memory_space<vmem>> -> memref<1x1024xi32, #tpu.memory_space<vmem>>
    %dma_wait3A_68 = tpu.memref_squeeze %dma_wait3A_67 : memref<1x1024xi32, #tpu.memory_space<vmem>> -> memref<1024xi32, #tpu.memory_space<vmem>>
    %dma_wait3A_69 = arith.constant 0 : i32
    %dma_wait3A_70 = arith.constant 0 : i32
    %dma_wait3A_71 = tpu.memref_slice %arg10[%dma_wait3A_69, %dma_wait3A_70] : memref<10240x64xbf16, #tpu.memory_space<vmem_shared>> -> memref<10240x64xbf16, #tpu.memory_space<vmem_shared>>
    tpu.wait_indirect_dma semaphore(%arg12 : memref<!tpu.dma_semaphore, #tpu.memory_space<semaphore_mem>>) src(%dma_wait3A_71 : memref<10240x64xbf16, #tpu.memory_space<vmem_shared>>) dst(%arg8 : memref<1024x64xbf16, #tpu.memory_space<vmem>>)
    %run_scoped3A = arith.constant 8 : i32
    "tpu.region"() ({
      %run_scoped3A_81 = tpu.sem_alloc : memref<!tpu.dma_semaphore, #tpu.memory_space<semaphore_mem>>
      %dma_start3A_82 = arith.constant 0 : i32
      %dma_start3A_83 = tpu.memref_slice %arg7[%run_scoped3A, %dma_start3A_82] : memref<10x1024xi32, #tpu.memory_space<vmem>> -> memref<1x1024xi32, #tpu.memory_space<vmem>>
      %dma_start3A_84 = tpu.memref_squeeze %dma_start3A_83 : memref<1x1024xi32, #tpu.memory_space<vmem>> -> memref<1024xi32, #tpu.memory_space<vmem>>
      %dma_start3A_85 = arith.constant 0 : i32
      %dma_start3A_86 = arith.constant 0 : i32
      %dma_start3A_87 = tpu.memref_slice %arg11[%dma_start3A_85, %dma_start3A_86] : memref<10240x64xbf16, #tpu.memory_space<vmem_shared>> -> memref<10240x64xbf16, #tpu.memory_space<vmem_shared>>
      tpu.enqueue_indirect_dma source(%arg8 : memref<1024x64xbf16, #tpu.memory_space<vmem>>) target(%dma_start3A_87 : memref<10240x64xbf16, #tpu.memory_space<vmem_shared>>) offsets(%dma_start3A_84 : memref<1024xi32, #tpu.memory_space<vmem>>) semaphore(%run_scoped3A_81 : memref<!tpu.dma_semaphore, #tpu.memory_space<semaphore_mem>>) {add = true}
      %dma_wait3A_88 = arith.constant 0 : i32
      %dma_wait3A_89 = tpu.memref_slice %arg7[%run_scoped3A, %dma_wait3A_88] : memref<10x1024xi32, #tpu.memory_space<vmem>> -> memref<1x1024xi32, #tpu.memory_space<vmem>>
      %dma_wait3A_90 = tpu.memref_squeeze %dma_wait3A_89 : memref<1x1024xi32, #tpu.memory_space<vmem>> -> memref<1024xi32, #tpu.memory_space<vmem>>
      %dma_wait3A_91 = arith.constant 0 : i32
      %dma_wait3A_92 = arith.constant 0 : i32
      %dma_wait3A_93 = tpu.memref_slice %arg11[%dma_wait3A_91, %dma_wait3A_92] : memref<10240x64xbf16, #tpu.memory_space<vmem_shared>> -> memref<10240x64xbf16, #tpu.memory_space<vmem_shared>>
      tpu.wait_indirect_dma semaphore(%run_scoped3A_81 : memref<!tpu.dma_semaphore, #tpu.memory_space<semaphore_mem>>) src(%arg8 : memref<1024x64xbf16, #tpu.memory_space<vmem>>) dst(%dma_wait3A_93 : memref<10240x64xbf16, #tpu.memory_space<vmem_shared>>)
      tpu.yield
    }) : () -> ()
    %dma_wait3A_72 = arith.constant 1 : i32
    %dma_wait3A_73 = arith.constant 0 : i32
    %dma_wait3A_74 = tpu.memref_slice %arg6[%dma_wait3A_72, %dma_wait3A_73] : memref<10x1024xi32, #tpu.memory_space<vmem>> -> memref<1x1024xi32, #tpu.memory_space<vmem>>
    %dma_wait3A_75 = tpu.memref_squeeze %dma_wait3A_74 : memref<1x1024xi32, #tpu.memory_space<vmem>> -> memref<1024xi32, #tpu.memory_space<vmem>>
    %dma_wait3A_76 = arith.constant 0 : i32
    %dma_wait3A_77 = arith.constant 0 : i32
    %dma_wait3A_78 = tpu.memref_slice %arg10[%dma_wait3A_76, %dma_wait3A_77] : memref<10240x64xbf16, #tpu.memory_space<vmem_shared>> -> memref<10240x64xbf16, #tpu.memory_space<vmem_shared>>
    tpu.wait_indirect_dma semaphore(%arg13 : memref<!tpu.dma_semaphore, #tpu.memory_space<semaphore_mem>>) src(%dma_wait3A_78 : memref<10240x64xbf16, #tpu.memory_space<vmem_shared>>) dst(%arg9 : memref<1024x64xbf16, #tpu.memory_space<vmem>>)
    %run_scoped3A_79 = arith.constant 9 : i32
    "tpu.region"() ({
      %run_scoped3A_81 = tpu.sem_alloc : memref<!tpu.dma_semaphore, #tpu.memory_space<semaphore_mem>>
      %dma_start3A_82 = arith.constant 0 : i32
      %dma_start3A_83 = tpu.memref_slice %arg7[%run_scoped3A_79, %dma_start3A_82] : memref<10x1024xi32, #tpu.memory_space<vmem>> -> memref<1x1024xi32, #tpu.memory_space<vmem>>
      %dma_start3A_84 = tpu.memref_squeeze %dma_start3A_83 : memref<1x1024xi32, #tpu.memory_space<vmem>> -> memref<1024xi32, #tpu.memory_space<vmem>>
      %dma_start3A_85 = arith.constant 0 : i32
      %dma_start3A_86 = arith.constant 0 : i32
      %dma_start3A_87 = tpu.memref_slice %arg11[%dma_start3A_85, %dma_start3A_86] : memref<10240x64xbf16, #tpu.memory_space<vmem_shared>> -> memref<10240x64xbf16, #tpu.memory_space<vmem_shared>>
      tpu.enqueue_indirect_dma source(%arg9 : memref<1024x64xbf16, #tpu.memory_space<vmem>>) target(%dma_start3A_87 : memref<10240x64xbf16, #tpu.memory_space<vmem_shared>>) offsets(%dma_start3A_84 : memref<1024xi32, #tpu.memory_space<vmem>>) semaphore(%run_scoped3A_81 : memref<!tpu.dma_semaphore, #tpu.memory_space<semaphore_mem>>) {add = true}
      %dma_wait3A_88 = arith.constant 0 : i32
      %dma_wait3A_89 = tpu.memref_slice %arg7[%run_scoped3A_79, %dma_wait3A_88] : memref<10x1024xi32, #tpu.memory_space<vmem>> -> memref<1x1024xi32, #tpu.memory_space<vmem>>
      %dma_wait3A_90 = tpu.memref_squeeze %dma_wait3A_89 : memref<1x1024xi32, #tpu.memory_space<vmem>> -> memref<1024xi32, #tpu.memory_space<vmem>>
      %dma_wait3A_91 = arith.constant 0 : i32
      %dma_wait3A_92 = arith.constant 0 : i32
      %dma_wait3A_93 = tpu.memref_slice %arg11[%dma_wait3A_91, %dma_wait3A_92] : memref<10240x64xbf16, #tpu.memory_space<vmem_shared>> -> memref<10240x64xbf16, #tpu.memory_space<vmem_shared>>
      tpu.wait_indirect_dma semaphore(%run_scoped3A_81 : memref<!tpu.dma_semaphore, #tpu.memory_space<semaphore_mem>>) src(%arg9 : memref<1024x64xbf16, #tpu.memory_space<vmem>>) dst(%dma_wait3A_93 : memref<10240x64xbf16, #tpu.memory_space<vmem_shared>>)
      tpu.yield
    }) : () -> ()
    %barrier3A_80 = arith.constant 0 : index
    tpu.barrier barrier_id(%barrier3A_80)
    "tpu.region"() ({
      %run_scoped3A_81 = tpu.sem_alloc : memref<!tpu.dma_semaphore, #tpu.memory_space<semaphore_mem>>
      %dma_start3A_82 = arith.constant 0 : i32
      %dma_start3A_83 = tpu.memref_slice %arg5[%arg0, %mul3A_2, %dma_start3A_82] : memref<2x10240x64xbf16, #tpu.memory_space<hbm>> -> memref<1x640x64xbf16, #tpu.memory_space<hbm>>
      %dma_start3A_84 = tpu.memref_squeeze %dma_start3A_83 : memref<1x640x64xbf16, #tpu.memory_space<hbm>> -> memref<640x64xbf16, #tpu.memory_space<hbm>>
      %dma_start3A_85 = arith.constant 0 : i32
      %dma_start3A_86 = tpu.memref_slice %arg11[%mul3A_2, %dma_start3A_85] : memref<10240x64xbf16, #tpu.memory_space<vmem_shared>> -> memref<640x64xbf16, #tpu.memory_space<vmem_shared>>
      tpu.enqueue_dma source(%dma_start3A_86 : memref<640x64xbf16, #tpu.memory_space<vmem_shared>>) target(%dma_start3A_84 : memref<640x64xbf16, #tpu.memory_space<hbm>>) target_semaphore(%run_scoped3A_81 : memref<!tpu.dma_semaphore, #tpu.memory_space<semaphore_mem>>)
      %dma_wait3A_87 = arith.constant 0 : i32
      %dma_wait3A_88 = tpu.memref_slice %arg5[%arg0, %mul3A_2, %dma_wait3A_87] : memref<2x10240x64xbf16, #tpu.memory_space<hbm>> -> memref<1x640x64xbf16, #tpu.memory_space<hbm>>
      %dma_wait3A_89 = tpu.memref_squeeze %dma_wait3A_88 : memref<1x640x64xbf16, #tpu.memory_space<hbm>> -> memref<640x64xbf16, #tpu.memory_space<hbm>>
      %dma_wait3A_90 = arith.constant 0 : i32
      %dma_wait3A_91 = tpu.memref_slice %arg11[%mul3A_2, %dma_wait3A_90] : memref<10240x64xbf16, #tpu.memory_space<vmem_shared>> -> memref<640x64xbf16, #tpu.memory_space<vmem_shared>>
      tpu.wait_dma2 semaphore(%run_scoped3A_81 : memref<!tpu.dma_semaphore, #tpu.memory_space<semaphore_mem>>) src(%dma_wait3A_91 : memref<640x64xbf16, #tpu.memory_space<vmem_shared>>) dst(%dma_wait3A_89 : memref<640x64xbf16, #tpu.memory_space<hbm>>)
      tpu.yield
    }) : () -> ()
    return
  }
}

module attributes {stable_mosaic.version = 14 : i64} {
  func.func @_mm_body(%arg0: memref<10240x128xf32, #tpu.memory_space<vmem>>, %arg1: memref<128x64xf32, #tpu.memory_space<vmem>>, %arg2: memref<10240x64xf32, #tpu.memory_space<vmem>>) attributes {dimension_semantics = [], scalar_prefetch = 0 : i64, scratch_operands = 0 : i64, tpu.core_type = #tpu.core_type<tc>} {
    %get3A = arith.constant 0 : index
    %get3A_0 = arith.constant 0 : index
    %get3A_1 = vector.load %arg0[%get3A, %get3A_0] : memref<10240x128xf32, #tpu.memory_space<vmem>>, vector<10240x128xf32>
    %get3A_2 = arith.constant 0 : index
    %get3A_3 = arith.constant 0 : index
    %get3A_4 = vector.load %arg1[%get3A_2, %get3A_3] : memref<128x64xf32, #tpu.memory_space<vmem>>, vector<128x64xf32>
    %dot_general3A = arith.constant dense<0.000000e+00> : vector<10240x64xf32>
    %dot_general3A_5 = tpu.matmul %get3A_1, %get3A_4, %dot_general3A {dimension_numbers = #tpu.dot_dimension_numbers<[1], [0], [0], [1], [0, 0, 1, 1], [], []>, precision = #tpu.contract_precision<fp32>, transpose_lhs_hint = false} : vector<10240x128xf32>, vector<128x64xf32>, vector<10240x64xf32> -> vector<10240x64xf32>
    %swap3A = arith.constant 0 : index
    %swap3A_6 = arith.constant 0 : index
    %swap3A_7 = vector.load %arg2[%swap3A, %swap3A_6] : memref<10240x64xf32, #tpu.memory_space<vmem>>, vector<10240x64xf32>
    tpu.vector_store %arg2[%swap3A, %swap3A_6], %dot_general3A_5 {strides = array<i32>} : memref<10240x64xf32, #tpu.memory_space<vmem>>, vector<10240x64xf32>,
    return
  }
}

module attributes {stable_mosaic.version = 14 : i64} {
  func.func @_prep_body(%arg0: memref<2x2x10240xf32, #tpu.memory_space<vmem>>, %arg1: memref<10240x64xf32, #tpu.memory_space<vmem>>, %arg2: memref<10240x64xbf16, #tpu.memory_space<vmem>>, %arg3: memref<10240x1xf32, #tpu.memory_space<vmem>>, %arg4: memref<10240x1xf32, #tpu.memory_space<vmem>>) attributes {dimension_semantics = [], scalar_prefetch = 0 : i64, scratch_operands = 0 : i64, tpu.core_type = #tpu.core_type<tc>} {
    %get3A = arith.constant 0 : index
    %get3A_0 = arith.constant 0 : index
    %get3A_1 = arith.constant 0 : index
    %get3A_2 = vector.load %arg0[%get3A, %get3A_0, %get3A_1] : memref<2x2x10240xf32, #tpu.memory_space<vmem>>, vector<1x1x10240xf32>
    %get3A_3 = vector.shape_cast %get3A_2 : vector<1x1x10240xf32> to vector<1x10240xf32>
    %get3A_4 = arith.constant 1 : index
    %get3A_5 = arith.constant 0 : index
    %get3A_6 = arith.constant 0 : index
    %get3A_7 = vector.load %arg0[%get3A_4, %get3A_5, %get3A_6] : memref<2x2x10240xf32, #tpu.memory_space<vmem>>, vector<1x1x10240xf32>
    %get3A_8 = vector.shape_cast %get3A_7 : vector<1x1x10240xf32> to vector<1x10240xf32>
    %add3A = arith.addf %get3A_3, %get3A_8 : vector<1x10240xf32>
    %get3A_9 = arith.constant 0 : index
    %get3A_10 = arith.constant 1 : index
    %get3A_11 = arith.constant 0 : index
    %get3A_12 = vector.load %arg0[%get3A_9, %get3A_10, %get3A_11] : memref<2x2x10240xf32, #tpu.memory_space<vmem>>, vector<1x1x10240xf32>
    %get3A_13 = vector.shape_cast %get3A_12 : vector<1x1x10240xf32> to vector<1x10240xf32>
    %get3A_14 = arith.constant 1 : index
    %get3A_15 = arith.constant 1 : index
    %get3A_16 = arith.constant 0 : index
    %get3A_17 = vector.load %arg0[%get3A_14, %get3A_15, %get3A_16] : memref<2x2x10240xf32, #tpu.memory_space<vmem>>, vector<1x1x10240xf32>
    %get3A_18 = vector.shape_cast %get3A_17 : vector<1x1x10240xf32> to vector<1x10240xf32>
    %add3A_19 = arith.addf %get3A_13, %get3A_18 : vector<1x10240xf32>
    %gt3A = arith.constant 0.000000e+00 : f32
    %gt3A_20 = vector.broadcast %gt3A : f32 to vector<1x10240xf32>
    %gt3A_21 = arith.cmpf ogt, %add3A, %gt3A_20 : vector<1x10240xf32>
    %max3A = arith.constant 1.000000e+00 : f32
    %max3A_22 = vector.broadcast %max3A : f32 to vector<1x10240xf32>
    %max3A_23 = arith.maximumf %add3A, %max3A_22 : vector<1x10240xf32>
    %rsqrt3A = math.rsqrt %max3A_23 : vector<1x10240xf32>
    %jit3A = arith.constant 0.000000e+00 : f32
    %broadcast_in_dim3A = vector.broadcast %jit3A : f32 to vector<1x10240xf32>
    %select_n3A = arith.select %gt3A_21, %rsqrt3A, %broadcast_in_dim3A : vector<1x10240xi1>, vector<1x10240xf32>
    %gt3A_24 = arith.constant 0.000000e+00 : f32
    %gt3A_25 = vector.broadcast %gt3A_24 : f32 to vector<1x10240xf32>
    %gt3A_26 = arith.cmpf ogt, %add3A_19, %gt3A_25 : vector<1x10240xf32>
    %max3A_27 = arith.constant 1.000000e+00 : f32
    %max3A_28 = vector.broadcast %max3A_27 : f32 to vector<1x10240xf32>
    %max3A_29 = arith.maximumf %add3A_19, %max3A_28 : vector<1x10240xf32>
    %rsqrt3A_30 = math.rsqrt %max3A_29 : vector<1x10240xf32>
    %jit3A_31 = arith.constant 0.000000e+00 : f32
    %broadcast_in_dim3A_32 = vector.broadcast %jit3A_31 : f32 to vector<1x10240xf32>
    %select_n3A_33 = arith.select %gt3A_26, %rsqrt3A_30, %broadcast_in_dim3A_32 : vector<1x10240xi1>, vector<1x10240xf32>
    %transpose3A = tpu.transpose %select_n3A, [1, 0] : vector<1x10240xf32> -> vector<10240x1xf32>
    %transpose3A_34 = tpu.transpose %select_n3A_33, [1, 0] : vector<1x10240xf32> -> vector<10240x1xf32>
    %swap3A = arith.constant 0 : index
    %swap3A_35 = arith.constant 0 : index
    %swap3A_36 = vector.load %arg3[%swap3A, %swap3A_35] : memref<10240x1xf32, #tpu.memory_space<vmem>>, vector<10240x1xf32>
    tpu.vector_store %arg3[%swap3A, %swap3A_35], %transpose3A {strides = array<i32>} : memref<10240x1xf32, #tpu.memory_space<vmem>>, vector<10240x1xf32>,
    %swap3A_37 = arith.constant 0 : index
    %swap3A_38 = arith.constant 0 : index
    %swap3A_39 = vector.load %arg4[%swap3A_37, %swap3A_38] : memref<10240x1xf32, #tpu.memory_space<vmem>>, vector<10240x1xf32>
    tpu.vector_store %arg4[%swap3A_37, %swap3A_38], %transpose3A_34 {strides = array<i32>} : memref<10240x1xf32, #tpu.memory_space<vmem>>, vector<10240x1xf32>,
    %get3A_40 = arith.constant 0 : index
    %get3A_41 = arith.constant 0 : index
    %get3A_42 = vector.load %arg1[%get3A_40, %get3A_41] : memref<10240x64xf32, #tpu.memory_space<vmem>>, vector<10240x64xf32>
    %mul3A = vector.broadcast %transpose3A : vector<10240x1xf32> to vector<10240x64xf32>
    %mul3A_43 = arith.mulf %get3A_42, %mul3A : vector<10240x64xf32>
    %convert_element_type3A = arith.truncf %mul3A_43 : vector<10240x64xf32> to vector<10240x64xbf16>
    %swap3A_44 = arith.constant 0 : index
    %swap3A_45 = arith.constant 0 : index
    %swap3A_46 = vector.load %arg2[%swap3A_44, %swap3A_45] : memref<10240x64xbf16, #tpu.memory_space<vmem>>, vector<10240x64xbf16>
    tpu.vector_store %arg2[%swap3A_44, %swap3A_45], %convert_element_type3A {strides = array<i32>} : memref<10240x64xbf16, #tpu.memory_space<vmem>>, vector<10240x64xbf16>,
    return
  }
}

module attributes {stable_mosaic.version = 14 : i64} {
  func.func @_combine_body(%arg0: memref<2x10240x64xbf16, #tpu.memory_space<vmem>>, %arg1: memref<10240x1xf32, #tpu.memory_space<vmem>>, %arg2: memref<10240x1xf32, #tpu.memory_space<vmem>>, %arg3: memref<1x64xf32, #tpu.memory_space<vmem>>, %arg4: memref<64x64xf32, #tpu.memory_space<vmem>>, %arg5: memref<10240x64xbf16, #tpu.memory_space<vmem>>) attributes {dimension_semantics = [], scalar_prefetch = 0 : i64, scratch_operands = 0 : i64, tpu.core_type = #tpu.core_type<tc>} {
    %get3A = arith.constant 0 : index
    %get3A_0 = arith.constant 0 : index
    %get3A_1 = arith.constant 0 : index
    %get3A_2 = vector.load %arg0[%get3A, %get3A_0, %get3A_1] : memref<2x10240x64xbf16, #tpu.memory_space<vmem>>, vector<1x10240x64xbf16>
    %get3A_3 = vector.shape_cast %get3A_2 : vector<1x10240x64xbf16> to vector<10240x64xbf16>
    %convert_element_type3A = arith.extf %get3A_3 : vector<10240x64xbf16> to vector<10240x64xf32>
    %get3A_4 = arith.constant 1 : index
    %get3A_5 = arith.constant 0 : index
    %get3A_6 = arith.constant 0 : index
    %get3A_7 = vector.load %arg0[%get3A_4, %get3A_5, %get3A_6] : memref<2x10240x64xbf16, #tpu.memory_space<vmem>>, vector<1x10240x64xbf16>
    %get3A_8 = vector.shape_cast %get3A_7 : vector<1x10240x64xbf16> to vector<10240x64xbf16>
    %convert_element_type3A_9 = arith.extf %get3A_8 : vector<10240x64xbf16> to vector<10240x64xf32>
    %add3A = arith.addf %convert_element_type3A, %convert_element_type3A_9 : vector<10240x64xf32>
    %get3A_10 = arith.constant 0 : index
    %get3A_11 = arith.constant 0 : index
    %get3A_12 = vector.load %arg1[%get3A_10, %get3A_11] : memref<10240x1xf32, #tpu.memory_space<vmem>>, vector<10240x1xf32>
    %mul3A = vector.broadcast %get3A_12 : vector<10240x1xf32> to vector<10240x64xf32>
    %mul3A_13 = arith.mulf %add3A, %mul3A : vector<10240x64xf32>
    %get3A_14 = arith.constant 0 : index
    %get3A_15 = arith.constant 0 : index
    %get3A_16 = vector.load %arg3[%get3A_14, %get3A_15] : memref<1x64xf32, #tpu.memory_space<vmem>>, vector<1x64xf32>
    %add3A_17 = vector.broadcast %get3A_16 : vector<1x64xf32> to vector<10240x64xf32>
    %add3A_18 = arith.addf %mul3A_13, %add3A_17 : vector<10240x64xf32>
    %max3A = arith.constant 0.000000e+00 : f32
    %max3A_19 = vector.broadcast %max3A : f32 to vector<10240x64xf32>
    %max3A_20 = arith.maximumf %add3A_18, %max3A_19 : vector<10240x64xf32>
    %get3A_21 = arith.constant 0 : index
    %get3A_22 = arith.constant 0 : index
    %get3A_23 = vector.load %arg4[%get3A_21, %get3A_22] : memref<64x64xf32, #tpu.memory_space<vmem>>, vector<64x64xf32>
    %dot_general3A = arith.constant dense<0.000000e+00> : vector<10240x64xf32>
    %dot_general3A_24 = tpu.matmul %max3A_20, %get3A_23, %dot_general3A {dimension_numbers = #tpu.dot_dimension_numbers<[1], [0], [0], [1], [0, 0, 1, 1], [], []>, precision = #tpu.contract_precision<fp32>, transpose_lhs_hint = false} : vector<10240x64xf32>, vector<64x64xf32>, vector<10240x64xf32> -> vector<10240x64xf32>
    %get3A_25 = arith.constant 0 : index
    %get3A_26 = arith.constant 0 : index
    %get3A_27 = vector.load %arg2[%get3A_25, %get3A_26] : memref<10240x1xf32, #tpu.memory_space<vmem>>, vector<10240x1xf32>
    %mul3A_28 = vector.broadcast %get3A_27 : vector<10240x1xf32> to vector<10240x64xf32>
    %mul3A_29 = arith.mulf %dot_general3A_24, %mul3A_28 : vector<10240x64xf32>
    %convert_element_type3A_30 = arith.truncf %mul3A_29 : vector<10240x64xf32> to vector<10240x64xbf16>
    %swap3A = arith.constant 0 : index
    %swap3A_31 = arith.constant 0 : index
    %swap3A_32 = vector.load %arg5[%swap3A, %swap3A_31] : memref<10240x64xbf16, #tpu.memory_space<vmem>>, vector<10240x64xbf16>
    tpu.vector_store %arg5[%swap3A, %swap3A_31], %convert_element_type3A_30 {strides = array<i32>} : memref<10240x64xbf16, #tpu.memory_space<vmem>>, vector<10240x64xbf16>,
    return
  }
}

module attributes {stable_mosaic.version = 14 : i64} {
  func.func @_final_body(%arg0: memref<2x10240x64xbf16, #tpu.memory_space<vmem>>, %arg1: memref<10240x1xf32, #tpu.memory_space<vmem>>, %arg2: memref<1x64xf32, #tpu.memory_space<vmem>>, %arg3: memref<1x64xf32, #tpu.memory_space<vmem>>) attributes {dimension_semantics = [], scalar_prefetch = 0 : i64, scratch_operands = 0 : i64, tpu.core_type = #tpu.core_type<tc>} {
    %get3A = arith.constant 0 : index
    %get3A_0 = arith.constant 0 : index
    %get3A_1 = arith.constant 0 : index
    %get3A_2 = vector.load %arg0[%get3A, %get3A_0, %get3A_1] : memref<2x10240x64xbf16, #tpu.memory_space<vmem>>, vector<1x10240x64xbf16>
    %get3A_3 = vector.shape_cast %get3A_2 : vector<1x10240x64xbf16> to vector<10240x64xbf16>
    %convert_element_type3A = arith.extf %get3A_3 : vector<10240x64xbf16> to vector<10240x64xf32>
    %get3A_4 = arith.constant 1 : index
    %get3A_5 = arith.constant 0 : index
    %get3A_6 = arith.constant 0 : index
    %get3A_7 = vector.load %arg0[%get3A_4, %get3A_5, %get3A_6] : memref<2x10240x64xbf16, #tpu.memory_space<vmem>>, vector<1x10240x64xbf16>
    %get3A_8 = vector.shape_cast %get3A_7 : vector<1x10240x64xbf16> to vector<10240x64xbf16>
    %convert_element_type3A_9 = arith.extf %get3A_8 : vector<10240x64xbf16> to vector<10240x64xf32>
    %add3A = arith.addf %convert_element_type3A, %convert_element_type3A_9 : vector<10240x64xf32>
    %get3A_10 = arith.constant 0 : index
    %get3A_11 = arith.constant 0 : index
    %get3A_12 = vector.load %arg1[%get3A_10, %get3A_11] : memref<10240x1xf32, #tpu.memory_space<vmem>>, vector<10240x1xf32>
    %mul3A = vector.broadcast %get3A_12 : vector<10240x1xf32> to vector<10240x64xf32>
    %mul3A_13 = arith.mulf %add3A, %mul3A : vector<10240x64xf32>
    %get3A_14 = arith.constant 0 : index
    %get3A_15 = arith.constant 0 : index
    %get3A_16 = vector.load %arg2[%get3A_14, %get3A_15] : memref<1x64xf32, #tpu.memory_space<vmem>>, vector<1x64xf32>
    %add3A_17 = vector.broadcast %get3A_16 : vector<1x64xf32> to vector<10240x64xf32>
    %add3A_18 = arith.addf %mul3A_13, %add3A_17 : vector<10240x64xf32>
    %max3A = arith.constant 0.000000e+00 : f32
    %max3A_19 = vector.broadcast %max3A : f32 to vector<10240x64xf32>
    %max3A_20 = arith.maximumf %add3A_18, %max3A_19 : vector<10240x64xf32>
    %slice3A = vector.extract_strided_slice %max3A_20 {offsets = [0, 0], sizes = [10000, 64], strides = [1, 1]} : vector<10240x64xf32> to vector<10000x64xf32>
    %reduce_sum3A = arith.constant dense<0.000000e+00> : vector<64xf32>
    %reduce_sum3A_21 = vector.multi_reduction <add>, %slice3A, %reduce_sum3A [0] : vector<10000x64xf32> to vector<64xf32>
    %broadcast_in_dim3A = vector.shape_cast %reduce_sum3A_21 : vector<64xf32> to vector<1x64xf32>
    %mul3A_22 = arith.constant 9.99999974E-5 : f32
    %mul3A_23 = vector.broadcast %mul3A_22 : f32 to vector<1x64xf32>
    %mul3A_24 = arith.mulf %broadcast_in_dim3A, %mul3A_23 : vector<1x64xf32>
    %swap3A = arith.constant 0 : index
    %swap3A_25 = arith.constant 0 : index
    %swap3A_26 = vector.load %arg3[%swap3A, %swap3A_25] : memref<1x64xf32, #tpu.memory_space<vmem>>, vector<1x64xf32>
    tpu.vector_store %arg3[%swap3A, %swap3A_25], %mul3A_24 {strides = array<i32>} : memref<1x64xf32, #tpu.memory_space<vmem>>, vector<1x64xf32>,
    return
  }
}

</mosaic_0001>

<sc_bundles>
// kernel: kernel.11.cloned.1.call-start
scs
__scs_entry_jumppad:
0x0: {  	(pc) =	sbr.rel $0x88, $3  }
0x1: {  	(tag) =	ssettag $0x0;
	lr =	simm.s32 $0x1  }
0x2: {  	[smem:$0x3F99] =	sst lr;
	_ =	strace $0xD0000000  }
0x3: {  	_ = 	snop  }
0x4: {  	_ = 	snop  }
0x5: {  	_ = 	snop  }
0x6: {  	_ = 	snop  }
0x7: {  	_ = 	snop  }
__scs_overlays_trampoline_lowered:
0x8: {  	[smem:$0x3FA8] =	sst s0  }
0x9: {  	[smem:$0x3FA9] =	sst s1  }
0xa: {  	[smem:$0x3FAA] =	sst s2  }
0xb: {  	[smem:$0x3FAB] =	sst s3  }
0xc: {  	[smem:$0x3FAC] =	sst s4  }
0xd: {  	[smem:$0x3FAD] =	sst s5  }
0xe: {  	[smem:$0x3FAE] =	sst s6  }
0xf: {  	[smem:$0x3FAF] =	sst s7  }
0x10: {  	[smem:$0x3FB0] =	sst s8  }
0x11: {  	[smem:$0x3FB1] =	sst s9;
	s0 =	simm.s32 @!p0 $0x0  }
0x12: {  	s1 =	sld [smem:$0x3F97];
	s0 =	simm.s32 @p0 $0x1  }
0x13: {  	[smem:$0x3FB2] =	sst s0;
	s0 =	simm.s32 @!p1 $0x0  }
0x14: {  	s2 =	sld [smem:$0x3F96];
	s0 =	simm.s32 @p1 $0x1  }
0x15: {  	[smem:$0x3FB3] =	sst s0;
	s0 =	simm.s32 @!p2 $0x0  }
0x16: {  	s3 =	sld [smem:$0x3FDB];
	s0 =	simm.s32 @p2 $0x1  }
0x17: {  	s4 =	simm.s32 $0x1BF5;
	[smem:$0x3FB5] =	sst s0  }
0x18: {  	s0 =	sld [smem:$0x3F98];
	_ =	swait.ge [sflag:s4], $0x0  }
0x19: {  	s7 =	sld [smem:$0x3F99]  }
0x1a: {  	s8 =	sadd.s32 $0xFFFFE003, lr  }
0x1b: {  	s9 =	sadd.s32 $0xFFFFFEF7, lr;
	s5 =	simm.s32 $0xFFFFFFFF;
	p2 =	slt.u32 s8, $0xFFFFF086  }
0x1c: {  	p1 =	slt.u32 s9, $0xF7A;
	s5 =	simm.s32 @!p2 $0x0  }
0x1d: {  	s5 =	simm.s32 @p1 $0x1;
	p0 =	seq.s32 s7, s2  }
0x1e: {  	s7 =	smul.u32 @!p0 $0xF7A, s2;
	p2 =	seq.s32 @!p0 s5, $0x0  }
0x1f: {  	s9 =	smul.u32 $0xF7A, s1;
	s8 =	simm.s32 @!p0 $0x1BF5;
	p2 =	por !p2, p0  }
0x20: {  	[sflag:s8] =	ssyncset.s32 @!p0 $0xFFFFF086;
	s6 =	sadd.s32 @!p0 s3, s7;
	s7 =	simm.s32 @!p0 $0x108  }
0x21: {  	s3 =	sadd.s32 s3, s9;
	s6 =	sadd.s32 @!p0 $0x88, s6;
	s7 =	simm.s32 @p2 $0x1082  }
0x22: {  	[simem:s7], [sflag:s8] =	dma.local @!p0 [hbm:s6], $0xF7A  }
0x23: {  	s9 =	sor.u32 $0xD0000000, s2;
	s6 =	simm.s32 $0x108;
	_ =	swait.ge @!p0 [sflag:s8], $0x0  }
0x24: {  	s3 =	sadd.s32 $0x88, s3;
	s6 =	simm.s32 @!p1 $0x1082;
	[sflag:s4] =	ssyncset.s32 $0xFFFFF086  }
0x25: {  	[simem:s6], [sflag:s4] =	dma.local [hbm:s3], $0xF7A  }
0x26: {  	[smem:$0x3F99] =	sst s1;
	(tag) =	ssettag s2;
	_ =	strace s9  }
0x27: {  	s1 =	sld [smem:$0x3FA9]  }
0x28: {  	s2 =	sld [smem:$0x3FAA]  }
0x29: {  	s4 =	sld [smem:$0x3FAC]  }
0x2a: {  	p0 =	seq.s32 s5, $0x0;
	s5 =	sld [smem:$0x3FAD]  }
0x2b: {  	s6 =	sld [smem:$0x3FAE]  }
0x2c: {  	s7 =	sld [smem:$0x3FAF]  }
0x2d: {  	s3 =	simm.s32 $0x108;
	s8 =	sld [smem:$0x3FB0]  }
0x2e: {  	s3 =	simm.s32 @!p0 $0x1082;
	s9 =	sld [smem:$0x3FB1]  }
0x2f: {  	lr =	sadd.s32 s0, s3;
	s0 =	sld [smem:$0x3FA8]  }
0x30: {  	s3 =	sld [smem:$0x3FAB]  }
0x31: {  	[smem:$0x3FB4] =	sst s10  }
0x32: {  	s10 =	sld [smem:$0x3FB2];
	_ =	sdelay $0x3  }
0x33: {  	p0 =	seq.s32 s10, $0x1;
	s10 =	sld [smem:$0x3FB4];
	_ =	sdelay $0x3  }
0x34: {  	[smem:$0x3FB4] =	sst s10  }
0x35: {  	s10 =	sld [smem:$0x3FB3];
	_ =	sdelay $0x3  }
0x36: {  	p1 =	seq.s32 s10, $0x1;
	s10 =	sld [smem:$0x3FB4];
	_ =	sdelay $0x3  }
0x37: {  	[smem:$0x3FB4] =	sst s10  }
0x38: {  	s10 =	sld [smem:$0x3FB5]  }
0x39: {  	_ = 	snop;
	(pc) =	sbr.ind lr, $3  }
0x3a: {  	_ = 	snop  }
0x3b: {  	_ = 	snop  }
0x3c: {  	p2 =	seq.s32 s10, $0x1;
	s10 =	sld [smem:$0x3FB4]  }
0x3d: {  	_ =	shalt  }
0x3e: {  	_ =	shalt  }
0x3f: {  	_ =	shalt  }
0x40: {  	_ =	shalt  }
0x41: {  	_ =	shalt  }
0x42: {  	_ =	shalt  }
0x43: {  	_ =	shalt  }
0x44: {  	_ =	shalt  }
0x45: {  	_ =	shalt  }
0x46: {  	_ =	shalt  }
0x47: {  	_ =	shalt  }
0x48: {  	_ =	shalt  }
0x49: {  	_ =	shalt  }
0x4a: {  	_ =	shalt  }
0x4b: {  	_ =	shalt  }
0x4c: {  	_ =	shalt  }
0x4d: {  	_ =	shalt  }
0x4e: {  	_ =	shalt  }
0x4f: {  	_ =	shalt  }
0x50: {  	_ =	shalt  }
0x51: {  	_ =	shalt  }
0x52: {  	_ =	shalt  }
0x53: {  	_ =	shalt  }
0x54: {  	_ =	shalt  }
0x55: {  	_ =	shalt  }
0x56: {  	_ =	shalt  }
0x57: {  	_ =	shalt  }
0x58: {  	_ =	shalt  }
0x59: {  	_ =	shalt  }
0x5a: {  	_ =	shalt  }
0x5b: {  	_ =	shalt  }
0x5c: {  	_ =	shalt  }
0x5d: {  	_ =	shalt  }
0x5e: {  	_ =	shalt  }
0x5f: {  	_ =	shalt  }
0x60: {  	_ =	shalt  }
0x61: {  	_ =	shalt  }
0x62: {  	_ =	shalt  }
0x63: {  	_ =	shalt  }
0x64: {  	_ =	shalt  }
0x65: {  	_ =	shalt  }
0x66: {  	_ =	shalt  }
0x67: {  	_ =	shalt  }
0x68: {  	_ =	shalt  }
0x69: {  	_ =	shalt  }
0x6a: {  	_ =	shalt  }
0x6b: {  	_ =	shalt  }
0x6c: {  	_ =	shalt  }
0x6d: {  	_ =	shalt  }
0x6e: {  	_ =	shalt  }
0x6f: {  	_ =	shalt  }
0x70: {  	_ =	shalt  }
0x71: {  	_ =	shalt  }
0x72: {  	_ =	shalt  }
0x73: {  	_ =	shalt  }
0x74: {  	_ =	shalt  }
0x75: {  	_ =	shalt  }
0x76: {  	_ =	shalt  }
0x77: {  	_ =	shalt  }
0x78: {  	_ =	shalt  }
0x79: {  	_ =	shalt  }
0x7a: {  	_ =	shalt  }
0x7b: {  	_ =	shalt  }
0x7c: {  	_ =	shalt  }
0x7d: {  	_ =	shalt  }
0x7e: {  	_ =	shalt  }
0x7f: {  	_ =	shalt  }
0x80: {  	_ =	shalt  }
0x81: {  	_ =	shalt  }
0x82: {  	_ =	shalt  }
0x83: {  	_ =	shalt  }
0x84: {  	_ =	shalt  }
0x85: {  	_ =	shalt  }
0x86: {  	_ =	shalt  }
0x87: {  	_ =	shalt  }
.Lfunc_end0:
.L_simem_size_0:
called_computation_lowered:
.L_overlay_start_0:
0x88: {  	s2 =	sld [smem:$0x3FD9]  }
0x89: {  	s3 =	sld [smem:$0x3FFE];
	_ =	sdelay $0x1  }
0x8a: {  	s1 =	srdreg.scid  }
0x8b: {  	s0 =	sand.u32 $0x1, s1  }
0x8c: {  	s16 =	sshll.u32 s0, $0xA;
	s2 =	sadd.s32 s3, s2  }
0x8d: {  	s2 =	sadd.s32 s2, s16  }
0x8e: {  	[smem:$0x3FC0] =	sst s2  }
0x8f: {  	_ = 	snop  }
0x90: {  	(tm) =	ssettm $0x1  }
0x91: {  	s17 =	sld [smem:$0x3FFB];
	_ =	sdelay $0x3  }
0x92: {  	_ =	strace s17  }
0x93: {  	s2 =	sld [smem:$0x3FFC];
	_ =	sdelay $0x3  }
0x94: {  	_ =	strace s2  }
0x95: {  	s2 =	sld [smem:$0x3FFD];
	_ =	sdelay $0x3  }
0x96: {  	_ =	strace s2  }
0x97: {  	_ =	strace $0x8FFFFFFF  }
0x98: {  	s18 =	sld [smem:$0x3FDB];
	_ =	sdelay $0x1  }
0x99: {  	s19 =	simm.s32 $_scs_section_size  }
0x9a: {  	s4 =	simm.s32 $_size__tile_overlayer_lowered;
	s5 =	simm.s32 $_tile_overlayer_lowered  }
0x9b: {  	s22 =	simm.s32 $0x1BFF;
	s21 =	sshll.u32 s5, $0x1;
	s2 =	sadd.s32 s19, s18  }
0x9c: {  	s6 =	simm.s32 $0x0;
	s20 =	sshll.u32 s4, $0x1;
	s4 =	sadd.s32 s21, s2  }
0x9d: {  	[timem:s6], [sflag:s22] =	dma.local [hbm:s4], s20  }
0x9e: {  	_ =	swait.ge [sflag:s22], s20  }
0x9f: {  	s3 =	ssub.s32 $0x0, s20;
	[sflag:s22] =	ssyncset.done $0x0  }
0xa0: {  	[sflag:s22] =	ssyncadd.s32 s3;
	_ =	sdelay $0x1  }
0xa1: {  	s23 =	simm.s32 $0x1B8B  }
0xa2: {  	_ =	swait.ge [sflag:s23], $0x1  }
0xa3: {  	[sflag:s23] =	ssyncset.done $0x0  }
0xa4: {  	s25 =	simm.s32 $0x1B8E;
	s24 =	sld [smem:$0x3FFE];
	[sflag:s23] =	ssyncadd.s32 $0xFFFFFFFF  }
0xa5: {  	s26 =	simm.s32 $execute0_lowered;
	[smem:$0x3FD2] =	sst s25  }
0xa6: {  	s4 =	sshll.u32 s26, $0x1;
	_ =	strace $0x80000046;
	[dreg:$0x1] =	wrdreg $0xFFFFFFFF  }
0xa7: {  	s28 =	simm.s32 $_size_execute0_lowered;
	s2 =	sadd.s32 s2, s4;
	[dreg:$0x0] =	wrdreg $0x0  }
0xa8: {  	s4 =	sshll.u32 s28, $0x1;
	[dreg:$0x2] =	wrdreg s2  }
0xa9: {  	[dreg:$0x3] =	wrdreg s4  }
0xaa: {  	[dreg:$0x4] =	wrdreg $0xC0  }
0xab: {  	_ =	task [dreg:s6], $0x5FFFF  }
0xac: {  	[dreg:$0x1] =	wrdreg $0xFFFFFFFF  }
0xad: {  	[dreg:$0x0] =	wrdreg $0x60  }
0xae: {  	[dreg:$0x2] =	wrdreg s24  }
0xaf: {  	[dreg:$0x3] =	wrdreg $0x58000  }
0xb0: {  	[dreg:$0x4] =	wrdreg $0x5A800  }
0xb1: {  	[dreg:$0x5] =	wrdreg $0x9  }
0xb2: {  	_ =	task.clear_ibuf [dreg:s6], $0x6FFFF;
	_ =	strace $0x90000046  }
0xb3: {  	s29 =	simm.s32 $0x9;
	_ =	strace $0x80000048  }
0xb4: {  	_ =	swait.ge [sflag:s29], $0x1  }
0xb5: {  	[sflag:s29] =	ssyncadd.s32 $0xFFFFFFFF  }
0xb6: {  	_ =	strace $0x90000048  }
0xb7: {  	_ =	sfence  }
0xb8: {  	s30 =	sld [smem:$0x0];
	_ =	sdelay $0x2  }
0xb9: {  	s31 =	sshll.u32 s1, $0xD;
	s1 =	sshrl.u32 s1, $0x2  }
0xba: {  	s3 =	sand.u32 $0x4000, s31;
	s1 =	sadd.s32 s1, s30  }
0xbb: {  	s0 =	sor.u32 s3, s0;
	s1 =	sshll.u32 s1, $0x11  }
0xbc: {  	s0 =	sor.u32 s1, s0  }
0xbd: {  	s0 =	sadd.s32 $0x8F2B, s0  }
0xbe: {  	[sflag:s0] =	ssyncadd.remote.s32 $0x1  }
0xbf: {  	_ =	sfence.sel $0xFFFF  }
0xc0: {  	[dreg:$0x0] =	wrdreg $0xFFFFFFFF;
	(pc) =	sbr.abs _section_cstart, $3  }
0xc1: {  	[dreg:$0x1] =	wrdreg $0xFFFFFFFF  }
0xc2: {  	_ =	task.clear_ibuf [dreg:s6], $0x2FFFF;
	_ =	strace $0x9FFFFFFF  }
0xc3: {  	(tm) =	ssettm $0x7FFFFFFF  }
tec
execute0_lowered:
.L_overlay_start_1:
0x0: {  	(tag) =	ssettag $0x1  }
0x1: {  	s0 =	srdreg.scid  }
0x2: {  	s25 =	sand.u32 $0x1, s0  }
0x3: {  	s26 =	rddreg [dreg:$0x0];
	s0 =	stileid.u32;
	s1 =	sshll.u32 s25, $0x4  }
0x4: {  	s2 =	rddreg [dreg:$0x1];
	s1 =	sor.u32 s0, s1  }
0x5: {  	s3 =	rddreg [dreg:$0x2];
	s4 =	simm.s32 $0x0;
	s5 =	smul.u32 $0x500, s1  }
0x6: {  	[smem:$0x7FF] =	sst s4  }
0x7: {  	s1 =	rddreg [dreg:$0x3];
	s7 =	sadd.s32 s5, s26  }
0x8: {  	_ =	strace $0x80000047;
	s5 =	simm.s32 $0x3;
	s6 =	sadd.s32 $0xBE00, s7  }
0x9: {  	[tilespmem:s4], [sflag:$0x3] =	stream.linear.gather [hbm4b:s6+s4], $0x2800, $0x38;
	[tilespmem:$0x5D00] =	vst v63  }
0xa: {  	_ =	swait.ge [sflag:s5], $0x2800  }
0xb: {  	[sflag:s5] =	ssyncset.done $0x0  }
0xc: {  	s8 =	simm.s32 $0x2800;
	s7 =	sadd.s32 $0x1E00, s7;
	[sflag:s5] =	ssyncadd.s32 $0xFFFFD800  }
0xd: {  	[tilespmem:s8], [sflag:$0x3] =	stream.linear.gather [hbm4b:s7+s4], $0x2800, $0x38;
	[tilespmem:$0x5D00] =	vst v63  }
0xe: {  	_ =	swait.ge [sflag:s5], $0x2800  }
0xf: {  	s10 =	simm.s32 $0x5000;
	s9 =	sadd.s32 $0x15E00, s26;
	[sflag:s5] =	ssyncset.done $0x0  }
0x10: {  	s28 =	smul.u32 $0x280, s0;
	s12 =	sshll.u32 s0, $0x6;
	[sflag:s5] =	ssyncadd.s32 $0xFFFFD800  }
0x11: {  	[tilespmem:s10], [sflag:$0x3] =	stream.linear.gather [hbm4b:s9+s4], $0x800, $0x38;
	[tilespmem:$0x5D00] =	vst v63  }
0x12: {  	s12 =	sor.u32 $0x1C03, s12;
	s11 =	sshrl.u32 s28, $0x3;
	_ =	swait.ge [sflag:s5], $0x800  }
0x13: {  	s13 =	sadd.s32 s28, s2;
	s11 =	sadd.s32 s11, s26;
	[sflag:s5] =	ssyncset.done $0x0  }
0x14: {  	s13 =	sshrl.u32 s13, $0x3;
	s11 =	sadd.s32 $0x16000, s11;
	[sflag:s5] =	ssyncadd.s32 $0xFFFFF800  }
0x15: {  	[spmem:s13], [sflag:s12] =	dma.local [hbm:s11], $0x50  }
0x16: {  	_ =	swait.ge [sflag:s5], $0x50  }
0x17: {  	s14 =	sadd.s32 s28, s3;
	[sflag:s5] =	ssyncset.done $0x0  }
0x18: {  	s14 =	sshrl.u32 s14, $0x3;
	[sflag:s5] =	ssyncadd.s32 $0xFFFFFFB0  }
0x19: {  	[spmem:s14], [sflag:s12] =	dma.local [hbm:s11], $0x50  }
0x1a: {  	_ =	swait.ge [sflag:s5], $0x50  }
0x1b: {  	[sflag:s5] =	ssyncset.done $0x0  }
0x1c: {  	[sflag:s5] =	ssyncadd.s32 $0xFFFFFFB0  }
0x1d: {  	s15 =	simm.s32 $0x800;
	[bflag:$0x0] =	sbarrier.arrive $0xFFFF  }
0x1e: {  	[spmem:s2] =	stream.indirect.scatter.add.f32 [tilespmem:s10], [sflag:$0x1], $0x1, s4, s15, $0xb8;
	[tilespmem:$0x5D00] =	vst v63  }
0x1f: {  	_ = 	snop  }
0x20: {  	[spmem:s3] =	stream.indirect.scatter.add.f32 [tilespmem:s10], [sflag:$0x2], $0x1, s8, s15, $0xb8;
	[tilespmem:$0x5D00] =	vst v63  }
0x21: {  	_ = 	snop  }
0x22: {  	[spmem:s2] =	stream.indirect.scatter.add.f32 [tilespmem:s10], [sflag:$0x1], $0x1, s15, s15, $0xb8;
	[tilespmem:$0x5D00] =	vst v63  }
0x23: {  	s16 =	simm.s32 $0x3000  }
0x24: {  	[spmem:s3] =	stream.indirect.scatter.add.f32 [tilespmem:s10], [sflag:$0x2], $0x1, s16, s15, $0xb8;
	[tilespmem:$0x5D00] =	vst v63  }
0x25: {  	s17 =	simm.s32 $0x1000  }
0x26: {  	[spmem:s2] =	stream.indirect.scatter.add.f32 [tilespmem:s10], [sflag:$0x1], $0x1, s17, s15, $0xb8;
	[tilespmem:$0x5D00] =	vst v63  }
0x27: {  	s18 =	simm.s32 $0x3800  }
0x28: {  	[spmem:s3] =	stream.indirect.scatter.add.f32 [tilespmem:s10], [sflag:$0x2], $0x1, s18, s15, $0xb8;
	[tilespmem:$0x5D00] =	vst v63  }
0x29: {  	s19 =	simm.s32 $0x1800  }
0x2a: {  	[spmem:s2] =	stream.indirect.scatter.add.f32 [tilespmem:s10], [sflag:$0x1], $0x1, s19, s15, $0xb8;
	[tilespmem:$0x5D00] =	vst v63  }
0x2b: {  	s20 =	simm.s32 $0x4000  }
0x2c: {  	[spmem:s3] =	stream.indirect.scatter.add.f32 [tilespmem:s10], [sflag:$0x2], $0x1, s20, s15, $0xb8;
	[tilespmem:$0x5D00] =	vst v63  }
0x2d: {  	s21 =	simm.s32 $0x2000  }
0x2e: {  	[spmem:s2] =	stream.indirect.scatter.add.f32 [tilespmem:s10], [sflag:$0x1], $0x1, s21, s15, $0xb8;
	[tilespmem:$0x5D00] =	vst v63  }
0x2f: {  	s22 =	simm.s32 $0x4800;
	s23 =	simm.s32 $0x1  }
0x30: {  	[spmem:s3] =	stream.indirect.scatter.add.f32 [tilespmem:s10], [sflag:$0x2], $0x1, s22, s15, $0xb8;
	[tilespmem:$0x5D00] =	vst v63  }
0x31: {  	_ =	swait.ge [sflag:s23], $0x800  }
0x32: {  	[sflag:s23] =	ssyncset.done $0x0  }
0x33: {  	s24 =	simm.s32 $0x2;
	[sflag:s23] =	ssyncadd.s32 $0xFFFFF800  }
0x34: {  	_ =	swait.ge [sflag:s24], $0x800  }
0x35: {  	[sflag:s24] =	ssyncset.done $0x0  }
0x36: {  	[sflag:s24] =	ssyncadd.s32 $0xFFFFF800  }
0x37: {  	_ =	swait.ge [sflag:s23], $0x800  }
0x38: {  	[sflag:s23] =	ssyncset.done $0x0  }
0x39: {  	[sflag:s23] =	ssyncadd.s32 $0xFFFFF800  }
0x3a: {  	_ =	swait.ge [sflag:s24], $0x800  }
0x3b: {  	[sflag:s24] =	ssyncset.done $0x0  }
0x3c: {  	[sflag:s24] =	ssyncadd.s32 $0xFFFFF800  }
0x3d: {  	_ =	swait.ge [sflag:s23], $0x800  }
0x3e: {  	[sflag:s23] =	ssyncset.done $0x0  }
0x3f: {  	[sflag:s23] =	ssyncadd.s32 $0xFFFFF800  }
0x40: {  	_ =	swait.ge [sflag:s24], $0x800  }
0x41: {  	[sflag:s24] =	ssyncset.done $0x0  }
0x42: {  	[sflag:s24] =	ssyncadd.s32 $0xFFFFF800  }
0x43: {  	_ =	swait.ge [sflag:s23], $0x800  }
0x44: {  	[sflag:s23] =	ssyncset.done $0x0  }
0x45: {  	[sflag:s23] =	ssyncadd.s32 $0xFFFFF800  }
0x46: {  	_ =	swait.ge [sflag:s24], $0x800  }
0x47: {  	[sflag:s24] =	ssyncset.done $0x0  }
0x48: {  	s29 =	smul.u32 $0x5000, s25;
	[sflag:s24] =	ssyncadd.s32 $0xFFFFF800  }
0x49: {  	_ =	swait.ge [sflag:s23], $0x800  }
0x4a: {  	s28 =	sadd.s32 s28, s29;
	[sflag:s23] =	ssyncset.done $0x0  }
0x4b: {  	s28 =	sshrl.u32 s28, $0x3;
	[sflag:s23] =	ssyncadd.s32 $0xFFFFF800  }
0x4c: {  	s26 =	sadd.s32 s28, s26;
	s28 =	ssub.s32 $0x2, s25;
	_ =	swait.ge [sflag:s24], $0x800  }
0x4d: {  	s31 =	sshrl.u32 s28, $0x1;
	[sflag:s24] =	ssyncset.done $0x0  }
0x4e: {  	s28 =	ssub.s32 s28, s31;
	[sflag:s24] =	ssyncadd.s32 $0xFFFFF800  }
0x4f: {  	s25 =	sadd.s32 $0x16600, s26;
	s28 =	smax.u32 s28, $0x1;
	[bflag:$0x0] =	sbarrier.arrive $0xFFFF  }
0x50: {  	[hbm:s25], [sflag:s12] =	dma.local [spmem:s13], $0x50  }
0x51: {  	p0 =	sne.s32 s28, $0x1;
	_ =	swait.ge [sflag:s5], $0x50  }
.Ltmp0:
0x52: {  	[sflag:s5] =	ssyncset.done $0x0;
	(pc) =	sbr.rel @!p0 .LBB2_2-.Ltmp0, $4  }
0x53: {  	s26 =	sadd.s32 $0x16B00, s26;
	[sflag:s5] =	ssyncadd.s32 $0xFFFFFFB0  }
0x54: {  	[hbm:s26], [sflag:s12] =	dma.local [spmem:s14], $0x50  }
0x55: {  	_ =	swait.ge [sflag:s5], $0x50  }
0x56: {  	s28 =	sadd.s32 $0xFFFFFFFF, s28;
	[sflag:s5] =	ssyncset.done $0x0  }
.LBB2_1:
0x57: {  	p0 =	sne.s32 s28, $0x1;
	s28 =	sadd.s32 $0xFFFFFFFF, s28;
	[sflag:s5] =	ssyncadd.s32 $0xFFFFFFB0  }
0x58: {  	[tilespmem:s4], [sflag:$0x3] =	stream.linear.gather [hbm4b:s6+s4], $0x2800, $0x38;
	[tilespmem:$0x5D00] =	vst v63  }
0x59: {  	_ =	swait.ge [sflag:s5], $0x2800  }
0x5a: {  	[sflag:s5] =	ssyncset.done $0x0  }
0x5b: {  	[sflag:s5] =	ssyncadd.s32 $0xFFFFD800  }
0x5c: {  	[tilespmem:s8], [sflag:$0x3] =	stream.linear.gather [hbm4b:s7+s4], $0x2800, $0x38;
	[tilespmem:$0x5D00] =	vst v63  }
0x5d: {  	_ =	swait.ge [sflag:s5], $0x2800  }
0x5e: {  	[sflag:s5] =	ssyncset.done $0x0  }
0x5f: {  	[sflag:s5] =	ssyncadd.s32 $0xFFFFD800  }
0x60: {  	[tilespmem:s10], [sflag:$0x3] =	stream.linear.gather [hbm4b:s9+s4], $0x800, $0x38;
	[tilespmem:$0x5D00] =	vst v63  }
0x61: {  	_ =	swait.ge [sflag:s5], $0x800  }
0x62: {  	[sflag:s5] =	ssyncset.done $0x0  }
0x63: {  	[sflag:s5] =	ssyncadd.s32 $0xFFFFF800  }
0x64: {  	[spmem:s13], [sflag:s12] =	dma.local [hbm:s11], $0x50  }
0x65: {  	_ =	swait.ge [sflag:s5], $0x50  }
0x66: {  	[sflag:s5] =	ssyncset.done $0x0  }
0x67: {  	[sflag:s5] =	ssyncadd.s32 $0xFFFFFFB0  }
0x68: {  	[spmem:s14], [sflag:s12] =	dma.local [hbm:s11], $0x50  }
0x69: {  	_ =	swait.ge [sflag:s5], $0x50  }
0x6a: {  	[sflag:s5] =	ssyncset.done $0x0  }
0x6b: {  	[sflag:s5] =	ssyncadd.s32 $0xFFFFFFB0  }
0x6c: {  	[bflag:$0x0] =	sbarrier.arrive $0xFFFF  }
0x6d: {  	[spmem:s2] =	stream.indirect.scatter.add.f32 [tilespmem:s10], [sflag:$0x1], $0x1, s4, s15, $0xb8;
	[tilespmem:$0x5D00] =	vst v63  }
0x6e: {  	_ = 	snop  }
0x6f: {  	[spmem:s3] =	stream.indirect.scatter.add.f32 [tilespmem:s10], [sflag:$0x2], $0x1, s8, s15, $0xb8;
	[tilespmem:$0x5D00] =	vst v63  }
0x70: {  	_ = 	snop  }
0x71: {  	[spmem:s2] =	stream.indirect.scatter.add.f32 [tilespmem:s10], [sflag:$0x1], $0x1, s15, s15, $0xb8;
	[tilespmem:$0x5D00] =	vst v63  }
0x72: {  	_ = 	snop  }
0x73: {  	[spmem:s3] =	stream.indirect.scatter.add.f32 [tilespmem:s10], [sflag:$0x2], $0x1, s16, s15, $0xb8;
	[tilespmem:$0x5D00] =	vst v63  }
0x74: {  	_ = 	snop  }
0x75: {  	[spmem:s2] =	stream.indirect.scatter.add.f32 [tilespmem:s10], [sflag:$0x1], $0x1, s17, s15, $0xb8;
	[tilespmem:$0x5D00] =	vst v63  }
0x76: {  	_ = 	snop  }
0x77: {  	[spmem:s3] =	stream.indirect.scatter.add.f32 [tilespmem:s10], [sflag:$0x2], $0x1, s18, s15, $0xb8;
	[tilespmem:$0x5D00] =	vst v63  }
0x78: {  	_ = 	snop  }
0x79: {  	[spmem:s2] =	stream.indirect.scatter.add.f32 [tilespmem:s10], [sflag:$0x1], $0x1, s19, s15, $0xb8;
	[tilespmem:$0x5D00] =	vst v63  }
0x7a: {  	_ = 	snop  }
0x7b: {  	[spmem:s3] =	stream.indirect.scatter.add.f32 [tilespmem:s10], [sflag:$0x2], $0x1, s20, s15, $0xb8;
	[tilespmem:$0x5D00] =	vst v63  }
0x7c: {  	_ = 	snop  }
0x7d: {  	[spmem:s2] =	stream.indirect.scatter.add.f32 [tilespmem:s10], [sflag:$0x1], $0x1, s21, s15, $0xb8;
	[tilespmem:$0x5D00] =	vst v63  }
0x7e: {  	_ = 	snop  }
0x7f: {  	[spmem:s3] =	stream.indirect.scatter.add.f32 [tilespmem:s10], [sflag:$0x2], $0x1, s22, s15, $0xb8;
	[tilespmem:$0x5D00] =	vst v63  }
0x80: {  	_ =	swait.ge [sflag:s23], $0x800  }
0x81: {  	[sflag:s23] =	ssyncset.done $0x0  }
0x82: {  	[sflag:s23] =	ssyncadd.s32 $0xFFFFF800  }
0x83: {  	_ =	swait.ge [sflag:s24], $0x800  }
0x84: {  	[sflag:s24] =	ssyncset.done $0x0  }
0x85: {  	[sflag:s24] =	ssyncadd.s32 $0xFFFFF800  }
0x86: {  	_ =	swait.ge [sflag:s23], $0x800  }
0x87: {  	[sflag:s23] =	ssyncset.done $0x0  }
0x88: {  	[sflag:s23] =	ssyncadd.s32 $0xFFFFF800  }
0x89: {  	_ =	swait.ge [sflag:s24], $0x800  }
0x8a: {  	[sflag:s24] =	ssyncset.done $0x0  }
0x8b: {  	[sflag:s24] =	ssyncadd.s32 $0xFFFFF800  }
0x8c: {  	_ =	swait.ge [sflag:s23], $0x800  }
0x8d: {  	[sflag:s23] =	ssyncset.done $0x0  }
0x8e: {  	[sflag:s23] =	ssyncadd.s32 $0xFFFFF800  }
0x8f: {  	_ =	swait.ge [sflag:s24], $0x800  }
0x90: {  	[sflag:s24] =	ssyncset.done $0x0  }
0x91: {  	[sflag:s24] =	ssyncadd.s32 $0xFFFFF800  }
0x92: {  	_ =	swait.ge [sflag:s23], $0x800  }
0x93: {  	[sflag:s23] =	ssyncset.done $0x0  }
0x94: {  	[sflag:s23] =	ssyncadd.s32 $0xFFFFF800  }
0x95: {  	_ =	swait.ge [sflag:s24], $0x800  }
0x96: {  	[sflag:s24] =	ssyncset.done $0x0  }
0x97: {  	[sflag:s24] =	ssyncadd.s32 $0xFFFFF800  }
0x98: {  	_ =	swait.ge [sflag:s23], $0x800  }
0x99: {  	[sflag:s23] =	ssyncset.done $0x0  }
0x9a: {  	[sflag:s23] =	ssyncadd.s32 $0xFFFFF800  }
0x9b: {  	_ =	swait.ge [sflag:s24], $0x800  }
0x9c: {  	[sflag:s24] =	ssyncset.done $0x0  }
0x9d: {  	[sflag:s24] =	ssyncadd.s32 $0xFFFFF800  }
0x9e: {  	[bflag:$0x0] =	sbarrier.arrive $0xFFFF  }
0x9f: {  	[hbm:s25], [sflag:s12] =	dma.local [spmem:s13], $0x50  }
0xa0: {  	_ =	swait.ge [sflag:s5], $0x50  }
.Ltmp1:
0xa1: {  	[sflag:s5] =	ssyncset.done $0x0;
	(pc) =	sbr.rel @p0 .LBB2_1-.Ltmp1, $4  }
0xa2: {  	[sflag:s5] =	ssyncadd.s32 $0xFFFFFFB0  }
0xa3: {  	[hbm:s26], [sflag:s12] =	dma.local [spmem:s14], $0x50  }
0xa4: {  	_ =	swait.ge [sflag:s5], $0x50  }
0xa5: {  	[sflag:s5] =	ssyncset.done $0x0  }
.LBB2_2:
0xa6: {  	[sflag:s5] =	ssyncadd.s32 $0xFFFFFFB0  }
0xa7: {  	_ =	sfence.sel $0x180000  }
0xa8: {  	[bflag:$0x0] =	sbarrier.arrive $0xFFFF  }
0xa9: {  	p0 =	sne.s32 s0, $0x0;
	_ =	strace $0x90000047  }
0xaa: {  	s0 =	sadd.s32 @!p0 $0x100000, s1;
	[bflag:$0x2] =	sbarrier.arrive $0xFFFF  }
0xab: {  	[sflag:s0] =	ssyncadd.tile.s32 @!p0 $0x1;
	_ =	shalt  }
.Lfunc_end2:
_tile_overlayer_lowered:
.L_overlay_start_2:
0xac: {  	(tag) =	ssettag $0x2  }
0xad: {  	s0 =	rddreg [dreg:$0x0];
	s2 =	stileid.u32  }
0xae: {  	s1 =	rddreg [dreg:$0x1];
	p0 =	sne.s32 s2, $0x0  }
0xaf: {  	s3 =	rddreg [dreg:$0x2];
	[bflag:$0x3] =	sbarrier.arrive $0xFFFF;
	s2 =	simm.s32 @!p0 $0x1C03  }
0xb0: {  	[timem:s3], [sflag:s2] =	dma.local @!p0 [hbm:s0], s1  }
0xb1: {  	s0 =	simm.s32 @!p0 $0x3  }
0xb2: {  	_ =	swait.ge @!p0 [sflag:s0], s1  }
0xb3: {  	s1 =	ssub.s32 @!p0 $0x0, s1;
	[sflag:s0] =	ssyncset.done @!p0 $0x0  }
0xb4: {  	[sflag:s0] =	ssyncadd.s32 @!p0 s1  }
0xb5: {  	[bflag:$0x3] =	sbarrier.arrive $0xFFFF  }
0xb6: {  	_ =	shalt  }

// kernel: kernel.14.cloned.1.call-start
scs
__scs_entry_jumppad:
0x0: {  	(pc) =	sbr.rel $0x88, $3  }
0x1: {  	(tag) =	ssettag $0x0;
	lr =	simm.s32 $0x1  }
0x2: {  	[smem:$0x3F99] =	sst lr;
	_ =	strace $0xD0000000  }
0x3: {  	_ = 	snop  }
0x4: {  	_ = 	snop  }
0x5: {  	_ = 	snop  }
0x6: {  	_ = 	snop  }
0x7: {  	_ = 	snop  }
__scs_overlays_trampoline_lowered:
0x8: {  	[smem:$0x3FA8] =	sst s0  }
0x9: {  	[smem:$0x3FA9] =	sst s1  }
0xa: {  	[smem:$0x3FAA] =	sst s2  }
0xb: {  	[smem:$0x3FAB] =	sst s3  }
0xc: {  	[smem:$0x3FAC] =	sst s4  }
0xd: {  	[smem:$0x3FAD] =	sst s5  }
0xe: {  	[smem:$0x3FAE] =	sst s6  }
0xf: {  	[smem:$0x3FAF] =	sst s7  }
0x10: {  	[smem:$0x3FB0] =	sst s8  }
0x11: {  	[smem:$0x3FB1] =	sst s9;
	s0 =	simm.s32 @!p0 $0x0  }
0x12: {  	s1 =	sld [smem:$0x3F97];
	s0 =	simm.s32 @p0 $0x1  }
0x13: {  	[smem:$0x3FB2] =	sst s0;
	s0 =	simm.s32 @!p1 $0x0  }
0x14: {  	s2 =	sld [smem:$0x3F96];
	s0 =	simm.s32 @p1 $0x1  }
0x15: {  	[smem:$0x3FB3] =	sst s0;
	s0 =	simm.s32 @!p2 $0x0  }
0x16: {  	s3 =	sld [smem:$0x3FDB];
	s0 =	simm.s32 @p2 $0x1  }
0x17: {  	s4 =	simm.s32 $0x1BF5;
	[smem:$0x3FB5] =	sst s0  }
0x18: {  	s0 =	sld [smem:$0x3F98];
	_ =	swait.ge [sflag:s4], $0x0  }
0x19: {  	s7 =	sld [smem:$0x3F99]  }
0x1a: {  	s8 =	sadd.s32 $0xFFFFE003, lr  }
0x1b: {  	s9 =	sadd.s32 $0xFFFFFEF7, lr;
	s5 =	simm.s32 $0xFFFFFFFF;
	p2 =	slt.u32 s8, $0xFFFFF086  }
0x1c: {  	p1 =	slt.u32 s9, $0xF7A;
	s5 =	simm.s32 @!p2 $0x0  }
0x1d: {  	s5 =	simm.s32 @p1 $0x1;
	p0 =	seq.s32 s7, s2  }
0x1e: {  	s7 =	smul.u32 @!p0 $0xF7A, s2;
	p2 =	seq.s32 @!p0 s5, $0x0  }
0x1f: {  	s9 =	smul.u32 $0xF7A, s1;
	s8 =	simm.s32 @!p0 $0x1BF5;
	p2 =	por !p2, p0  }
0x20: {  	[sflag:s8] =	ssyncset.s32 @!p0 $0xFFFFF086;
	s6 =	sadd.s32 @!p0 s3, s7;
	s7 =	simm.s32 @!p0 $0x108  }
0x21: {  	s3 =	sadd.s32 s3, s9;
	s6 =	sadd.s32 @!p0 $0x88, s6;
	s7 =	simm.s32 @p2 $0x1082  }
0x22: {  	[simem:s7], [sflag:s8] =	dma.local @!p0 [hbm:s6], $0xF7A  }
0x23: {  	s9 =	sor.u32 $0xD0000000, s2;
	s6 =	simm.s32 $0x108;
	_ =	swait.ge @!p0 [sflag:s8], $0x0  }
0x24: {  	s3 =	sadd.s32 $0x88, s3;
	s6 =	simm.s32 @!p1 $0x1082;
	[sflag:s4] =	ssyncset.s32 $0xFFFFF086  }
0x25: {  	[simem:s6], [sflag:s4] =	dma.local [hbm:s3], $0xF7A  }
0x26: {  	[smem:$0x3F99] =	sst s1;
	(tag) =	ssettag s2;
	_ =	strace s9  }
0x27: {  	s1 =	sld [smem:$0x3FA9]  }
0x28: {  	s2 =	sld [smem:$0x3FAA]  }
0x29: {  	s4 =	sld [smem:$0x3FAC]  }
0x2a: {  	p0 =	seq.s32 s5, $0x0;
	s5 =	sld [smem:$0x3FAD]  }
0x2b: {  	s6 =	sld [smem:$0x3FAE]  }
0x2c: {  	s7 =	sld [smem:$0x3FAF]  }
0x2d: {  	s3 =	simm.s32 $0x108;
	s8 =	sld [smem:$0x3FB0]  }
0x2e: {  	s3 =	simm.s32 @!p0 $0x1082;
	s9 =	sld [smem:$0x3FB1]  }
0x2f: {  	lr =	sadd.s32 s0, s3;
	s0 =	sld [smem:$0x3FA8]  }
0x30: {  	s3 =	sld [smem:$0x3FAB]  }
0x31: {  	[smem:$0x3FB4] =	sst s10  }
0x32: {  	s10 =	sld [smem:$0x3FB2];
	_ =	sdelay $0x3  }
0x33: {  	p0 =	seq.s32 s10, $0x1;
	s10 =	sld [smem:$0x3FB4];
	_ =	sdelay $0x3  }
0x34: {  	[smem:$0x3FB4] =	sst s10  }
0x35: {  	s10 =	sld [smem:$0x3FB3];
	_ =	sdelay $0x3  }
0x36: {  	p1 =	seq.s32 s10, $0x1;
	s10 =	sld [smem:$0x3FB4];
	_ =	sdelay $0x3  }
0x37: {  	[smem:$0x3FB4] =	sst s10  }
0x38: {  	s10 =	sld [smem:$0x3FB5]  }
0x39: {  	_ = 	snop;
	(pc) =	sbr.ind lr, $3  }
0x3a: {  	_ = 	snop  }
0x3b: {  	_ = 	snop  }
0x3c: {  	p2 =	seq.s32 s10, $0x1;
	s10 =	sld [smem:$0x3FB4]  }
0x3d: {  	_ =	shalt  }
0x3e: {  	_ =	shalt  }
0x3f: {  	_ =	shalt  }
0x40: {  	_ =	shalt  }
0x41: {  	_ =	shalt  }
0x42: {  	_ =	shalt  }
0x43: {  	_ =	shalt  }
0x44: {  	_ =	shalt  }
0x45: {  	_ =	shalt  }
0x46: {  	_ =	shalt  }
0x47: {  	_ =	shalt  }
0x48: {  	_ =	shalt  }
0x49: {  	_ =	shalt  }
0x4a: {  	_ =	shalt  }
0x4b: {  	_ =	shalt  }
0x4c: {  	_ =	shalt  }
0x4d: {  	_ =	shalt  }
0x4e: {  	_ =	shalt  }
0x4f: {  	_ =	shalt  }
0x50: {  	_ =	shalt  }
0x51: {  	_ =	shalt  }
0x52: {  	_ =	shalt  }
0x53: {  	_ =	shalt  }
0x54: {  	_ =	shalt  }
0x55: {  	_ =	shalt  }
0x56: {  	_ =	shalt  }
0x57: {  	_ =	shalt  }
0x58: {  	_ =	shalt  }
0x59: {  	_ =	shalt  }
0x5a: {  	_ =	shalt  }
0x5b: {  	_ =	shalt  }
0x5c: {  	_ =	shalt  }
0x5d: {  	_ =	shalt  }
0x5e: {  	_ =	shalt  }
0x5f: {  	_ =	shalt  }
0x60: {  	_ =	shalt  }
0x61: {  	_ =	shalt  }
0x62: {  	_ =	shalt  }
0x63: {  	_ =	shalt  }
0x64: {  	_ =	shalt  }
0x65: {  	_ =	shalt  }
0x66: {  	_ =	shalt  }
0x67: {  	_ =	shalt  }
0x68: {  	_ =	shalt  }
0x69: {  	_ =	shalt  }
0x6a: {  	_ =	shalt  }
0x6b: {  	_ =	shalt  }
0x6c: {  	_ =	shalt  }
0x6d: {  	_ =	shalt  }
0x6e: {  	_ =	shalt  }
0x6f: {  	_ =	shalt  }
0x70: {  	_ =	shalt  }
0x71: {  	_ =	shalt  }
0x72: {  	_ =	shalt  }
0x73: {  	_ =	shalt  }
0x74: {  	_ =	shalt  }
0x75: {  	_ =	shalt  }
0x76: {  	_ =	shalt  }
0x77: {  	_ =	shalt  }
0x78: {  	_ =	shalt  }
0x79: {  	_ =	shalt  }
0x7a: {  	_ =	shalt  }
0x7b: {  	_ =	shalt  }
0x7c: {  	_ =	shalt  }
0x7d: {  	_ =	shalt  }
0x7e: {  	_ =	shalt  }
0x7f: {  	_ =	shalt  }
0x80: {  	_ =	shalt  }
0x81: {  	_ =	shalt  }
0x82: {  	_ =	shalt  }
0x83: {  	_ =	shalt  }
0x84: {  	_ =	shalt  }
0x85: {  	_ =	shalt  }
0x86: {  	_ =	shalt  }
0x87: {  	_ =	shalt  }
.Lfunc_end0:
.L_simem_size_0:
called_computation.1_lowered:
.L_overlay_start_0:
0x88: {  	s2 =	sld [smem:$0x3FD9]  }
0x89: {  	s3 =	sld [smem:$0x3FFE];
	_ =	sdelay $0x1  }
0x8a: {  	s1 =	srdreg.scid  }
0x8b: {  	s0 =	sand.u32 $0x1, s1  }
0x8c: {  	s16 =	sshll.u32 s0, $0xA;
	s2 =	sadd.s32 s3, s2  }
0x8d: {  	s2 =	sadd.s32 s2, s16  }
0x8e: {  	[smem:$0x3FC0] =	sst s2  }
0x8f: {  	_ = 	snop  }
0x90: {  	(tm) =	ssettm $0x1  }
0x91: {  	s17 =	sld [smem:$0x3FFB];
	_ =	sdelay $0x3  }
0x92: {  	_ =	strace s17  }
0x93: {  	s2 =	sld [smem:$0x3FFC];
	_ =	sdelay $0x3  }
0x94: {  	_ =	strace s2  }
0x95: {  	s2 =	sld [smem:$0x3FFD];
	_ =	sdelay $0x3  }
0x96: {  	_ =	strace s2  }
0x97: {  	_ =	strace $0x8FFFFFFF  }
0x98: {  	s18 =	sld [smem:$0x3FDB];
	_ =	sdelay $0x1  }
0x99: {  	s19 =	simm.s32 $_scs_section_size  }
0x9a: {  	s4 =	simm.s32 $_size__tile_overlayer_lowered;
	s5 =	simm.s32 $_tile_overlayer_lowered  }
0x9b: {  	s22 =	simm.s32 $0x1BFF;
	s21 =	sshll.u32 s5, $0x1;
	s2 =	sadd.s32 s19, s18  }
0x9c: {  	s6 =	simm.s32 $0x0;
	s20 =	sshll.u32 s4, $0x1;
	s4 =	sadd.s32 s21, s2  }
0x9d: {  	[timem:s6], [sflag:s22] =	dma.local [hbm:s4], s20  }
0x9e: {  	_ =	swait.ge [sflag:s22], s20  }
0x9f: {  	s3 =	ssub.s32 $0x0, s20;
	[sflag:s22] =	ssyncset.done $0x0  }
0xa0: {  	[sflag:s22] =	ssyncadd.s32 s3;
	_ =	sdelay $0x1  }
0xa1: {  	s23 =	simm.s32 $0x1B8B  }
0xa2: {  	_ =	swait.ge [sflag:s23], $0x1  }
0xa3: {  	[sflag:s23] =	ssyncset.done $0x0  }
0xa4: {  	s25 =	simm.s32 $0x1B8E;
	s24 =	sld [smem:$0x3FFE];
	[sflag:s23] =	ssyncadd.s32 $0xFFFFFFFF  }
0xa5: {  	s26 =	simm.s32 $execute0_lowered;
	[smem:$0x3FD2] =	sst s25  }
0xa6: {  	s4 =	sshll.u32 s26, $0x1;
	_ =	strace $0x80000049;
	[dreg:$0x1] =	wrdreg $0xFFFFFFFF  }
0xa7: {  	s28 =	simm.s32 $_size_execute0_lowered;
	s2 =	sadd.s32 s2, s4;
	[dreg:$0x0] =	wrdreg $0x0  }
0xa8: {  	s4 =	sshll.u32 s28, $0x1;
	[dreg:$0x2] =	wrdreg s2  }
0xa9: {  	[dreg:$0x3] =	wrdreg s4  }
0xaa: {  	[dreg:$0x4] =	wrdreg $0xC0  }
0xab: {  	_ =	task [dreg:s6], $0x5FFFF  }
0xac: {  	[dreg:$0x1] =	wrdreg $0xFFFFFFFF  }
0xad: {  	[dreg:$0x0] =	wrdreg $0x60  }
0xae: {  	[dreg:$0x2] =	wrdreg s24  }
0xaf: {  	[dreg:$0x3] =	wrdreg $0x150000  }
0xb0: {  	[dreg:$0x4] =	wrdreg $0x1A0000  }
0xb1: {  	[dreg:$0x5] =	wrdreg $0x9  }
0xb2: {  	_ =	task.clear_ibuf [dreg:s6], $0x6FFFF;
	_ =	strace $0x90000049  }
0xb3: {  	s29 =	simm.s32 $0x9;
	_ =	strace $0x8000004B  }
0xb4: {  	_ =	swait.ge [sflag:s29], $0x1  }
0xb5: {  	[sflag:s29] =	ssyncadd.s32 $0xFFFFFFFF  }
0xb6: {  	_ =	strace $0x9000004B  }
0xb7: {  	_ =	sfence  }
0xb8: {  	s30 =	sld [smem:$0x0];
	_ =	sdelay $0x2  }
0xb9: {  	s31 =	sshll.u32 s1, $0xD;
	s1 =	sshrl.u32 s1, $0x2  }
0xba: {  	s3 =	sand.u32 $0x4000, s31;
	s1 =	sadd.s32 s1, s30  }
0xbb: {  	s0 =	sor.u32 s3, s0;
	s1 =	sshll.u32 s1, $0x11  }
0xbc: {  	s0 =	sor.u32 s1, s0  }
0xbd: {  	s0 =	sadd.s32 $0x8F2B, s0  }
0xbe: {  	[sflag:s0] =	ssyncadd.remote.s32 $0x1  }
0xbf: {  	_ =	sfence.sel $0xFFFF  }
0xc0: {  	[dreg:$0x0] =	wrdreg $0xFFFFFFFF;
	(pc) =	sbr.abs _section_cstart, $3  }
0xc1: {  	[dreg:$0x1] =	wrdreg $0xFFFFFFFF  }
0xc2: {  	_ =	task.clear_ibuf [dreg:s6], $0x2FFFF;
	_ =	strace $0x9FFFFFFF  }
0xc3: {  	(tm) =	ssettm $0x7FFFFFFF  }
tec
execute0_lowered:
.L_overlay_start_1:
0x0: {  	(tag) =	ssettag $0x1  }
0x1: {  	s0 =	rddreg [dreg:$0x0]  }
0x2: {  	s2 =	rddreg [dreg:$0x1];
	s1 =	srdreg.scid  }
0x3: {  	s3 =	rddreg [dreg:$0x2];
	s11 =	stileid.u32  }
0x4: {  	s4 =	simm.s32 $0x0;
	s14 =	simm.s32 $0x2800;
	s15 =	simm.s32 $0x5000  }
0x5: {  	s16 =	simm.s32 $0x3;
	s17 =	simm.s32 $0x2;
	s18 =	simm.s32 $0x1  }
0x6: {  	s19 =	simm.s32 $0x400;
	s20 =	simm.s32 $0xD000;
	s31 =	simm.s32 $0x3C00  }
0x7: {  	s21 =	simm.s32 $0x2000;
	s22 =	simm.s32 $0x4400;
	s23 =	simm.s32 $0x2400  }
0x8: {  	s24 =	simm.s32 $0x4800;
	s25 =	simm.s32 $0x4C00;
	s26 =	simm.s32 $0x0  }
0x9: {  	s1 =	sand.u32 $0x1, s1;
	s5 =	smul.u32 $0xA000, s11;
	[smem:$0x7FF] =	sst s4  }
0xa: {  	s6 =	sshll.u32 s1, $0x4;
	s7 =	smul.u32 $0xA0000, s1;
	_ =	strace $0x8000004A  }
0xb: {  	s1 =	ssub.s32 $0x2, s1;
	s6 =	sor.u32 s11, s6;
	s8 =	sshrl.u32 s5, $0x4  }
0xc: {  	s30 =	sshrl.u32 s1, $0x1;
	s10 =	sshrl.u32 s5, $0x1;
	s6 =	smul.u32 $0x500, s6  }
0xd: {  	s8 =	sadd.s32 s8, s0;
	s7 =	sadd.s32 s5, s7;
	s1 =	ssub.s32 s1, s30  }
0xe: {  	s13 =	sadd.s32 s10, s2;
	s5 =	sshll.u32 s11, $0x6;
	s10 =	sadd.s32 s10, s3  }
0xf: {  	s29 =	sshrl.u32 s7, $0x4;
	s7 =	sor.u32 $0x1C01, s5;
	s12 =	smax.u32 s1, $0x1  }
0x10: {  	s13 =	sshrl.u32 s13, $0x3;
	s1 =	simm.s32 $0x4000;
	s9 =	sadd.s32 s6, s0  }
0x11: {  	s0 =	sadd.s32 s29, s0;
	s6 =	sadd.s32 $0x15E00, s8;
	s8 =	sadd.s32 $0xBE00, s9  }
0x12: {  	v0 =	vimm.bf16 $0.0e+00;
	s9 =	sadd.s32 $0x1E00, s9;
	s11 =	sadd.s32 $0x1FE00, s0;
	s0 =	simm.s32 $0x1C00  }
.LBB2_1:
0x13: {  	[spmem:s13], [sflag:s7] =	dma.local [hbm:s6], $0xA00  }
0x14: {  	[tilespmem:s4], [sflag:$0x2] =	stream.linear.gather [hbm4b:s8+s4], $0x2800, $0x38;
	[tilespmem:$0x1F000] =	vst v63  }
0x15: {  	s28 =	simm.s32 $0x80;
	s29 =	simm.s32 $0x0  }
0x16: {  	[tilespmem:s14], [sflag:$0x2] =	stream.linear.gather [hbm4b:s9+s4], $0x2800, $0x38;
	[tilespmem:$0x1F000] =	vst v63  }
.LBB2_2:
0x17: {  	p0 =	sne.s32 s28, $0x13F80;
	[tilespmem:s29+$0x5000] =	vst v0;
	s30 =	smov.u32 s28;
	s28 =	sadd.s32 $0x80, s28  }
.Ltmp0:
0x18: {  	[tilespmem:s29+$0x5010] =	vst v0;
	(pc) =	sbr.rel @p0 .LBB2_2-.Ltmp0, $2  }
0x19: {  	_ =	sdelay $0x2  }
0x1a: {  	s29 =	sshra.s32 s30, $0x2  }
0x1b: {  	[tilespmem:s29+$0x5000] =	vst v0  }
0x1c: {  	[tilespmem:s29+$0x5010] =	vst v0  }
0x1d: {  	[spmem:s10] =	stream.linear.scatter [tilespmem:s15], [sflag:$0x3], $0x5000, $0x38;
	[tilespmem:$0x1F000] =	vst v63  }
0x1e: {  	_ =	swait.ge [sflag:s16], $0x5000  }
0x1f: {  	[sflag:s16] =	ssyncset.done $0x0  }
0x20: {  	[sflag:s16] =	ssyncadd.s32 $0xFFFFB000  }
0x21: {  	_ =	swait.ge [sflag:s17], $0x2800  }
0x22: {  	[sflag:s17] =	ssyncset.done $0x0  }
0x23: {  	[sflag:s17] =	ssyncadd.s32 $0xFFFFD800  }
0x24: {  	_ =	swait.ge [sflag:s17], $0x2800  }
0x25: {  	[sflag:s17] =	ssyncset.done $0x0  }
0x26: {  	[sflag:s17] =	ssyncadd.s32 $0xFFFFD800  }
0x27: {  	_ =	swait.ge [sflag:s18], $0xA00  }
0x28: {  	[sflag:s18] =	ssyncset.done $0x0  }
0x29: {  	[sflag:s18] =	ssyncadd.s32 $0xFFFFF600  }
0x2a: {  	[bflag:$0x0] =	sbarrier.arrive $0xFFFF  }
0x2b: {  	[tilespmem:s15], [sflag:$0x1] =	stream.indirect.gather [spmem:s2], $0x20, s4, s19, $0xb8;
	[tilespmem:$0x1F000] =	vst v63  }
0x2c: {  	_ = 	snop  }
0x2d: {  	[tilespmem:s20], [sflag:$0x2] =	stream.indirect.gather [spmem:s2], $0x20, s19, s19, $0xb8;
	[tilespmem:$0x1F000] =	vst v63  }
0x2e: {  	_ =	swait.ge [sflag:s18], $0x8000  }
0x2f: {  	[sflag:s18] =	ssyncset.done $0x0  }
0x30: {  	[sflag:s18] =	ssyncadd.s32 $0xFFFF8000  }
0x31: {  	[spmem:s3] =	stream.indirect.scatter.add.bf16 [tilespmem:s15], [sflag:$0x3], $0x20, s14, s19, $0xb8;
	[tilespmem:$0x1F000] =	vst v63  }
0x32: {  	_ =	swait.ge [sflag:s16], $0x8000  }
0x33: {  	[sflag:s16] =	ssyncset.done $0x0  }
0x34: {  	s28 =	simm.s32 $0x800;
	[sflag:s16] =	ssyncadd.s32 $0xFFFF8000  }
0x35: {  	[tilespmem:s15], [sflag:$0x1] =	stream.indirect.gather [spmem:s2], $0x20, s28, s19, $0xb8;
	[tilespmem:$0x1F000] =	vst v63  }
0x36: {  	_ =	swait.ge [sflag:s17], $0x8000  }
0x37: {  	[sflag:s17] =	ssyncset.done $0x0  }
0x38: {  	s30 =	simm.s32 $0x2C00;
	[sflag:s17] =	ssyncadd.s32 $0xFFFF8000  }
0x39: {  	[spmem:s3] =	stream.indirect.scatter.add.bf16 [tilespmem:s20], [sflag:$0x3], $0x20, s30, s19, $0xb8;
	[tilespmem:$0x1F000] =	vst v63  }
0x3a: {  	_ =	swait.ge [sflag:s16], $0x8000  }
0x3b: {  	[sflag:s16] =	ssyncset.done $0x0  }
0x3c: {  	s29 =	simm.s32 $0xC00;
	[sflag:s16] =	ssyncadd.s32 $0xFFFF8000  }
0x3d: {  	[tilespmem:s20], [sflag:$0x2] =	stream.indirect.gather [spmem:s2], $0x20, s29, s19, $0xb8;
	[tilespmem:$0x1F000] =	vst v63  }
0x3e: {  	_ =	swait.ge [sflag:s18], $0x8000  }
0x3f: {  	[sflag:s18] =	ssyncset.done $0x0  }
0x40: {  	s30 =	simm.s32 $0x3000;
	[sflag:s18] =	ssyncadd.s32 $0xFFFF8000  }
0x41: {  	[spmem:s3] =	stream.indirect.scatter.add.bf16 [tilespmem:s15], [sflag:$0x3], $0x20, s30, s19, $0xb8;
	[tilespmem:$0x1F000] =	vst v63  }
0x42: {  	_ =	swait.ge [sflag:s16], $0x8000  }
0x43: {  	[sflag:s16] =	ssyncset.done $0x0  }
0x44: {  	s29 =	simm.s32 $0x1000;
	[sflag:s16] =	ssyncadd.s32 $0xFFFF8000  }
0x45: {  	[tilespmem:s15], [sflag:$0x1] =	stream.indirect.gather [spmem:s2], $0x20, s29, s19, $0xb8;
	[tilespmem:$0x1F000] =	vst v63  }
0x46: {  	_ =	swait.ge [sflag:s17], $0x8000  }
0x47: {  	[sflag:s17] =	ssyncset.done $0x0  }
0x48: {  	s30 =	simm.s32 $0x3400;
	[sflag:s17] =	ssyncadd.s32 $0xFFFF8000  }
0x49: {  	[spmem:s3] =	stream.indirect.scatter.add.bf16 [tilespmem:s20], [sflag:$0x3], $0x20, s30, s19, $0xb8;
	[tilespmem:$0x1F000] =	vst v63  }
0x4a: {  	_ =	swait.ge [sflag:s16], $0x8000  }
0x4b: {  	[sflag:s16] =	ssyncset.done $0x0  }
0x4c: {  	s29 =	simm.s32 $0x1400;
	[sflag:s16] =	ssyncadd.s32 $0xFFFF8000  }
0x4d: {  	[tilespmem:s20], [sflag:$0x2] =	stream.indirect.gather [spmem:s2], $0x20, s29, s19, $0xb8;
	[tilespmem:$0x1F000] =	vst v63  }
0x4e: {  	_ =	swait.ge [sflag:s18], $0x8000  }
0x4f: {  	[sflag:s18] =	ssyncset.done $0x0  }
0x50: {  	s30 =	simm.s32 $0x3800;
	[sflag:s18] =	ssyncadd.s32 $0xFFFF8000  }
0x51: {  	[spmem:s3] =	stream.indirect.scatter.add.bf16 [tilespmem:s15], [sflag:$0x3], $0x20, s30, s19, $0xb8;
	[tilespmem:$0x1F000] =	vst v63  }
0x52: {  	_ =	swait.ge [sflag:s16], $0x8000  }
0x53: {  	[sflag:s16] =	ssyncset.done $0x0  }
0x54: {  	s29 =	simm.s32 $0x1800;
	[sflag:s16] =	ssyncadd.s32 $0xFFFF8000  }
0x55: {  	[tilespmem:s15], [sflag:$0x1] =	stream.indirect.gather [spmem:s2], $0x20, s29, s19, $0xb8;
	[tilespmem:$0x1F000] =	vst v63  }
0x56: {  	_ =	swait.ge [sflag:s17], $0x8000  }
0x57: {  	[sflag:s17] =	ssyncset.done $0x0  }
0x58: {  	[sflag:s17] =	ssyncadd.s32 $0xFFFF8000  }
0x59: {  	[spmem:s3] =	stream.indirect.scatter.add.bf16 [tilespmem:s20], [sflag:$0x3], $0x20, s31, s19, $0xb8;
	[tilespmem:$0x1F000] =	vst v63  }
0x5a: {  	_ =	swait.ge [sflag:s16], $0x8000  }
0x5b: {  	[sflag:s16] =	ssyncset.done $0x0  }
0x5c: {  	[sflag:s16] =	ssyncadd.s32 $0xFFFF8000  }
0x5d: {  	[tilespmem:s20], [sflag:$0x2] =	stream.indirect.gather [spmem:s2], $0x20, s0, s19, $0xb8;
	[tilespmem:$0x1F000] =	vst v63  }
0x5e: {  	_ =	swait.ge [sflag:s18], $0x8000  }
0x5f: {  	[sflag:s18] =	ssyncset.done $0x0  }
0x60: {  	[sflag:s18] =	ssyncadd.s32 $0xFFFF8000  }
0x61: {  	[spmem:s3] =	stream.indirect.scatter.add.bf16 [tilespmem:s15], [sflag:$0x3], $0x20, s1, s19, $0xb8;
	[tilespmem:$0x1F000] =	vst v63  }
0x62: {  	_ =	swait.ge [sflag:s16], $0x8000  }
0x63: {  	[sflag:s16] =	ssyncset.done $0x0  }
0x64: {  	[sflag:s16] =	ssyncadd.s32 $0xFFFF8000  }
0x65: {  	[tilespmem:s15], [sflag:$0x1] =	stream.indirect.gather [spmem:s2], $0x20, s21, s19, $0xb8;
	[tilespmem:$0x1F000] =	vst v63  }
0x66: {  	_ =	swait.ge [sflag:s17], $0x8000  }
0x67: {  	[sflag:s17] =	ssyncset.done $0x0  }
0x68: {  	[sflag:s17] =	ssyncadd.s32 $0xFFFF8000  }
0x69: {  	[spmem:s3] =	stream.indirect.scatter.add.bf16 [tilespmem:s20], [sflag:$0x3], $0x20, s22, s19, $0xb8;
	[tilespmem:$0x1F000] =	vst v63  }
0x6a: {  	_ =	swait.ge [sflag:s16], $0x8000  }
0x6b: {  	[sflag:s16] =	ssyncset.done $0x0  }
0x6c: {  	[sflag:s16] =	ssyncadd.s32 $0xFFFF8000  }
0x6d: {  	[tilespmem:s20], [sflag:$0x2] =	stream.indirect.gather [spmem:s2], $0x20, s23, s19, $0xb8;
	[tilespmem:$0x1F000] =	vst v63  }
0x6e: {  	_ =	swait.ge [sflag:s18], $0x8000  }
0x6f: {  	[sflag:s18] =	ssyncset.done $0x0  }
0x70: {  	[sflag:s18] =	ssyncadd.s32 $0xFFFF8000  }
0x71: {  	[spmem:s3] =	stream.indirect.scatter.add.bf16 [tilespmem:s15], [sflag:$0x3], $0x20, s24, s19, $0xb8;
	[tilespmem:$0x1F000] =	vst v63  }
0x72: {  	_ =	swait.ge [sflag:s16], $0x8000  }
0x73: {  	[sflag:s16] =	ssyncset.done $0x0  }
0x74: {  	[sflag:s16] =	ssyncadd.s32 $0xFFFF8000  }
0x75: {  	_ =	swait.ge [sflag:s17], $0x8000  }
0x76: {  	[sflag:s17] =	ssyncset.done $0x0  }
0x77: {  	[sflag:s17] =	ssyncadd.s32 $0xFFFF8000  }
0x78: {  	[spmem:s3] =	stream.indirect.scatter.add.bf16 [tilespmem:s20], [sflag:$0x3], $0x20, s25, s19, $0xb8;
	[tilespmem:$0x1F000] =	vst v63  }
0x79: {  	_ =	swait.ge [sflag:s16], $0x8000  }
0x7a: {  	s26 =	sadd.s32 $0x1, s26;
	[sflag:s16] =	ssyncset.done $0x0  }
0x7b: {  	p0 =	sne.s32 s26, s12;
	s28 =	sor.u32 $0x1C03, s5;
	[sflag:s16] =	ssyncadd.s32 $0xFFFF8000  }
.Ltmp1:
0x7c: {  	s30 =	sshrl.u32 s10, $0x3;
	[bflag:$0x0] =	sbarrier.arrive $0xFFFF;
	(pc) =	sbr.rel @p0 .LBB2_1-.Ltmp1, $4  }
0x7d: {  	[hbm:s11], [sflag:s28] =	dma.local [spmem:s30], $0xA00  }
0x7e: {  	_ =	swait.ge [sflag:s16], $0xA00  }
0x7f: {  	[sflag:s16] =	ssyncset.done $0x0  }
0x80: {  	[sflag:s16] =	ssyncadd.s32 $0xFFFFF600  }
0x81: {  	_ =	sfence.sel $0x180000  }
0x82: {  	[bflag:$0x0] =	sbarrier.arrive $0xFFFF  }
0x83: {  	_ =	strace $0x9000004A  }
0x84: {  	s0 =	stileid.u32;
	[bflag:$0x2] =	sbarrier.arrive $0xFFFF  }
0x85: {  	p0 =	sne.s32 s0, $0x0;
	s0 =	rddreg [dreg:$0x3]  }
0x86: {  	s0 =	sadd.s32 @!p0 $0x100000, s0  }
0x87: {  	[sflag:s0] =	ssyncadd.tile.s32 @!p0 $0x1;
	_ =	shalt  }
.Lfunc_end2:
_tile_overlayer_lowered:
.L_overlay_start_2:
0x88: {  	(tag) =	ssettag $0x2  }
0x89: {  	s0 =	rddreg [dreg:$0x0];
	s2 =	stileid.u32  }
0x8a: {  	s1 =	rddreg [dreg:$0x1];
	p0 =	sne.s32 s2, $0x0  }
0x8b: {  	s3 =	rddreg [dreg:$0x2];
	[bflag:$0x3] =	sbarrier.arrive $0xFFFF;
	s2 =	simm.s32 @!p0 $0x1C03  }
0x8c: {  	[timem:s3], [sflag:s2] =	dma.local @!p0 [hbm:s0], s1  }
0x8d: {  	s0 =	simm.s32 @!p0 $0x3  }
0x8e: {  	_ =	swait.ge @!p0 [sflag:s0], s1  }
0x8f: {  	s1 =	ssub.s32 @!p0 $0x0, s1;
	[sflag:s0] =	ssyncset.done @!p0 $0x0  }
0x90: {  	[sflag:s0] =	ssyncadd.s32 @!p0 s1  }
0x91: {  	[bflag:$0x3] =	sbarrier.arrive $0xFFFF  }
0x92: {  	_ =	shalt  }

// kernel: kernel.17.cloned.1.call-start
scs
__scs_entry_jumppad:
0x0: {  	(pc) =	sbr.rel $0x88, $3  }
0x1: {  	(tag) =	ssettag $0x0;
	lr =	simm.s32 $0x1  }
0x2: {  	[smem:$0x3F99] =	sst lr;
	_ =	strace $0xD0000000  }
0x3: {  	_ = 	snop  }
0x4: {  	_ = 	snop  }
0x5: {  	_ = 	snop  }
0x6: {  	_ = 	snop  }
0x7: {  	_ = 	snop  }
__scs_overlays_trampoline_lowered:
0x8: {  	[smem:$0x3FA8] =	sst s0  }
0x9: {  	[smem:$0x3FA9] =	sst s1  }
0xa: {  	[smem:$0x3FAA] =	sst s2  }
0xb: {  	[smem:$0x3FAB] =	sst s3  }
0xc: {  	[smem:$0x3FAC] =	sst s4  }
0xd: {  	[smem:$0x3FAD] =	sst s5  }
0xe: {  	[smem:$0x3FAE] =	sst s6  }
0xf: {  	[smem:$0x3FAF] =	sst s7  }
0x10: {  	[smem:$0x3FB0] =	sst s8  }
0x11: {  	[smem:$0x3FB1] =	sst s9;
	s0 =	simm.s32 @!p0 $0x0  }
0x12: {  	s1 =	sld [smem:$0x3F97];
	s0 =	simm.s32 @p0 $0x1  }
0x13: {  	[smem:$0x3FB2] =	sst s0;
	s0 =	simm.s32 @!p1 $0x0  }
0x14: {  	s2 =	sld [smem:$0x3F96];
	s0 =	simm.s32 @p1 $0x1  }
0x15: {  	[smem:$0x3FB3] =	sst s0;
	s0 =	simm.s32 @!p2 $0x0  }
0x16: {  	s3 =	sld [smem:$0x3FDB];
	s0 =	simm.s32 @p2 $0x1  }
0x17: {  	s4 =	simm.s32 $0x1BF5;
	[smem:$0x3FB5] =	sst s0  }
0x18: {  	s0 =	sld [smem:$0x3F98];
	_ =	swait.ge [sflag:s4], $0x0  }
0x19: {  	s7 =	sld [smem:$0x3F99]  }
0x1a: {  	s8 =	sadd.s32 $0xFFFFE003, lr  }
0x1b: {  	s9 =	sadd.s32 $0xFFFFFEF7, lr;
	s5 =	simm.s32 $0xFFFFFFFF;
	p2 =	slt.u32 s8, $0xFFFFF086  }
0x1c: {  	p1 =	slt.u32 s9, $0xF7A;
	s5 =	simm.s32 @!p2 $0x0  }
0x1d: {  	s5 =	simm.s32 @p1 $0x1;
	p0 =	seq.s32 s7, s2  }
0x1e: {  	s7 =	smul.u32 @!p0 $0xF7A, s2;
	p2 =	seq.s32 @!p0 s5, $0x0  }
0x1f: {  	s9 =	smul.u32 $0xF7A, s1;
	s8 =	simm.s32 @!p0 $0x1BF5;
	p2 =	por !p2, p0  }
0x20: {  	[sflag:s8] =	ssyncset.s32 @!p0 $0xFFFFF086;
	s6 =	sadd.s32 @!p0 s3, s7;
	s7 =	simm.s32 @!p0 $0x108  }
0x21: {  	s3 =	sadd.s32 s3, s9;
	s6 =	sadd.s32 @!p0 $0x88, s6;
	s7 =	simm.s32 @p2 $0x1082  }
0x22: {  	[simem:s7], [sflag:s8] =	dma.local @!p0 [hbm:s6], $0xF7A  }
0x23: {  	s9 =	sor.u32 $0xD0000000, s2;
	s6 =	simm.s32 $0x108;
	_ =	swait.ge @!p0 [sflag:s8], $0x0  }
0x24: {  	s3 =	sadd.s32 $0x88, s3;
	s6 =	simm.s32 @!p1 $0x1082;
	[sflag:s4] =	ssyncset.s32 $0xFFFFF086  }
0x25: {  	[simem:s6], [sflag:s4] =	dma.local [hbm:s3], $0xF7A  }
0x26: {  	[smem:$0x3F99] =	sst s1;
	(tag) =	ssettag s2;
	_ =	strace s9  }
0x27: {  	s1 =	sld [smem:$0x3FA9]  }
0x28: {  	s2 =	sld [smem:$0x3FAA]  }
0x29: {  	s4 =	sld [smem:$0x3FAC]  }
0x2a: {  	p0 =	seq.s32 s5, $0x0;
	s5 =	sld [smem:$0x3FAD]  }
0x2b: {  	s6 =	sld [smem:$0x3FAE]  }
0x2c: {  	s7 =	sld [smem:$0x3FAF]  }
0x2d: {  	s3 =	simm.s32 $0x108;
	s8 =	sld [smem:$0x3FB0]  }
0x2e: {  	s3 =	simm.s32 @!p0 $0x1082;
	s9 =	sld [smem:$0x3FB1]  }
0x2f: {  	lr =	sadd.s32 s0, s3;
	s0 =	sld [smem:$0x3FA8]  }
0x30: {  	s3 =	sld [smem:$0x3FAB]  }
0x31: {  	[smem:$0x3FB4] =	sst s10  }
0x32: {  	s10 =	sld [smem:$0x3FB2];
	_ =	sdelay $0x3  }
0x33: {  	p0 =	seq.s32 s10, $0x1;
	s10 =	sld [smem:$0x3FB4];
	_ =	sdelay $0x3  }
0x34: {  	[smem:$0x3FB4] =	sst s10  }
0x35: {  	s10 =	sld [smem:$0x3FB3];
	_ =	sdelay $0x3  }
0x36: {  	p1 =	seq.s32 s10, $0x1;
	s10 =	sld [smem:$0x3FB4];
	_ =	sdelay $0x3  }
0x37: {  	[smem:$0x3FB4] =	sst s10  }
0x38: {  	s10 =	sld [smem:$0x3FB5]  }
0x39: {  	_ = 	snop;
	(pc) =	sbr.ind lr, $3  }
0x3a: {  	_ = 	snop  }
0x3b: {  	_ = 	snop  }
0x3c: {  	p2 =	seq.s32 s10, $0x1;
	s10 =	sld [smem:$0x3FB4]  }
0x3d: {  	_ =	shalt  }
0x3e: {  	_ =	shalt  }
0x3f: {  	_ =	shalt  }
0x40: {  	_ =	shalt  }
0x41: {  	_ =	shalt  }
0x42: {  	_ =	shalt  }
0x43: {  	_ =	shalt  }
0x44: {  	_ =	shalt  }
0x45: {  	_ =	shalt  }
0x46: {  	_ =	shalt  }
0x47: {  	_ =	shalt  }
0x48: {  	_ =	shalt  }
0x49: {  	_ =	shalt  }
0x4a: {  	_ =	shalt  }
0x4b: {  	_ =	shalt  }
0x4c: {  	_ =	shalt  }
0x4d: {  	_ =	shalt  }
0x4e: {  	_ =	shalt  }
0x4f: {  	_ =	shalt  }
0x50: {  	_ =	shalt  }
0x51: {  	_ =	shalt  }
0x52: {  	_ =	shalt  }
0x53: {  	_ =	shalt  }
0x54: {  	_ =	shalt  }
0x55: {  	_ =	shalt  }
0x56: {  	_ =	shalt  }
0x57: {  	_ =	shalt  }
0x58: {  	_ =	shalt  }
0x59: {  	_ =	shalt  }
0x5a: {  	_ =	shalt  }
0x5b: {  	_ =	shalt  }
0x5c: {  	_ =	shalt  }
0x5d: {  	_ =	shalt  }
0x5e: {  	_ =	shalt  }
0x5f: {  	_ =	shalt  }
0x60: {  	_ =	shalt  }
0x61: {  	_ =	shalt  }
0x62: {  	_ =	shalt  }
0x63: {  	_ =	shalt  }
0x64: {  	_ =	shalt  }
0x65: {  	_ =	shalt  }
0x66: {  	_ =	shalt  }
0x67: {  	_ =	shalt  }
0x68: {  	_ =	shalt  }
0x69: {  	_ =	shalt  }
0x6a: {  	_ =	shalt  }
0x6b: {  	_ =	shalt  }
0x6c: {  	_ =	shalt  }
0x6d: {  	_ =	shalt  }
0x6e: {  	_ =	shalt  }
0x6f: {  	_ =	shalt  }
0x70: {  	_ =	shalt  }
0x71: {  	_ =	shalt  }
0x72: {  	_ =	shalt  }
0x73: {  	_ =	shalt  }
0x74: {  	_ =	shalt  }
0x75: {  	_ =	shalt  }
0x76: {  	_ =	shalt  }
0x77: {  	_ =	shalt  }
0x78: {  	_ =	shalt  }
0x79: {  	_ =	shalt  }
0x7a: {  	_ =	shalt  }
0x7b: {  	_ =	shalt  }
0x7c: {  	_ =	shalt  }
0x7d: {  	_ =	shalt  }
0x7e: {  	_ =	shalt  }
0x7f: {  	_ =	shalt  }
0x80: {  	_ =	shalt  }
0x81: {  	_ =	shalt  }
0x82: {  	_ =	shalt  }
0x83: {  	_ =	shalt  }
0x84: {  	_ =	shalt  }
0x85: {  	_ =	shalt  }
0x86: {  	_ =	shalt  }
0x87: {  	_ =	shalt  }
.Lfunc_end0:
.L_simem_size_0:
called_computation.2_lowered:
.L_overlay_start_0:
0x88: {  	s2 =	sld [smem:$0x3FD9]  }
0x89: {  	s3 =	sld [smem:$0x3FFE];
	_ =	sdelay $0x1  }
0x8a: {  	s1 =	srdreg.scid  }
0x8b: {  	s0 =	sand.u32 $0x1, s1  }
0x8c: {  	s16 =	sshll.u32 s0, $0xA;
	s2 =	sadd.s32 s3, s2  }
0x8d: {  	s2 =	sadd.s32 s2, s16  }
0x8e: {  	[smem:$0x3FC0] =	sst s2  }
0x8f: {  	_ = 	snop  }
0x90: {  	(tm) =	ssettm $0x1  }
0x91: {  	s17 =	sld [smem:$0x3FFB];
	_ =	sdelay $0x3  }
0x92: {  	_ =	strace s17  }
0x93: {  	s2 =	sld [smem:$0x3FFC];
	_ =	sdelay $0x3  }
0x94: {  	_ =	strace s2  }
0x95: {  	s2 =	sld [smem:$0x3FFD];
	_ =	sdelay $0x3  }
0x96: {  	_ =	strace s2  }
0x97: {  	_ =	strace $0x8FFFFFFF  }
0x98: {  	s18 =	sld [smem:$0x3FDB];
	_ =	sdelay $0x1  }
0x99: {  	s19 =	simm.s32 $_scs_section_size  }
0x9a: {  	s4 =	simm.s32 $_size__tile_overlayer_lowered;
	s5 =	simm.s32 $_tile_overlayer_lowered  }
0x9b: {  	s22 =	simm.s32 $0x1BFF;
	s21 =	sshll.u32 s5, $0x1;
	s2 =	sadd.s32 s19, s18  }
0x9c: {  	s6 =	simm.s32 $0x0;
	s20 =	sshll.u32 s4, $0x1;
	s4 =	sadd.s32 s21, s2  }
0x9d: {  	[timem:s6], [sflag:s22] =	dma.local [hbm:s4], s20  }
0x9e: {  	_ =	swait.ge [sflag:s22], s20  }
0x9f: {  	s3 =	ssub.s32 $0x0, s20;
	[sflag:s22] =	ssyncset.done $0x0  }
0xa0: {  	[sflag:s22] =	ssyncadd.s32 s3;
	_ =	sdelay $0x1  }
0xa1: {  	s23 =	simm.s32 $0x1B8B  }
0xa2: {  	_ =	swait.ge [sflag:s23], $0x1  }
0xa3: {  	[sflag:s23] =	ssyncset.done $0x0  }
0xa4: {  	s25 =	simm.s32 $0x1B8E;
	s24 =	sld [smem:$0x3FFE];
	[sflag:s23] =	ssyncadd.s32 $0xFFFFFFFF  }
0xa5: {  	s26 =	simm.s32 $execute0_lowered;
	[smem:$0x3FD2] =	sst s25  }
0xa6: {  	s4 =	sshll.u32 s26, $0x1;
	_ =	strace $0x8000004C;
	[dreg:$0x1] =	wrdreg $0xFFFFFFFF  }
0xa7: {  	s28 =	simm.s32 $_size_execute0_lowered;
	s2 =	sadd.s32 s2, s4;
	[dreg:$0x0] =	wrdreg $0x0  }
0xa8: {  	s4 =	sshll.u32 s28, $0x1;
	[dreg:$0x2] =	wrdreg s2  }
0xa9: {  	[dreg:$0x3] =	wrdreg s4  }
0xaa: {  	[dreg:$0x4] =	wrdreg $0xC0  }
0xab: {  	_ =	task [dreg:s6], $0x5FFFF  }
0xac: {  	[dreg:$0x1] =	wrdreg $0xFFFFFFFF  }
0xad: {  	[dreg:$0x0] =	wrdreg $0x60  }
0xae: {  	[dreg:$0x2] =	wrdreg s24  }
0xaf: {  	[dreg:$0x3] =	wrdreg $0x150000  }
0xb0: {  	[dreg:$0x4] =	wrdreg $0x1A0000  }
0xb1: {  	[dreg:$0x5] =	wrdreg $0x9  }
0xb2: {  	_ =	task.clear_ibuf [dreg:s6], $0x6FFFF;
	_ =	strace $0x9000004C  }
0xb3: {  	s29 =	simm.s32 $0x9;
	_ =	strace $0x8000004E  }
0xb4: {  	_ =	swait.ge [sflag:s29], $0x1  }
0xb5: {  	[sflag:s29] =	ssyncadd.s32 $0xFFFFFFFF  }
0xb6: {  	_ =	strace $0x9000004E  }
0xb7: {  	_ =	sfence  }
0xb8: {  	s30 =	sld [smem:$0x0];
	_ =	sdelay $0x2  }
0xb9: {  	s31 =	sshll.u32 s1, $0xD;
	s1 =	sshrl.u32 s1, $0x2  }
0xba: {  	s3 =	sand.u32 $0x4000, s31;
	s1 =	sadd.s32 s1, s30  }
0xbb: {  	s0 =	sor.u32 s3, s0;
	s1 =	sshll.u32 s1, $0x11  }
0xbc: {  	s0 =	sor.u32 s1, s0  }
0xbd: {  	s0 =	sadd.s32 $0x8F2B, s0  }
0xbe: {  	[sflag:s0] =	ssyncadd.remote.s32 $0x1  }
0xbf: {  	_ =	sfence.sel $0xFFFF  }
0xc0: {  	[dreg:$0x0] =	wrdreg $0xFFFFFFFF;
	(pc) =	sbr.abs _section_cstart, $3  }
0xc1: {  	[dreg:$0x1] =	wrdreg $0xFFFFFFFF  }
0xc2: {  	_ =	task.clear_ibuf [dreg:s6], $0x2FFFF;
	_ =	strace $0x9FFFFFFF  }
0xc3: {  	(tm) =	ssettm $0x7FFFFFFF  }
tec
execute0_lowered:
.L_overlay_start_1:
0x0: {  	(tag) =	ssettag $0x1  }
0x1: {  	s0 =	rddreg [dreg:$0x0]  }
0x2: {  	s2 =	rddreg [dreg:$0x1];
	s1 =	srdreg.scid  }
0x3: {  	s3 =	rddreg [dreg:$0x2];
	s11 =	stileid.u32  }
0x4: {  	s4 =	simm.s32 $0x0;
	s14 =	simm.s32 $0x2800;
	s15 =	simm.s32 $0x5000  }
0x5: {  	s16 =	simm.s32 $0x3;
	s17 =	simm.s32 $0x2;
	s18 =	simm.s32 $0x1  }
0x6: {  	s19 =	simm.s32 $0x400;
	s20 =	simm.s32 $0xD000;
	s31 =	simm.s32 $0x3C00  }
0x7: {  	s21 =	simm.s32 $0x2000;
	s22 =	simm.s32 $0x4400;
	s23 =	simm.s32 $0x2400  }
0x8: {  	s24 =	simm.s32 $0x4800;
	s25 =	simm.s32 $0x4C00;
	s26 =	simm.s32 $0x0  }
0x9: {  	s1 =	sand.u32 $0x1, s1;
	s5 =	smul.u32 $0xA000, s11;
	[smem:$0x7FF] =	sst s4  }
0xa: {  	s6 =	sshll.u32 s1, $0x4;
	s7 =	smul.u32 $0xA0000, s1;
	_ =	strace $0x8000004D  }
0xb: {  	s1 =	ssub.s32 $0x2, s1;
	s6 =	sor.u32 s11, s6;
	s8 =	sshrl.u32 s5, $0x4  }
0xc: {  	s30 =	sshrl.u32 s1, $0x1;
	s10 =	sshrl.u32 s5, $0x1;
	s6 =	smul.u32 $0x500, s6  }
0xd: {  	s8 =	sadd.s32 s8, s0;
	s7 =	sadd.s32 s5, s7;
	s1 =	ssub.s32 s1, s30  }
0xe: {  	s13 =	sadd.s32 s10, s2;
	s5 =	sshll.u32 s11, $0x6;
	s10 =	sadd.s32 s10, s3  }
0xf: {  	s29 =	sshrl.u32 s7, $0x4;
	s7 =	sor.u32 $0x1C01, s5;
	s12 =	smax.u32 s1, $0x1  }
0x10: {  	s13 =	sshrl.u32 s13, $0x3;
	s1 =	simm.s32 $0x4000;
	s9 =	sadd.s32 s6, s0  }
0x11: {  	s0 =	sadd.s32 s29, s0;
	s6 =	sadd.s32 $0x15E00, s8;
	s8 =	sadd.s32 $0xBE00, s9  }
0x12: {  	v0 =	vimm.bf16 $0.0e+00;
	s9 =	sadd.s32 $0x1E00, s9;
	s11 =	sadd.s32 $0x1FE00, s0;
	s0 =	simm.s32 $0x1C00  }
.LBB2_1:
0x13: {  	[spmem:s13], [sflag:s7] =	dma.local [hbm:s6], $0xA00  }
0x14: {  	[tilespmem:s4], [sflag:$0x2] =	stream.linear.gather [hbm4b:s8+s4], $0x2800, $0x38;
	[tilespmem:$0x1F000] =	vst v63  }
0x15: {  	s28 =	simm.s32 $0x80;
	s29 =	simm.s32 $0x0  }
0x16: {  	[tilespmem:s14], [sflag:$0x2] =	stream.linear.gather [hbm4b:s9+s4], $0x2800, $0x38;
	[tilespmem:$0x1F000] =	vst v63  }
.LBB2_2:
0x17: {  	p0 =	sne.s32 s28, $0x13F80;
	[tilespmem:s29+$0x5000] =	vst v0;
	s30 =	smov.u32 s28;
	s28 =	sadd.s32 $0x80, s28  }
.Ltmp0:
0x18: {  	[tilespmem:s29+$0x5010] =	vst v0;
	(pc) =	sbr.rel @p0 .LBB2_2-.Ltmp0, $2  }
0x19: {  	_ =	sdelay $0x2  }
0x1a: {  	s29 =	sshra.s32 s30, $0x2  }
0x1b: {  	[tilespmem:s29+$0x5000] =	vst v0  }
0x1c: {  	[tilespmem:s29+$0x5010] =	vst v0  }
0x1d: {  	[spmem:s10] =	stream.linear.scatter [tilespmem:s15], [sflag:$0x3], $0x5000, $0x38;
	[tilespmem:$0x1F000] =	vst v63  }
0x1e: {  	_ =	swait.ge [sflag:s16], $0x5000  }
0x1f: {  	[sflag:s16] =	ssyncset.done $0x0  }
0x20: {  	[sflag:s16] =	ssyncadd.s32 $0xFFFFB000  }
0x21: {  	_ =	swait.ge [sflag:s17], $0x2800  }
0x22: {  	[sflag:s17] =	ssyncset.done $0x0  }
0x23: {  	[sflag:s17] =	ssyncadd.s32 $0xFFFFD800  }
0x24: {  	_ =	swait.ge [sflag:s17], $0x2800  }
0x25: {  	[sflag:s17] =	ssyncset.done $0x0  }
0x26: {  	[sflag:s17] =	ssyncadd.s32 $0xFFFFD800  }
0x27: {  	_ =	swait.ge [sflag:s18], $0xA00  }
0x28: {  	[sflag:s18] =	ssyncset.done $0x0  }
0x29: {  	[sflag:s18] =	ssyncadd.s32 $0xFFFFF600  }
0x2a: {  	[bflag:$0x0] =	sbarrier.arrive $0xFFFF  }
0x2b: {  	[tilespmem:s15], [sflag:$0x1] =	stream.indirect.gather [spmem:s2], $0x20, s4, s19, $0xb8;
	[tilespmem:$0x1F000] =	vst v63  }
0x2c: {  	_ = 	snop  }
0x2d: {  	[tilespmem:s20], [sflag:$0x2] =	stream.indirect.gather [spmem:s2], $0x20, s19, s19, $0xb8;
	[tilespmem:$0x1F000] =	vst v63  }
0x2e: {  	_ =	swait.ge [sflag:s18], $0x8000  }
0x2f: {  	[sflag:s18] =	ssyncset.done $0x0  }
0x30: {  	[sflag:s18] =	ssyncadd.s32 $0xFFFF8000  }
0x31: {  	[spmem:s3] =	stream.indirect.scatter.add.bf16 [tilespmem:s15], [sflag:$0x3], $0x20, s14, s19, $0xb8;
	[tilespmem:$0x1F000] =	vst v63  }
0x32: {  	_ =	swait.ge [sflag:s16], $0x8000  }
0x33: {  	[sflag:s16] =	ssyncset.done $0x0  }
0x34: {  	s28 =	simm.s32 $0x800;
	[sflag:s16] =	ssyncadd.s32 $0xFFFF8000  }
0x35: {  	[tilespmem:s15], [sflag:$0x1] =	stream.indirect.gather [spmem:s2], $0x20, s28, s19, $0xb8;
	[tilespmem:$0x1F000] =	vst v63  }
0x36: {  	_ =	swait.ge [sflag:s17], $0x8000  }
0x37: {  	[sflag:s17] =	ssyncset.done $0x0  }
0x38: {  	s30 =	simm.s32 $0x2C00;
	[sflag:s17] =	ssyncadd.s32 $0xFFFF8000  }
0x39: {  	[spmem:s3] =	stream.indirect.scatter.add.bf16 [tilespmem:s20], [sflag:$0x3], $0x20, s30, s19, $0xb8;
	[tilespmem:$0x1F000] =	vst v63  }
0x3a: {  	_ =	swait.ge [sflag:s16], $0x8000  }
0x3b: {  	[sflag:s16] =	ssyncset.done $0x0  }
0x3c: {  	s29 =	simm.s32 $0xC00;
	[sflag:s16] =	ssyncadd.s32 $0xFFFF8000  }
0x3d: {  	[tilespmem:s20], [sflag:$0x2] =	stream.indirect.gather [spmem:s2], $0x20, s29, s19, $0xb8;
	[tilespmem:$0x1F000] =	vst v63  }
0x3e: {  	_ =	swait.ge [sflag:s18], $0x8000  }
0x3f: {  	[sflag:s18] =	ssyncset.done $0x0  }
0x40: {  	s30 =	simm.s32 $0x3000;
	[sflag:s18] =	ssyncadd.s32 $0xFFFF8000  }
0x41: {  	[spmem:s3] =	stream.indirect.scatter.add.bf16 [tilespmem:s15], [sflag:$0x3], $0x20, s30, s19, $0xb8;
	[tilespmem:$0x1F000] =	vst v63  }
0x42: {  	_ =	swait.ge [sflag:s16], $0x8000  }
0x43: {  	[sflag:s16] =	ssyncset.done $0x0  }
0x44: {  	s29 =	simm.s32 $0x1000;
	[sflag:s16] =	ssyncadd.s32 $0xFFFF8000  }
0x45: {  	[tilespmem:s15], [sflag:$0x1] =	stream.indirect.gather [spmem:s2], $0x20, s29, s19, $0xb8;
	[tilespmem:$0x1F000] =	vst v63  }
0x46: {  	_ =	swait.ge [sflag:s17], $0x8000  }
0x47: {  	[sflag:s17] =	ssyncset.done $0x0  }
0x48: {  	s30 =	simm.s32 $0x3400;
	[sflag:s17] =	ssyncadd.s32 $0xFFFF8000  }
0x49: {  	[spmem:s3] =	stream.indirect.scatter.add.bf16 [tilespmem:s20], [sflag:$0x3], $0x20, s30, s19, $0xb8;
	[tilespmem:$0x1F000] =	vst v63  }
0x4a: {  	_ =	swait.ge [sflag:s16], $0x8000  }
0x4b: {  	[sflag:s16] =	ssyncset.done $0x0  }
0x4c: {  	s29 =	simm.s32 $0x1400;
	[sflag:s16] =	ssyncadd.s32 $0xFFFF8000  }
0x4d: {  	[tilespmem:s20], [sflag:$0x2] =	stream.indirect.gather [spmem:s2], $0x20, s29, s19, $0xb8;
	[tilespmem:$0x1F000] =	vst v63  }
0x4e: {  	_ =	swait.ge [sflag:s18], $0x8000  }
0x4f: {  	[sflag:s18] =	ssyncset.done $0x0  }
0x50: {  	s30 =	simm.s32 $0x3800;
	[sflag:s18] =	ssyncadd.s32 $0xFFFF8000  }
0x51: {  	[spmem:s3] =	stream.indirect.scatter.add.bf16 [tilespmem:s15], [sflag:$0x3], $0x20, s30, s19, $0xb8;
	[tilespmem:$0x1F000] =	vst v63  }
0x52: {  	_ =	swait.ge [sflag:s16], $0x8000  }
0x53: {  	[sflag:s16] =	ssyncset.done $0x0  }
0x54: {  	s29 =	simm.s32 $0x1800;
	[sflag:s16] =	ssyncadd.s32 $0xFFFF8000  }
0x55: {  	[tilespmem:s15], [sflag:$0x1] =	stream.indirect.gather [spmem:s2], $0x20, s29, s19, $0xb8;
	[tilespmem:$0x1F000] =	vst v63  }
0x56: {  	_ =	swait.ge [sflag:s17], $0x8000  }
0x57: {  	[sflag:s17] =	ssyncset.done $0x0  }
0x58: {  	[sflag:s17] =	ssyncadd.s32 $0xFFFF8000  }
0x59: {  	[spmem:s3] =	stream.indirect.scatter.add.bf16 [tilespmem:s20], [sflag:$0x3], $0x20, s31, s19, $0xb8;
	[tilespmem:$0x1F000] =	vst v63  }
0x5a: {  	_ =	swait.ge [sflag:s16], $0x8000  }
0x5b: {  	[sflag:s16] =	ssyncset.done $0x0  }
0x5c: {  	[sflag:s16] =	ssyncadd.s32 $0xFFFF8000  }
0x5d: {  	[tilespmem:s20], [sflag:$0x2] =	stream.indirect.gather [spmem:s2], $0x20, s0, s19, $0xb8;
	[tilespmem:$0x1F000] =	vst v63  }
0x5e: {  	_ =	swait.ge [sflag:s18], $0x8000  }
0x5f: {  	[sflag:s18] =	ssyncset.done $0x0  }
0x60: {  	[sflag:s18] =	ssyncadd.s32 $0xFFFF8000  }
0x61: {  	[spmem:s3] =	stream.indirect.scatter.add.bf16 [tilespmem:s15], [sflag:$0x3], $0x20, s1, s19, $0xb8;
	[tilespmem:$0x1F000] =	vst v63  }
0x62: {  	_ =	swait.ge [sflag:s16], $0x8000  }
0x63: {  	[sflag:s16] =	ssyncset.done $0x0  }
0x64: {  	[sflag:s16] =	ssyncadd.s32 $0xFFFF8000  }
0x65: {  	[tilespmem:s15], [sflag:$0x1] =	stream.indirect.gather [spmem:s2], $0x20, s21, s19, $0xb8;
	[tilespmem:$0x1F000] =	vst v63  }
0x66: {  	_ =	swait.ge [sflag:s17], $0x8000  }
0x67: {  	[sflag:s17] =	ssyncset.done $0x0  }
0x68: {  	[sflag:s17] =	ssyncadd.s32 $0xFFFF8000  }
0x69: {  	[spmem:s3] =	stream.indirect.scatter.add.bf16 [tilespmem:s20], [sflag:$0x3], $0x20, s22, s19, $0xb8;
	[tilespmem:$0x1F000] =	vst v63  }
0x6a: {  	_ =	swait.ge [sflag:s16], $0x8000  }
0x6b: {  	[sflag:s16] =	ssyncset.done $0x0  }
0x6c: {  	[sflag:s16] =	ssyncadd.s32 $0xFFFF8000  }
0x6d: {  	[tilespmem:s20], [sflag:$0x2] =	stream.indirect.gather [spmem:s2], $0x20, s23, s19, $0xb8;
	[tilespmem:$0x1F000] =	vst v63  }
0x6e: {  	_ =	swait.ge [sflag:s18], $0x8000  }
0x6f: {  	[sflag:s18] =	ssyncset.done $0x0  }
0x70: {  	[sflag:s18] =	ssyncadd.s32 $0xFFFF8000  }
0x71: {  	[spmem:s3] =	stream.indirect.scatter.add.bf16 [tilespmem:s15], [sflag:$0x3], $0x20, s24, s19, $0xb8;
	[tilespmem:$0x1F000] =	vst v63  }
0x72: {  	_ =	swait.ge [sflag:s16], $0x8000  }
0x73: {  	[sflag:s16] =	ssyncset.done $0x0  }
0x74: {  	[sflag:s16] =	ssyncadd.s32 $0xFFFF8000  }
0x75: {  	_ =	swait.ge [sflag:s17], $0x8000  }
0x76: {  	[sflag:s17] =	ssyncset.done $0x0  }
0x77: {  	[sflag:s17] =	ssyncadd.s32 $0xFFFF8000  }
0x78: {  	[spmem:s3] =	stream.indirect.scatter.add.bf16 [tilespmem:s20], [sflag:$0x3], $0x20, s25, s19, $0xb8;
	[tilespmem:$0x1F000] =	vst v63  }
0x79: {  	_ =	swait.ge [sflag:s16], $0x8000  }
0x7a: {  	s26 =	sadd.s32 $0x1, s26;
	[sflag:s16] =	ssyncset.done $0x0  }
0x7b: {  	p0 =	sne.s32 s26, s12;
	s28 =	sor.u32 $0x1C03, s5;
	[sflag:s16] =	ssyncadd.s32 $0xFFFF8000  }
.Ltmp1:
0x7c: {  	s30 =	sshrl.u32 s10, $0x3;
	[bflag:$0x0] =	sbarrier.arrive $0xFFFF;
	(pc) =	sbr.rel @p0 .LBB2_1-.Ltmp1, $4  }
0x7d: {  	[hbm:s11], [sflag:s28] =	dma.local [spmem:s30], $0xA00  }
0x7e: {  	_ =	swait.ge [sflag:s16], $0xA00  }
0x7f: {  	[sflag:s16] =	ssyncset.done $0x0  }
0x80: {  	[sflag:s16] =	ssyncadd.s32 $0xFFFFF600  }
0x81: {  	_ =	sfence.sel $0x180000  }
0x82: {  	[bflag:$0x0] =	sbarrier.arrive $0xFFFF  }
0x83: {  	_ =	strace $0x9000004D  }
0x84: {  	s0 =	stileid.u32;
	[bflag:$0x2] =	sbarrier.arrive $0xFFFF  }
0x85: {  	p0 =	sne.s32 s0, $0x0;
	s0 =	rddreg [dreg:$0x3]  }
0x86: {  	s0 =	sadd.s32 @!p0 $0x100000, s0  }
0x87: {  	[sflag:s0] =	ssyncadd.tile.s32 @!p0 $0x1;
	_ =	shalt  }
.Lfunc_end2:
_tile_overlayer_lowered:
.L_overlay_start_2:
0x88: {  	(tag) =	ssettag $0x2  }
0x89: {  	s0 =	rddreg [dreg:$0x0];
	s2 =	stileid.u32  }
0x8a: {  	s1 =	rddreg [dreg:$0x1];
	p0 =	sne.s32 s2, $0x0  }
0x8b: {  	s3 =	rddreg [dreg:$0x2];
	[bflag:$0x3] =	sbarrier.arrive $0xFFFF;
	s2 =	simm.s32 @!p0 $0x1C03  }
0x8c: {  	[timem:s3], [sflag:s2] =	dma.local @!p0 [hbm:s0], s1  }
0x8d: {  	s0 =	simm.s32 @!p0 $0x3  }
0x8e: {  	_ =	swait.ge @!p0 [sflag:s0], s1  }
0x8f: {  	s1 =	ssub.s32 @!p0 $0x0, s1;
	[sflag:s0] =	ssyncset.done @!p0 $0x0  }
0x90: {  	[sflag:s0] =	ssyncadd.s32 @!p0 s1  }
0x91: {  	[bflag:$0x3] =	sbarrier.arrive $0xFFFF  }
0x92: {  	_ =	shalt  }

// kernel: kernel.20.cloned.1.call-start
scs
__scs_entry_jumppad:
0x0: {  	(pc) =	sbr.rel $0x88, $3  }
0x1: {  	(tag) =	ssettag $0x0;
	lr =	simm.s32 $0x1  }
0x2: {  	[smem:$0x3F99] =	sst lr;
	_ =	strace $0xD0000000  }
0x3: {  	_ = 	snop  }
0x4: {  	_ = 	snop  }
0x5: {  	_ = 	snop  }
0x6: {  	_ = 	snop  }
0x7: {  	_ = 	snop  }
__scs_overlays_trampoline_lowered:
0x8: {  	[smem:$0x3FA8] =	sst s0  }
0x9: {  	[smem:$0x3FA9] =	sst s1  }
0xa: {  	[smem:$0x3FAA] =	sst s2  }
0xb: {  	[smem:$0x3FAB] =	sst s3  }
0xc: {  	[smem:$0x3FAC] =	sst s4  }
0xd: {  	[smem:$0x3FAD] =	sst s5  }
0xe: {  	[smem:$0x3FAE] =	sst s6  }
0xf: {  	[smem:$0x3FAF] =	sst s7  }
0x10: {  	[smem:$0x3FB0] =	sst s8  }
0x11: {  	[smem:$0x3FB1] =	sst s9;
	s0 =	simm.s32 @!p0 $0x0  }
0x12: {  	s1 =	sld [smem:$0x3F97];
	s0 =	simm.s32 @p0 $0x1  }
0x13: {  	[smem:$0x3FB2] =	sst s0;
	s0 =	simm.s32 @!p1 $0x0  }
0x14: {  	s2 =	sld [smem:$0x3F96];
	s0 =	simm.s32 @p1 $0x1  }
0x15: {  	[smem:$0x3FB3] =	sst s0;
	s0 =	simm.s32 @!p2 $0x0  }
0x16: {  	s3 =	sld [smem:$0x3FDB];
	s0 =	simm.s32 @p2 $0x1  }
0x17: {  	s4 =	simm.s32 $0x1BF5;
	[smem:$0x3FB5] =	sst s0  }
0x18: {  	s0 =	sld [smem:$0x3F98];
	_ =	swait.ge [sflag:s4], $0x0  }
0x19: {  	s7 =	sld [smem:$0x3F99]  }
0x1a: {  	s8 =	sadd.s32 $0xFFFFE003, lr  }
0x1b: {  	s9 =	sadd.s32 $0xFFFFFEF7, lr;
	s5 =	simm.s32 $0xFFFFFFFF;
	p2 =	slt.u32 s8, $0xFFFFF086  }
0x1c: {  	p1 =	slt.u32 s9, $0xF7A;
	s5 =	simm.s32 @!p2 $0x0  }
0x1d: {  	s5 =	simm.s32 @p1 $0x1;
	p0 =	seq.s32 s7, s2  }
0x1e: {  	s7 =	smul.u32 @!p0 $0xF7A, s2;
	p2 =	seq.s32 @!p0 s5, $0x0  }
0x1f: {  	s9 =	smul.u32 $0xF7A, s1;
	s8 =	simm.s32 @!p0 $0x1BF5;
	p2 =	por !p2, p0  }
0x20: {  	[sflag:s8] =	ssyncset.s32 @!p0 $0xFFFFF086;
	s6 =	sadd.s32 @!p0 s3, s7;
	s7 =	simm.s32 @!p0 $0x108  }
0x21: {  	s3 =	sadd.s32 s3, s9;
	s6 =	sadd.s32 @!p0 $0x88, s6;
	s7 =	simm.s32 @p2 $0x1082  }
0x22: {  	[simem:s7], [sflag:s8] =	dma.local @!p0 [hbm:s6], $0xF7A  }
0x23: {  	s9 =	sor.u32 $0xD0000000, s2;
	s6 =	simm.s32 $0x108;
	_ =	swait.ge @!p0 [sflag:s8], $0x0  }
0x24: {  	s3 =	sadd.s32 $0x88, s3;
	s6 =	simm.s32 @!p1 $0x1082;
	[sflag:s4] =	ssyncset.s32 $0xFFFFF086  }
0x25: {  	[simem:s6], [sflag:s4] =	dma.local [hbm:s3], $0xF7A  }
0x26: {  	[smem:$0x3F99] =	sst s1;
	(tag) =	ssettag s2;
	_ =	strace s9  }
0x27: {  	s1 =	sld [smem:$0x3FA9]  }
0x28: {  	s2 =	sld [smem:$0x3FAA]  }
0x29: {  	s4 =	sld [smem:$0x3FAC]  }
0x2a: {  	p0 =	seq.s32 s5, $0x0;
	s5 =	sld [smem:$0x3FAD]  }
0x2b: {  	s6 =	sld [smem:$0x3FAE]  }
0x2c: {  	s7 =	sld [smem:$0x3FAF]  }
0x2d: {  	s3 =	simm.s32 $0x108;
	s8 =	sld [smem:$0x3FB0]  }
0x2e: {  	s3 =	simm.s32 @!p0 $0x1082;
	s9 =	sld [smem:$0x3FB1]  }
0x2f: {  	lr =	sadd.s32 s0, s3;
	s0 =	sld [smem:$0x3FA8]  }
0x30: {  	s3 =	sld [smem:$0x3FAB]  }
0x31: {  	[smem:$0x3FB4] =	sst s10  }
0x32: {  	s10 =	sld [smem:$0x3FB2];
	_ =	sdelay $0x3  }
0x33: {  	p0 =	seq.s32 s10, $0x1;
	s10 =	sld [smem:$0x3FB4];
	_ =	sdelay $0x3  }
0x34: {  	[smem:$0x3FB4] =	sst s10  }
0x35: {  	s10 =	sld [smem:$0x3FB3];
	_ =	sdelay $0x3  }
0x36: {  	p1 =	seq.s32 s10, $0x1;
	s10 =	sld [smem:$0x3FB4];
	_ =	sdelay $0x3  }
0x37: {  	[smem:$0x3FB4] =	sst s10  }
0x38: {  	s10 =	sld [smem:$0x3FB5]  }
0x39: {  	_ = 	snop;
	(pc) =	sbr.ind lr, $3  }
0x3a: {  	_ = 	snop  }
0x3b: {  	_ = 	snop  }
0x3c: {  	p2 =	seq.s32 s10, $0x1;
	s10 =	sld [smem:$0x3FB4]  }
0x3d: {  	_ =	shalt  }
0x3e: {  	_ =	shalt  }
0x3f: {  	_ =	shalt  }
0x40: {  	_ =	shalt  }
0x41: {  	_ =	shalt  }
0x42: {  	_ =	shalt  }
0x43: {  	_ =	shalt  }
0x44: {  	_ =	shalt  }
0x45: {  	_ =	shalt  }
0x46: {  	_ =	shalt  }
0x47: {  	_ =	shalt  }
0x48: {  	_ =	shalt  }
0x49: {  	_ =	shalt  }
0x4a: {  	_ =	shalt  }
0x4b: {  	_ =	shalt  }
0x4c: {  	_ =	shalt  }
0x4d: {  	_ =	shalt  }
0x4e: {  	_ =	shalt  }
0x4f: {  	_ =	shalt  }
0x50: {  	_ =	shalt  }
0x51: {  	_ =	shalt  }
0x52: {  	_ =	shalt  }
0x53: {  	_ =	shalt  }
0x54: {  	_ =	shalt  }
0x55: {  	_ =	shalt  }
0x56: {  	_ =	shalt  }
0x57: {  	_ =	shalt  }
0x58: {  	_ =	shalt  }
0x59: {  	_ =	shalt  }
0x5a: {  	_ =	shalt  }
0x5b: {  	_ =	shalt  }
0x5c: {  	_ =	shalt  }
0x5d: {  	_ =	shalt  }
0x5e: {  	_ =	shalt  }
0x5f: {  	_ =	shalt  }
0x60: {  	_ =	shalt  }
0x61: {  	_ =	shalt  }
0x62: {  	_ =	shalt  }
0x63: {  	_ =	shalt  }
0x64: {  	_ =	shalt  }
0x65: {  	_ =	shalt  }
0x66: {  	_ =	shalt  }
0x67: {  	_ =	shalt  }
0x68: {  	_ =	shalt  }
0x69: {  	_ =	shalt  }
0x6a: {  	_ =	shalt  }
0x6b: {  	_ =	shalt  }
0x6c: {  	_ =	shalt  }
0x6d: {  	_ =	shalt  }
0x6e: {  	_ =	shalt  }
0x6f: {  	_ =	shalt  }
0x70: {  	_ =	shalt  }
0x71: {  	_ =	shalt  }
0x72: {  	_ =	shalt  }
0x73: {  	_ =	shalt  }
0x74: {  	_ =	shalt  }
0x75: {  	_ =	shalt  }
0x76: {  	_ =	shalt  }
0x77: {  	_ =	shalt  }
0x78: {  	_ =	shalt  }
0x79: {  	_ =	shalt  }
0x7a: {  	_ =	shalt  }
0x7b: {  	_ =	shalt  }
0x7c: {  	_ =	shalt  }
0x7d: {  	_ =	shalt  }
0x7e: {  	_ =	shalt  }
0x7f: {  	_ =	shalt  }
0x80: {  	_ =	shalt  }
0x81: {  	_ =	shalt  }
0x82: {  	_ =	shalt  }
0x83: {  	_ =	shalt  }
0x84: {  	_ =	shalt  }
0x85: {  	_ =	shalt  }
0x86: {  	_ =	shalt  }
0x87: {  	_ =	shalt  }
.Lfunc_end0:
.L_simem_size_0:
called_computation.3_lowered:
.L_overlay_start_0:
0x88: {  	s2 =	sld [smem:$0x3FD9]  }
0x89: {  	s3 =	sld [smem:$0x3FFE];
	_ =	sdelay $0x1  }
0x8a: {  	s1 =	srdreg.scid  }
0x8b: {  	s0 =	sand.u32 $0x1, s1  }
0x8c: {  	s16 =	sshll.u32 s0, $0xA;
	s2 =	sadd.s32 s3, s2  }
0x8d: {  	s2 =	sadd.s32 s2, s16  }
0x8e: {  	[smem:$0x3FC0] =	sst s2  }
0x8f: {  	_ = 	snop  }
0x90: {  	(tm) =	ssettm $0x1  }
0x91: {  	s17 =	sld [smem:$0x3FFB];
	_ =	sdelay $0x3  }
0x92: {  	_ =	strace s17  }
0x93: {  	s2 =	sld [smem:$0x3FFC];
	_ =	sdelay $0x3  }
0x94: {  	_ =	strace s2  }
0x95: {  	s2 =	sld [smem:$0x3FFD];
	_ =	sdelay $0x3  }
0x96: {  	_ =	strace s2  }
0x97: {  	_ =	strace $0x8FFFFFFF  }
0x98: {  	s18 =	sld [smem:$0x3FDB];
	_ =	sdelay $0x1  }
0x99: {  	s19 =	simm.s32 $_scs_section_size  }
0x9a: {  	s4 =	simm.s32 $_size__tile_overlayer_lowered;
	s5 =	simm.s32 $_tile_overlayer_lowered  }
0x9b: {  	s22 =	simm.s32 $0x1BFF;
	s21 =	sshll.u32 s5, $0x1;
	s2 =	sadd.s32 s19, s18  }
0x9c: {  	s6 =	simm.s32 $0x0;
	s20 =	sshll.u32 s4, $0x1;
	s4 =	sadd.s32 s21, s2  }
0x9d: {  	[timem:s6], [sflag:s22] =	dma.local [hbm:s4], s20  }
0x9e: {  	_ =	swait.ge [sflag:s22], s20  }
0x9f: {  	s3 =	ssub.s32 $0x0, s20;
	[sflag:s22] =	ssyncset.done $0x0  }
0xa0: {  	[sflag:s22] =	ssyncadd.s32 s3;
	_ =	sdelay $0x1  }
0xa1: {  	s23 =	simm.s32 $0x1B8B  }
0xa2: {  	_ =	swait.ge [sflag:s23], $0x1  }
0xa3: {  	[sflag:s23] =	ssyncset.done $0x0  }
0xa4: {  	s25 =	simm.s32 $0x1B8E;
	s24 =	sld [smem:$0x3FFE];
	[sflag:s23] =	ssyncadd.s32 $0xFFFFFFFF  }
0xa5: {  	s26 =	simm.s32 $execute0_lowered;
	[smem:$0x3FD2] =	sst s25  }
0xa6: {  	s4 =	sshll.u32 s26, $0x1;
	_ =	strace $0x8000004F;
	[dreg:$0x1] =	wrdreg $0xFFFFFFFF  }
0xa7: {  	s28 =	simm.s32 $_size_execute0_lowered;
	s2 =	sadd.s32 s2, s4;
	[dreg:$0x0] =	wrdreg $0x0  }
0xa8: {  	s4 =	sshll.u32 s28, $0x1;
	[dreg:$0x2] =	wrdreg s2  }
0xa9: {  	[dreg:$0x3] =	wrdreg s4  }
0xaa: {  	[dreg:$0x4] =	wrdreg $0xC0  }
0xab: {  	_ =	task [dreg:s6], $0x5FFFF  }
0xac: {  	[dreg:$0x1] =	wrdreg $0xFFFFFFFF  }
0xad: {  	[dreg:$0x0] =	wrdreg $0x60  }
0xae: {  	[dreg:$0x2] =	wrdreg s24  }
0xaf: {  	[dreg:$0x3] =	wrdreg $0x150000  }
0xb0: {  	[dreg:$0x4] =	wrdreg $0x1A0000  }
0xb1: {  	[dreg:$0x5] =	wrdreg $0x9  }
0xb2: {  	_ =	task.clear_ibuf [dreg:s6], $0x6FFFF;
	_ =	strace $0x9000004F  }
0xb3: {  	s29 =	simm.s32 $0x9;
	_ =	strace $0x80000051  }
0xb4: {  	_ =	swait.ge [sflag:s29], $0x1  }
0xb5: {  	[sflag:s29] =	ssyncadd.s32 $0xFFFFFFFF  }
0xb6: {  	_ =	strace $0x90000051  }
0xb7: {  	_ =	sfence  }
0xb8: {  	s30 =	sld [smem:$0x0];
	_ =	sdelay $0x2  }
0xb9: {  	s31 =	sshll.u32 s1, $0xD;
	s1 =	sshrl.u32 s1, $0x2  }
0xba: {  	s3 =	sand.u32 $0x4000, s31;
	s1 =	sadd.s32 s1, s30  }
0xbb: {  	s0 =	sor.u32 s3, s0;
	s1 =	sshll.u32 s1, $0x11  }
0xbc: {  	s0 =	sor.u32 s1, s0  }
0xbd: {  	s0 =	sadd.s32 $0x8F2B, s0  }
0xbe: {  	[sflag:s0] =	ssyncadd.remote.s32 $0x1  }
0xbf: {  	_ =	sfence.sel $0xFFFF  }
0xc0: {  	[dreg:$0x0] =	wrdreg $0xFFFFFFFF;
	(pc) =	sbr.abs _section_cstart, $3  }
0xc1: {  	[dreg:$0x1] =	wrdreg $0xFFFFFFFF  }
0xc2: {  	_ =	task.clear_ibuf [dreg:s6], $0x2FFFF;
	_ =	strace $0x9FFFFFFF  }
0xc3: {  	(tm) =	ssettm $0x7FFFFFFF  }
tec
execute0_lowered:
.L_overlay_start_1:
0x0: {  	(tag) =	ssettag $0x1  }
0x1: {  	s0 =	rddreg [dreg:$0x0]  }
0x2: {  	s2 =	rddreg [dreg:$0x1];
	s1 =	srdreg.scid  }
0x3: {  	s3 =	rddreg [dreg:$0x2];
	s11 =	stileid.u32  }
0x4: {  	s4 =	simm.s32 $0x0;
	s14 =	simm.s32 $0x2800;
	s15 =	simm.s32 $0x5000  }
0x5: {  	s16 =	simm.s32 $0x3;
	s17 =	simm.s32 $0x2;
	s18 =	simm.s32 $0x1  }
0x6: {  	s19 =	simm.s32 $0x400;
	s20 =	simm.s32 $0xD000;
	s31 =	simm.s32 $0x3C00  }
0x7: {  	s21 =	simm.s32 $0x2000;
	s22 =	simm.s32 $0x4400;
	s23 =	simm.s32 $0x2400  }
0x8: {  	s24 =	simm.s32 $0x4800;
	s25 =	simm.s32 $0x4C00;
	s26 =	simm.s32 $0x0  }
0x9: {  	s1 =	sand.u32 $0x1, s1;
	s5 =	smul.u32 $0xA000, s11;
	[smem:$0x7FF] =	sst s4  }
0xa: {  	s6 =	sshll.u32 s1, $0x4;
	s7 =	smul.u32 $0xA0000, s1;
	_ =	strace $0x80000050  }
0xb: {  	s1 =	ssub.s32 $0x2, s1;
	s6 =	sor.u32 s11, s6;
	s8 =	sshrl.u32 s5, $0x4  }
0xc: {  	s30 =	sshrl.u32 s1, $0x1;
	s10 =	sshrl.u32 s5, $0x1;
	s6 =	smul.u32 $0x500, s6  }
0xd: {  	s8 =	sadd.s32 s8, s0;
	s7 =	sadd.s32 s5, s7;
	s1 =	ssub.s32 s1, s30  }
0xe: {  	s13 =	sadd.s32 s10, s2;
	s5 =	sshll.u32 s11, $0x6;
	s10 =	sadd.s32 s10, s3  }
0xf: {  	s29 =	sshrl.u32 s7, $0x4;
	s7 =	sor.u32 $0x1C01, s5;
	s12 =	smax.u32 s1, $0x1  }
0x10: {  	s13 =	sshrl.u32 s13, $0x3;
	s1 =	simm.s32 $0x4000;
	s9 =	sadd.s32 s6, s0  }
0x11: {  	s0 =	sadd.s32 s29, s0;
	s6 =	sadd.s32 $0x15E00, s8;
	s8 =	sadd.s32 $0xBE00, s9  }
0x12: {  	v0 =	vimm.bf16 $0.0e+00;
	s9 =	sadd.s32 $0x1E00, s9;
	s11 =	sadd.s32 $0x1FE00, s0;
	s0 =	simm.s32 $0x1C00  }
.LBB2_1:
0x13: {  	[spmem:s13], [sflag:s7] =	dma.local [hbm:s6], $0xA00  }
0x14: {  	[tilespmem:s4], [sflag:$0x2] =	stream.linear.gather [hbm4b:s8+s4], $0x2800, $0x38;
	[tilespmem:$0x1F000] =	vst v63  }
0x15: {  	s28 =	simm.s32 $0x80;
	s29 =	simm.s32 $0x0  }
0x16: {  	[tilespmem:s14], [sflag:$0x2] =	stream.linear.gather [hbm4b:s9+s4], $0x2800, $0x38;
	[tilespmem:$0x1F000] =	vst v63  }
.LBB2_2:
0x17: {  	p0 =	sne.s32 s28, $0x13F80;
	[tilespmem:s29+$0x5000] =	vst v0;
	s30 =	smov.u32 s28;
	s28 =	sadd.s32 $0x80, s28  }
.Ltmp0:
0x18: {  	[tilespmem:s29+$0x5010] =	vst v0;
	(pc) =	sbr.rel @p0 .LBB2_2-.Ltmp0, $2  }
0x19: {  	_ =	sdelay $0x2  }
0x1a: {  	s29 =	sshra.s32 s30, $0x2  }
0x1b: {  	[tilespmem:s29+$0x5000] =	vst v0  }
0x1c: {  	[tilespmem:s29+$0x5010] =	vst v0  }
0x1d: {  	[spmem:s10] =	stream.linear.scatter [tilespmem:s15], [sflag:$0x3], $0x5000, $0x38;
	[tilespmem:$0x1F000] =	vst v63  }
0x1e: {  	_ =	swait.ge [sflag:s16], $0x5000  }
0x1f: {  	[sflag:s16] =	ssyncset.done $0x0  }
0x20: {  	[sflag:s16] =	ssyncadd.s32 $0xFFFFB000  }
0x21: {  	_ =	swait.ge [sflag:s17], $0x2800  }
0x22: {  	[sflag:s17] =	ssyncset.done $0x0  }
0x23: {  	[sflag:s17] =	ssyncadd.s32 $0xFFFFD800  }
0x24: {  	_ =	swait.ge [sflag:s17], $0x2800  }
0x25: {  	[sflag:s17] =	ssyncset.done $0x0  }
0x26: {  	[sflag:s17] =	ssyncadd.s32 $0xFFFFD800  }
0x27: {  	_ =	swait.ge [sflag:s18], $0xA00  }
0x28: {  	[sflag:s18] =	ssyncset.done $0x0  }
0x29: {  	[sflag:s18] =	ssyncadd.s32 $0xFFFFF600  }
0x2a: {  	[bflag:$0x0] =	sbarrier.arrive $0xFFFF  }
0x2b: {  	[tilespmem:s15], [sflag:$0x1] =	stream.indirect.gather [spmem:s2], $0x20, s4, s19, $0xb8;
	[tilespmem:$0x1F000] =	vst v63  }
0x2c: {  	_ = 	snop  }
0x2d: {  	[tilespmem:s20], [sflag:$0x2] =	stream.indirect.gather [spmem:s2], $0x20, s19, s19, $0xb8;
	[tilespmem:$0x1F000] =	vst v63  }
0x2e: {  	_ =	swait.ge [sflag:s18], $0x8000  }
0x2f: {  	[sflag:s18] =	ssyncset.done $0x0  }
0x30: {  	[sflag:s18] =	ssyncadd.s32 $0xFFFF8000  }
0x31: {  	[spmem:s3] =	stream.indirect.scatter.add.bf16 [tilespmem:s15], [sflag:$0x3], $0x20, s14, s19, $0xb8;
	[tilespmem:$0x1F000] =	vst v63  }
0x32: {  	_ =	swait.ge [sflag:s16], $0x8000  }
0x33: {  	[sflag:s16] =	ssyncset.done $0x0  }
0x34: {  	s28 =	simm.s32 $0x800;
	[sflag:s16] =	ssyncadd.s32 $0xFFFF8000  }
0x35: {  	[tilespmem:s15], [sflag:$0x1] =	stream.indirect.gather [spmem:s2], $0x20, s28, s19, $0xb8;
	[tilespmem:$0x1F000] =	vst v63  }
0x36: {  	_ =	swait.ge [sflag:s17], $0x8000  }
0x37: {  	[sflag:s17] =	ssyncset.done $0x0  }
0x38: {  	s30 =	simm.s32 $0x2C00;
	[sflag:s17] =	ssyncadd.s32 $0xFFFF8000  }
0x39: {  	[spmem:s3] =	stream.indirect.scatter.add.bf16 [tilespmem:s20], [sflag:$0x3], $0x20, s30, s19, $0xb8;
	[tilespmem:$0x1F000] =	vst v63  }
0x3a: {  	_ =	swait.ge [sflag:s16], $0x8000  }
0x3b: {  	[sflag:s16] =	ssyncset.done $0x0  }
0x3c: {  	s29 =	simm.s32 $0xC00;
	[sflag:s16] =	ssyncadd.s32 $0xFFFF8000  }
0x3d: {  	[tilespmem:s20], [sflag:$0x2] =	stream.indirect.gather [spmem:s2], $0x20, s29, s19, $0xb8;
	[tilespmem:$0x1F000] =	vst v63  }
0x3e: {  	_ =	swait.ge [sflag:s18], $0x8000  }
0x3f: {  	[sflag:s18] =	ssyncset.done $0x0  }
0x40: {  	s30 =	simm.s32 $0x3000;
	[sflag:s18] =	ssyncadd.s32 $0xFFFF8000  }
0x41: {  	[spmem:s3] =	stream.indirect.scatter.add.bf16 [tilespmem:s15], [sflag:$0x3], $0x20, s30, s19, $0xb8;
	[tilespmem:$0x1F000] =	vst v63  }
0x42: {  	_ =	swait.ge [sflag:s16], $0x8000  }
0x43: {  	[sflag:s16] =	ssyncset.done $0x0  }
0x44: {  	s29 =	simm.s32 $0x1000;
	[sflag:s16] =	ssyncadd.s32 $0xFFFF8000  }
0x45: {  	[tilespmem:s15], [sflag:$0x1] =	stream.indirect.gather [spmem:s2], $0x20, s29, s19, $0xb8;
	[tilespmem:$0x1F000] =	vst v63  }
0x46: {  	_ =	swait.ge [sflag:s17], $0x8000  }
0x47: {  	[sflag:s17] =	ssyncset.done $0x0  }
0x48: {  	s30 =	simm.s32 $0x3400;
	[sflag:s17] =	ssyncadd.s32 $0xFFFF8000  }
0x49: {  	[spmem:s3] =	stream.indirect.scatter.add.bf16 [tilespmem:s20], [sflag:$0x3], $0x20, s30, s19, $0xb8;
	[tilespmem:$0x1F000] =	vst v63  }
0x4a: {  	_ =	swait.ge [sflag:s16], $0x8000  }
0x4b: {  	[sflag:s16] =	ssyncset.done $0x0  }
0x4c: {  	s29 =	simm.s32 $0x1400;
	[sflag:s16] =	ssyncadd.s32 $0xFFFF8000  }
0x4d: {  	[tilespmem:s20], [sflag:$0x2] =	stream.indirect.gather [spmem:s2], $0x20, s29, s19, $0xb8;
	[tilespmem:$0x1F000] =	vst v63  }
0x4e: {  	_ =	swait.ge [sflag:s18], $0x8000  }
0x4f: {  	[sflag:s18] =	ssyncset.done $0x0  }
0x50: {  	s30 =	simm.s32 $0x3800;
	[sflag:s18] =	ssyncadd.s32 $0xFFFF8000  }
0x51: {  	[spmem:s3] =	stream.indirect.scatter.add.bf16 [tilespmem:s15], [sflag:$0x3], $0x20, s30, s19, $0xb8;
	[tilespmem:$0x1F000] =	vst v63  }
0x52: {  	_ =	swait.ge [sflag:s16], $0x8000  }
0x53: {  	[sflag:s16] =	ssyncset.done $0x0  }
0x54: {  	s29 =	simm.s32 $0x1800;
	[sflag:s16] =	ssyncadd.s32 $0xFFFF8000  }
0x55: {  	[tilespmem:s15], [sflag:$0x1] =	stream.indirect.gather [spmem:s2], $0x20, s29, s19, $0xb8;
	[tilespmem:$0x1F000] =	vst v63  }
0x56: {  	_ =	swait.ge [sflag:s17], $0x8000  }
0x57: {  	[sflag:s17] =	ssyncset.done $0x0  }
0x58: {  	[sflag:s17] =	ssyncadd.s32 $0xFFFF8000  }
0x59: {  	[spmem:s3] =	stream.indirect.scatter.add.bf16 [tilespmem:s20], [sflag:$0x3], $0x20, s31, s19, $0xb8;
	[tilespmem:$0x1F000] =	vst v63  }
0x5a: {  	_ =	swait.ge [sflag:s16], $0x8000  }
0x5b: {  	[sflag:s16] =	ssyncset.done $0x0  }
0x5c: {  	[sflag:s16] =	ssyncadd.s32 $0xFFFF8000  }
0x5d: {  	[tilespmem:s20], [sflag:$0x2] =	stream.indirect.gather [spmem:s2], $0x20, s0, s19, $0xb8;
	[tilespmem:$0x1F000] =	vst v63  }
0x5e: {  	_ =	swait.ge [sflag:s18], $0x8000  }
0x5f: {  	[sflag:s18] =	ssyncset.done $0x0  }
0x60: {  	[sflag:s18] =	ssyncadd.s32 $0xFFFF8000  }
0x61: {  	[spmem:s3] =	stream.indirect.scatter.add.bf16 [tilespmem:s15], [sflag:$0x3], $0x20, s1, s19, $0xb8;
	[tilespmem:$0x1F000] =	vst v63  }
0x62: {  	_ =	swait.ge [sflag:s16], $0x8000  }
0x63: {  	[sflag:s16] =	ssyncset.done $0x0  }
0x64: {  	[sflag:s16] =	ssyncadd.s32 $0xFFFF8000  }
0x65: {  	[tilespmem:s15], [sflag:$0x1] =	stream.indirect.gather [spmem:s2], $0x20, s21, s19, $0xb8;
	[tilespmem:$0x1F000] =	vst v63  }
0x66: {  	_ =	swait.ge [sflag:s17], $0x8000  }
0x67: {  	[sflag:s17] =	ssyncset.done $0x0  }
0x68: {  	[sflag:s17] =	ssyncadd.s32 $0xFFFF8000  }
0x69: {  	[spmem:s3] =	stream.indirect.scatter.add.bf16 [tilespmem:s20], [sflag:$0x3], $0x20, s22, s19, $0xb8;
	[tilespmem:$0x1F000] =	vst v63  }
0x6a: {  	_ =	swait.ge [sflag:s16], $0x8000  }
0x6b: {  	[sflag:s16] =	ssyncset.done $0x0  }
0x6c: {  	[sflag:s16] =	ssyncadd.s32 $0xFFFF8000  }
0x6d: {  	[tilespmem:s20], [sflag:$0x2] =	stream.indirect.gather [spmem:s2], $0x20, s23, s19, $0xb8;
	[tilespmem:$0x1F000] =	vst v63  }
0x6e: {  	_ =	swait.ge [sflag:s18], $0x8000  }
0x6f: {  	[sflag:s18] =	ssyncset.done $0x0  }
0x70: {  	[sflag:s18] =	ssyncadd.s32 $0xFFFF8000  }
0x71: {  	[spmem:s3] =	stream.indirect.scatter.add.bf16 [tilespmem:s15], [sflag:$0x3], $0x20, s24, s19, $0xb8;
	[tilespmem:$0x1F000] =	vst v63  }
0x72: {  	_ =	swait.ge [sflag:s16], $0x8000  }
0x73: {  	[sflag:s16] =	ssyncset.done $0x0  }
0x74: {  	[sflag:s16] =	ssyncadd.s32 $0xFFFF8000  }
0x75: {  	_ =	swait.ge [sflag:s17], $0x8000  }
0x76: {  	[sflag:s17] =	ssyncset.done $0x0  }
0x77: {  	[sflag:s17] =	ssyncadd.s32 $0xFFFF8000  }
0x78: {  	[spmem:s3] =	stream.indirect.scatter.add.bf16 [tilespmem:s20], [sflag:$0x3], $0x20, s25, s19, $0xb8;
	[tilespmem:$0x1F000] =	vst v63  }
0x79: {  	_ =	swait.ge [sflag:s16], $0x8000  }
0x7a: {  	s26 =	sadd.s32 $0x1, s26;
	[sflag:s16] =	ssyncset.done $0x0  }
0x7b: {  	p0 =	sne.s32 s26, s12;
	s28 =	sor.u32 $0x1C03, s5;
	[sflag:s16] =	ssyncadd.s32 $0xFFFF8000  }
.Ltmp1:
0x7c: {  	s30 =	sshrl.u32 s10, $0x3;
	[bflag:$0x0] =	sbarrier.arrive $0xFFFF;
	(pc) =	sbr.rel @p0 .LBB2_1-.Ltmp1, $4  }
0x7d: {  	[hbm:s11], [sflag:s28] =	dma.local [spmem:s30], $0xA00  }
0x7e: {  	_ =	swait.ge [sflag:s16], $0xA00  }
0x7f: {  	[sflag:s16] =	ssyncset.done $0x0  }
0x80: {  	[sflag:s16] =	ssyncadd.s32 $0xFFFFF600  }
0x81: {  	_ =	sfence.sel $0x180000  }
0x82: {  	[bflag:$0x0] =	sbarrier.arrive $0xFFFF  }
0x83: {  	_ =	strace $0x90000050  }
0x84: {  	s0 =	stileid.u32;
	[bflag:$0x2] =	sbarrier.arrive $0xFFFF  }
0x85: {  	p0 =	sne.s32 s0, $0x0;
	s0 =	rddreg [dreg:$0x3]  }
0x86: {  	s0 =	sadd.s32 @!p0 $0x100000, s0  }
0x87: {  	[sflag:s0] =	ssyncadd.tile.s32 @!p0 $0x1;
	_ =	shalt  }
.Lfunc_end2:
_tile_overlayer_lowered:
.L_overlay_start_2:
0x88: {  	(tag) =	ssettag $0x2  }
0x89: {  	s0 =	rddreg [dreg:$0x0];
	s2 =	stileid.u32  }
0x8a: {  	s1 =	rddreg [dreg:$0x1];
	p0 =	sne.s32 s2, $0x0  }
0x8b: {  	s3 =	rddreg [dreg:$0x2];
	[bflag:$0x3] =	sbarrier.arrive $0xFFFF;
	s2 =	simm.s32 @!p0 $0x1C03  }
0x8c: {  	[timem:s3], [sflag:s2] =	dma.local @!p0 [hbm:s0], s1  }
0x8d: {  	s0 =	simm.s32 @!p0 $0x3  }
0x8e: {  	_ =	swait.ge @!p0 [sflag:s0], s1  }
0x8f: {  	s1 =	ssub.s32 @!p0 $0x0, s1;
	[sflag:s0] =	ssyncset.done @!p0 $0x0  }
0x90: {  	[sflag:s0] =	ssyncadd.s32 @!p0 s1  }
0x91: {  	[bflag:$0x3] =	sbarrier.arrive $0xFFFF  }
0x92: {  	_ =	shalt  }

</sc_bundles>
